<compile_context>
chip_gen: v7x
topology: tpu7x:2x2x1
jax: 0.10.2.dev20260603
libtpu: 0.0.44.dev20260713+nightly
codegen_flags: <defaults>
</compile_context>

<pallas_src>
import functools
import math

import jax
import jax.numpy as jnp
from jax import lax
from jax.experimental import pallas as pl
from jax.experimental.pallas import tpu as pltpu
from jax.experimental.pallas import tpu_sc as plsc

D_MODEL = 64
LANES = 16
SUB = 100


@functools.cache
def _build(B0: int, B1: int, V: int, D: int):
    info = plsc.get_sparse_core_info()
    nc, ns = info.num_cores, info.num_subcores
    nw = nc * ns
    rows_per_w = B0 // nw
    scale = math.sqrt(D)
    orows = B1 * D // 1600
    per_j = SUB * D // 1600

    mesh = plsc.VectorSubcoreMesh(core_axis_name="c", subcore_axis_name="s")

    @functools.partial(
        pl.kernel,
        out_type=jax.ShapeDtypeStruct((B0, orows, 1600), jnp.float32),
        mesh=mesh,
        scratch_types=(
            [pltpu.VMEM((rows_per_w, SUB), jnp.int32) for _ in range(2)]
            + [pltpu.VMEM((SUB, 128), jnp.float32) for _ in range(4)]
            + [pltpu.VMEM((orows, 1600), jnp.float32) for _ in range(2)]
            + [pltpu.SemaphoreType.DMA for _ in range(6)]
        ),
        compiler_params=pltpu.CompilerParams(
            use_tc_tiling_on_sc=True, needs_layout_passes=False
        ),
    )
    def emb(i0_hbm, i1_hbm, tbl_hbm, out_hbm, *scratch):
        idx_hbm = (i0_hbm, i1_hbm)
        idx_v = scratch[0:2]
        gbuf = scratch[2:6]
        obuf = scratch[6:8]
        gsem = scratch[8:12]
        osem = scratch[12:14]

        wid = lax.axis_index("s") * nc + lax.axis_index("c")
        row0 = wid * rows_per_w
        for h in range(2):
            pltpu.sync_copy(
                idx_hbm[h].at[pl.ds(row0, rows_per_w)], idx_v[h]
            )

        def start_gather(r, h, b):
            pltpu.async_copy(
                tbl_hbm.at[idx_v[h].at[r]], gbuf[b], gsem[b]
            )

        def wait_gather(r, h, b):
            pltpu.make_async_copy(
                tbl_hbm.at[idx_v[h].at[r]], gbuf[b], gsem[b]
            ).wait()

        def wait_out(ob):
            pltpu.make_async_copy(
                obuf[ob], out_hbm.at[0], osem[ob]
            ).wait()

        for rr in range(2):
            for h in range(2):
                start_gather(rr, h, 2 * rr + h)

        def outer(i, carry):
            for rr in range(2):
                r = 2 * i + rr

                @pl.when(r >= 2)
                def _():
                    wait_out(rr)

                for h in range(2):
                    b = 2 * rr + h
                    wait_gather(r, h, b)

                    def sel_j(j, _gb=gbuf[b], _ob=obuf[rr], _h=h):
                        for a in range(per_j):
                            k = 25 * a + j
                            for c in range(D // LANES):
                                _ob[
                                    per_j * _h + a,
                                    pl.ds(j * D + c * LANES, LANES),
                                ] = _gb[k, pl.ds(c * LANES, LANES)] * scale

                    plsc.parallel_loop(0, 1600 // D, 1, unroll=1)(sel_j)

                    @pl.when(r + 2 < rows_per_w)
                    def _():
                        start_gather(r + 2, h, b)

                pltpu.async_copy(
                    obuf[rr], out_hbm.at[row0 + r], osem[rr]
                )
            return carry

        lax.fori_loop(0, rows_per_w // 2, outer, 0)

        for ob in range(2):
            wait_out(ob)

    return emb


def kernel(x, table):
    b0, b1 = x.shape
    V, D = table.shape
    xi = x.astype(jnp.int32)
    out = _build(b0, b1, V, D)(
        xi[:, :SUB],
        xi[:, SUB:],
        jnp.pad(table, ((0, 0), (0, 128 - D))),
    )
    return out.reshape(b0, b1, D)

# --- scband reference (transcript-rebuilt; emitter-appended) ---
"""Pipeline reference for scband-embedding-44332652429760 (READ-ONLY COPY).

The authoritative reference and input builder live on the scoring server;
editing this copy changes nothing except your own understanding.
"""

import jax, jax.numpy as jnp
import numpy as np
import math

D_MODEL = 64
VOCAB = 1000000

def setup_inputs(seed: int = 0) -> dict:
    key = jax.random.key(seed)
    k1, k2 = jax.random.split(key)
    x = jax.random.randint(k1, (4096, 200), 0, VOCAB, dtype=jnp.int64)
    table = jax.random.normal(k2, (VOCAB, D_MODEL), dtype=jnp.float32)
    return {"x": x, "table": table}

def reference(x, table):
    # Faithful translation of: self.lookup_table(x) * math.sqrt(self.d_model)
    emb = jnp.take(table, x, axis=0)
    return emb * math.sqrt(D_MODEL)

if __name__ == "__main__":
    import jax
    _d = setup_inputs()
    print(jax.jit(kernel)(*tuple(_d.values())))

</pallas_src>

<mosaic_0001>
#map = affine_map<(d0, d1) -> (0, 0)>
#map1 = affine_map<(d0, d1) -> (0, 0, 0)>
module attributes {stable_mosaic.version = 14 : i64} {
  func.func @emb(%arg0: i32, %arg1: i32, %arg2: memref<4096x100xi32, #tpu.memory_space<hbm>>, %arg3: memref<4096x100xi32, #tpu.memory_space<hbm>>, %arg4: memref<1000000x128xf32, #tpu.memory_space<hbm>>, %arg5: memref<4096x8x1600xf32, #tpu.memory_space<hbm>>, %arg6: memref<128x100xi32, #tpu.memory_space<vmem>>, %arg7: memref<128x100xi32, #tpu.memory_space<vmem>>, %arg8: memref<100x128xf32, #tpu.memory_space<vmem>>, %arg9: memref<100x128xf32, #tpu.memory_space<vmem>>, %arg10: memref<100x128xf32, #tpu.memory_space<vmem>>, %arg11: memref<100x128xf32, #tpu.memory_space<vmem>>, %arg12: memref<8x1600xf32, #tpu.memory_space<vmem>>, %arg13: memref<8x1600xf32, #tpu.memory_space<vmem>>, %arg14: memref<!tpu.dma_semaphore, #tpu.memory_space<semaphore_mem>>, %arg15: memref<!tpu.dma_semaphore, #tpu.memory_space<semaphore_mem>>, %arg16: memref<!tpu.dma_semaphore, #tpu.memory_space<semaphore_mem>>, %arg17: memref<!tpu.dma_semaphore, #tpu.memory_space<semaphore_mem>>, %arg18: memref<!tpu.dma_semaphore, #tpu.memory_space<semaphore_mem>>, %arg19: memref<!tpu.dma_semaphore, #tpu.memory_space<semaphore_mem>>) attributes {dimension_semantics = [#tpu.dimension_semantics<core_parallel>, #tpu.dimension_semantics<subcore_parallel>], iteration_bounds = array<i64: 2, 16>, scalar_prefetch = 0 : i64, scratch_operands = 14 : i64, tpu.core_type = #tpu.core_type<sc_vector_subcore>, window_params = [{transform_indices = #map}, {transform_indices = #map}, {transform_indices = #map}, {transform_indices = #map1}]} {
    %mul3A = arith.constant 2 : i32
    %mul3A_0 = arith.muli %arg1, %mul3A : i32
    %add3A = arith.addi %mul3A_0, %arg0 : i32
    %mul3A_1 = arith.constant 128 : i32
    %mul3A_2 = arith.muli %add3A, %mul3A_1 : i32
    "tpu.region"() ({
      %run_scoped3A = tpu.sem_alloc : memref<!tpu.dma_semaphore, #tpu.memory_space<semaphore_mem>>
      %dma_start3A_52 = arith.constant 0 : i32
      %dma_start3A_53 = tpu.memref_slice %arg2[%mul3A_2, %dma_start3A_52] : memref<4096x100xi32, #tpu.memory_space<hbm>> -> memref<128x100xi32, #tpu.memory_space<hbm>>
      %dma_start3A_54 = arith.constant 0 : i32
      %dma_start3A_55 = tpu.memref_slice %arg2[%mul3A_2, %dma_start3A_54] : memref<4096x100xi32, #tpu.memory_space<hbm>> -> memref<128x100xi32, #tpu.memory_space<hbm>>
      tpu.enqueue_dma source(%dma_start3A_55 : memref<128x100xi32, #tpu.memory_space<hbm>>) target(%arg6 : memref<128x100xi32, #tpu.memory_space<vmem>>) target_semaphore(%run_scoped3A : memref<!tpu.dma_semaphore, #tpu.memory_space<semaphore_mem>>)
      %dma_wait3A_56 = arith.constant 0 : i32
      %dma_wait3A_57 = tpu.memref_slice %arg2[%mul3A_2, %dma_wait3A_56] : memref<4096x100xi32, #tpu.memory_space<hbm>> -> memref<128x100xi32, #tpu.memory_space<hbm>>
      %dma_wait3A_58 = arith.constant 0 : i32
      %dma_wait3A_59 = tpu.memref_slice %arg2[%mul3A_2, %dma_wait3A_58] : memref<4096x100xi32, #tpu.memory_space<hbm>> -> memref<128x100xi32, #tpu.memory_space<hbm>>
      tpu.wait_dma2 semaphore(%run_scoped3A : memref<!tpu.dma_semaphore, #tpu.memory_space<semaphore_mem>>) src(%dma_wait3A_59 : memref<128x100xi32, #tpu.memory_space<hbm>>) dst(%arg6 : memref<128x100xi32, #tpu.memory_space<vmem>>)
      tpu.yield
    }) : () -> ()
    "tpu.region"() ({
      %run_scoped3A = tpu.sem_alloc : memref<!tpu.dma_semaphore, #tpu.memory_space<semaphore_mem>>
      %dma_start3A_52 = arith.constant 0 : i32
      %dma_start3A_53 = tpu.memref_slice %arg3[%mul3A_2, %dma_start3A_52] : memref<4096x100xi32, #tpu.memory_space<hbm>> -> memref<128x100xi32, #tpu.memory_space<hbm>>
      %dma_start3A_54 = arith.constant 0 : i32
      %dma_start3A_55 = tpu.memref_slice %arg3[%mul3A_2, %dma_start3A_54] : memref<4096x100xi32, #tpu.memory_space<hbm>> -> memref<128x100xi32, #tpu.memory_space<hbm>>
      tpu.enqueue_dma source(%dma_start3A_55 : memref<128x100xi32, #tpu.memory_space<hbm>>) target(%arg7 : memref<128x100xi32, #tpu.memory_space<vmem>>) target_semaphore(%run_scoped3A : memref<!tpu.dma_semaphore, #tpu.memory_space<semaphore_mem>>)
      %dma_wait3A_56 = arith.constant 0 : i32
      %dma_wait3A_57 = tpu.memref_slice %arg3[%mul3A_2, %dma_wait3A_56] : memref<4096x100xi32, #tpu.memory_space<hbm>> -> memref<128x100xi32, #tpu.memory_space<hbm>>
      %dma_wait3A_58 = arith.constant 0 : i32
      %dma_wait3A_59 = tpu.memref_slice %arg3[%mul3A_2, %dma_wait3A_58] : memref<4096x100xi32, #tpu.memory_space<hbm>> -> memref<128x100xi32, #tpu.memory_space<hbm>>
      tpu.wait_dma2 semaphore(%run_scoped3A : memref<!tpu.dma_semaphore, #tpu.memory_space<semaphore_mem>>) src(%dma_wait3A_59 : memref<128x100xi32, #tpu.memory_space<hbm>>) dst(%arg7 : memref<128x100xi32, #tpu.memory_space<vmem>>)
      tpu.yield
    }) : () -> ()
    %dma_start3A = arith.constant 0 : i32
    %dma_start3A_3 = arith.constant 0 : i32
    %dma_start3A_4 = tpu.memref_slice %arg6[%dma_start3A, %dma_start3A_3] : memref<128x100xi32, #tpu.memory_space<vmem>> -> memref<1x100xi32, #tpu.memory_space<vmem>>
    %dma_start3A_5 = tpu.memref_squeeze %dma_start3A_4 : memref<1x100xi32, #tpu.memory_space<vmem>> -> memref<100xi32, #tpu.memory_space<vmem>>
    %dma_start3A_6 = arith.constant 0 : i32
    %dma_start3A_7 = arith.constant 0 : i32
    %dma_start3A_8 = tpu.memref_slice %arg4[%dma_start3A_6, %dma_start3A_7] : memref<1000000x128xf32, #tpu.memory_space<hbm>> -> memref<1000000x128xf32, #tpu.memory_space<hbm>>
    tpu.enqueue_indirect_dma source(%dma_start3A_8 : memref<1000000x128xf32, #tpu.memory_space<hbm>>) target(%arg8 : memref<100x128xf32, #tpu.memory_space<vmem>>) offsets(%dma_start3A_5 : memref<100xi32, #tpu.memory_space<vmem>>) semaphore(%arg14 : memref<!tpu.dma_semaphore, #tpu.memory_space<semaphore_mem>>)
    %dma_start3A_9 = arith.constant 0 : i32
    %dma_start3A_10 = arith.constant 0 : i32
    %dma_start3A_11 = tpu.memref_slice %arg7[%dma_start3A_9, %dma_start3A_10] : memref<128x100xi32, #tpu.memory_space<vmem>> -> memref<1x100xi32, #tpu.memory_space<vmem>>
    %dma_start3A_12 = tpu.memref_squeeze %dma_start3A_11 : memref<1x100xi32, #tpu.memory_space<vmem>> -> memref<100xi32, #tpu.memory_space<vmem>>
    %dma_start3A_13 = arith.constant 0 : i32
    %dma_start3A_14 = arith.constant 0 : i32
    %dma_start3A_15 = tpu.memref_slice %arg4[%dma_start3A_13, %dma_start3A_14] : memref<1000000x128xf32, #tpu.memory_space<hbm>> -> memref<1000000x128xf32, #tpu.memory_space<hbm>>
    tpu.enqueue_indirect_dma source(%dma_start3A_15 : memref<1000000x128xf32, #tpu.memory_space<hbm>>) target(%arg9 : memref<100x128xf32, #tpu.memory_space<vmem>>) offsets(%dma_start3A_12 : memref<100xi32, #tpu.memory_space<vmem>>) semaphore(%arg15 : memref<!tpu.dma_semaphore, #tpu.memory_space<semaphore_mem>>)
    %dma_start3A_16 = arith.constant 1 : i32
    %dma_start3A_17 = arith.constant 0 : i32
    %dma_start3A_18 = tpu.memref_slice %arg6[%dma_start3A_16, %dma_start3A_17] : memref<128x100xi32, #tpu.memory_space<vmem>> -> memref<1x100xi32, #tpu.memory_space<vmem>>
    %dma_start3A_19 = tpu.memref_squeeze %dma_start3A_18 : memref<1x100xi32, #tpu.memory_space<vmem>> -> memref<100xi32, #tpu.memory_space<vmem>>
    %dma_start3A_20 = arith.constant 0 : i32
    %dma_start3A_21 = arith.constant 0 : i32
    %dma_start3A_22 = tpu.memref_slice %arg4[%dma_start3A_20, %dma_start3A_21] : memref<1000000x128xf32, #tpu.memory_space<hbm>> -> memref<1000000x128xf32, #tpu.memory_space<hbm>>
    tpu.enqueue_indirect_dma source(%dma_start3A_22 : memref<1000000x128xf32, #tpu.memory_space<hbm>>) target(%arg10 : memref<100x128xf32, #tpu.memory_space<vmem>>) offsets(%dma_start3A_19 : memref<100xi32, #tpu.memory_space<vmem>>) semaphore(%arg16 : memref<!tpu.dma_semaphore, #tpu.memory_space<semaphore_mem>>)
    %dma_start3A_23 = arith.constant 1 : i32
    %dma_start3A_24 = arith.constant 0 : i32
    %dma_start3A_25 = tpu.memref_slice %arg7[%dma_start3A_23, %dma_start3A_24] : memref<128x100xi32, #tpu.memory_space<vmem>> -> memref<1x100xi32, #tpu.memory_space<vmem>>
    %dma_start3A_26 = tpu.memref_squeeze %dma_start3A_25 : memref<1x100xi32, #tpu.memory_space<vmem>> -> memref<100xi32, #tpu.memory_space<vmem>>
    %dma_start3A_27 = arith.constant 0 : i32
    %dma_start3A_28 = arith.constant 0 : i32
    %dma_start3A_29 = tpu.memref_slice %arg4[%dma_start3A_27, %dma_start3A_28] : memref<1000000x128xf32, #tpu.memory_space<hbm>> -> memref<1000000x128xf32, #tpu.memory_space<hbm>>
    tpu.enqueue_indirect_dma source(%dma_start3A_29 : memref<1000000x128xf32, #tpu.memory_space<hbm>>) target(%arg11 : memref<100x128xf32, #tpu.memory_space<vmem>>) offsets(%dma_start3A_26 : memref<100xi32, #tpu.memory_space<vmem>>) semaphore(%arg17 : memref<!tpu.dma_semaphore, #tpu.memory_space<semaphore_mem>>)
    %scan3A = arith.constant 0 : i32
    %scan3A_30 = arith.constant 0 : i32
    %scan3A_31 = arith.constant 64 : i32
    %scan3A_32 = arith.addi %scan3A_30, %scan3A_31 : i32
    %scan3A_33 = arith.constant 1 : i32
    scf.for %scan3A_52 = %scan3A_30 to %scan3A_32 step %scan3A_33  : i32 {
      %mul3A_53 = arith.constant 2 : i32
      %mul3A_54 = arith.muli %mul3A_53, %scan3A_52 : i32
      %add3A_55 = arith.constant 0 : i32
      %add3A_56 = arith.addi %mul3A_54, %add3A_55 : i32
      %ge3A = arith.constant 2 : i32
      %ge3A_57 = arith.cmpi sge, %add3A_56, %ge3A : i32
      %convert_element_type3A = arith.extui %ge3A_57 : i1 to i32
      %cond3A = arith.constant 0 : i32
      %cond3A_58 = arith.cmpi ne, %convert_element_type3A, %cond3A : i32
      scf.if %cond3A_58 {
        %dma_wait3A_148 = arith.constant 0 : i32
        %dma_wait3A_149 = arith.constant 0 : i32
        %dma_wait3A_150 = arith.constant 0 : i32
        %dma_wait3A_151 = tpu.memref_slice %arg5[%dma_wait3A_148, %dma_wait3A_149, %dma_wait3A_150] : memref<4096x8x1600xf32, #tpu.memory_space<hbm>> -> memref<1x8x1600xf32, #tpu.memory_space<hbm>>
        %dma_wait3A_152 = tpu.memref_squeeze %dma_wait3A_151 : memref<1x8x1600xf32, #tpu.memory_space<hbm>> -> memref<8x1600xf32, #tpu.memory_space<hbm>>
        %dma_wait3A_153 = arith.constant 0 : i32
        %dma_wait3A_154 = arith.constant 0 : i32
        %dma_wait3A_155 = tpu.memref_slice %arg5[%dma_wait3A_148, %dma_wait3A_153, %dma_wait3A_154] : memref<4096x8x1600xf32, #tpu.memory_space<hbm>> -> memref<1x8x1600xf32, #tpu.memory_space<hbm>>
        %dma_wait3A_156 = tpu.memref_squeeze %dma_wait3A_155 : memref<1x8x1600xf32, #tpu.memory_space<hbm>> -> memref<8x1600xf32, #tpu.memory_space<hbm>>
        tpu.wait_dma2 semaphore(%arg18 : memref<!tpu.dma_semaphore, #tpu.memory_space<semaphore_mem>>) src(%arg12 : memref<8x1600xf32, #tpu.memory_space<vmem>>) dst(%dma_wait3A_156 : memref<8x1600xf32, #tpu.memory_space<hbm>>)
      } else {
      }
      %dma_wait3A_59 = arith.constant 0 : i32
      %dma_wait3A_60 = tpu.memref_slice %arg6[%add3A_56, %dma_wait3A_59] : memref<128x100xi32, #tpu.memory_space<vmem>> -> memref<1x100xi32, #tpu.memory_space<vmem>>
      %dma_wait3A_61 = tpu.memref_squeeze %dma_wait3A_60 : memref<1x100xi32, #tpu.memory_space<vmem>> -> memref<100xi32, #tpu.memory_space<vmem>>
      %dma_wait3A_62 = arith.constant 0 : i32
      %dma_wait3A_63 = arith.constant 0 : i32
      %dma_wait3A_64 = tpu.memref_slice %arg4[%dma_wait3A_62, %dma_wait3A_63] : memref<1000000x128xf32, #tpu.memory_space<hbm>> -> memref<1000000x128xf32, #tpu.memory_space<hbm>>
      tpu.wait_indirect_dma semaphore(%arg14 : memref<!tpu.dma_semaphore, #tpu.memory_space<semaphore_mem>>) src(%dma_wait3A_64 : memref<1000000x128xf32, #tpu.memory_space<hbm>>) dst(%arg8 : memref<100x128xf32, #tpu.memory_space<vmem>>)
      %parallel_loop3A = arith.constant 0 : i32
      %parallel_loop3A_65 = arith.constant 25 : i32
      %parallel_loop3A_66 = arith.constant 1 : i32
      scf.for %parallel_loop3A_148 = %parallel_loop3A to %parallel_loop3A_65 step %parallel_loop3A_66  : i32 {
        %parallel_loop3A_149 = arith.constant 0 : i32
        %parallel_loop3A_150 = arith.addi %parallel_loop3A_149, %parallel_loop3A_148 : i32
        %parallel_loop3A_151 = arith.index_cast %parallel_loop3A_150 : i32 to index
        %parallel_loop3A_152 = arith.constant 0 : index
        %parallel_loop3A_153 = tpu.vector_load %arg8[%parallel_loop3A_151, %parallel_loop3A_152] {strides = array<i32>} : memref<100x128xf32, #tpu.memory_space<vmem>>, vector<16xf32>,
        %parallel_loop3A_154 = arith.constant 8.000000e+00 : f32
        %parallel_loop3A_155 = vector.broadcast %parallel_loop3A_154 : f32 to vector<16xf32>
        %parallel_loop3A_156 = arith.mulf %parallel_loop3A_153, %parallel_loop3A_155 : vector<16xf32>
        %parallel_loop3A_157 = arith.constant 64 : i32
        %parallel_loop3A_158 = arith.muli %parallel_loop3A_148, %parallel_loop3A_157 : i32
        %parallel_loop3A_159 = arith.constant 0 : i32
        %parallel_loop3A_160 = arith.addi %parallel_loop3A_158, %parallel_loop3A_159 : i32
        %parallel_loop3A_161 = arith.constant 0 : i32
        %parallel_loop3A_162 = arith.index_cast %parallel_loop3A_161 : i32 to index
        %parallel_loop3A_163 = arith.index_cast %parallel_loop3A_160 : i32 to index
        %parallel_loop3A_164 = tpu.vector_load %arg12[%parallel_loop3A_162, %parallel_loop3A_163] {strides = array<i32>} : memref<8x1600xf32, #tpu.memory_space<vmem>>, vector<16xf32>,
        tpu.vector_store %arg12[%parallel_loop3A_162, %parallel_loop3A_163], %parallel_loop3A_156 {strides = array<i32>} : memref<8x1600xf32, #tpu.memory_space<vmem>>, vector<16xf32>,
        %parallel_loop3A_165 = arith.index_cast %parallel_loop3A_150 : i32 to index
        %parallel_loop3A_166 = arith.constant 16 : index
        %parallel_loop3A_167 = tpu.vector_load %arg8[%parallel_loop3A_165, %parallel_loop3A_166] {strides = array<i32>} : memref<100x128xf32, #tpu.memory_space<vmem>>, vector<16xf32>,
        %parallel_loop3A_168 = arith.constant 8.000000e+00 : f32
        %parallel_loop3A_169 = vector.broadcast %parallel_loop3A_168 : f32 to vector<16xf32>
        %parallel_loop3A_170 = arith.mulf %parallel_loop3A_167, %parallel_loop3A_169 : vector<16xf32>
        %parallel_loop3A_171 = arith.constant 64 : i32
        %parallel_loop3A_172 = arith.muli %parallel_loop3A_148, %parallel_loop3A_171 : i32
        %parallel_loop3A_173 = arith.constant 16 : i32
        %parallel_loop3A_174 = arith.addi %parallel_loop3A_172, %parallel_loop3A_173 : i32
        %parallel_loop3A_175 = arith.constant 0 : i32
        %parallel_loop3A_176 = arith.index_cast %parallel_loop3A_175 : i32 to index
        %parallel_loop3A_177 = arith.index_cast %parallel_loop3A_174 : i32 to index
        %parallel_loop3A_178 = tpu.vector_load %arg12[%parallel_loop3A_176, %parallel_loop3A_177] {strides = array<i32>} : memref<8x1600xf32, #tpu.memory_space<vmem>>, vector<16xf32>,
        tpu.vector_store %arg12[%parallel_loop3A_176, %parallel_loop3A_177], %parallel_loop3A_170 {strides = array<i32>} : memref<8x1600xf32, #tpu.memory_space<vmem>>, vector<16xf32>,
        %parallel_loop3A_179 = arith.index_cast %parallel_loop3A_150 : i32 to index
        %parallel_loop3A_180 = arith.constant 32 : index
        %parallel_loop3A_181 = tpu.vector_load %arg8[%parallel_loop3A_179, %parallel_loop3A_180] {strides = array<i32>} : memref<100x128xf32, #tpu.memory_space<vmem>>, vector<16xf32>,
        %parallel_loop3A_182 = arith.constant 8.000000e+00 : f32
        %parallel_loop3A_183 = vector.broadcast %parallel_loop3A_182 : f32 to vector<16xf32>
        %parallel_loop3A_184 = arith.mulf %parallel_loop3A_181, %parallel_loop3A_183 : vector<16xf32>
        %parallel_loop3A_185 = arith.constant 64 : i32
        %parallel_loop3A_186 = arith.muli %parallel_loop3A_148, %parallel_loop3A_185 : i32
        %parallel_loop3A_187 = arith.constant 32 : i32
        %parallel_loop3A_188 = arith.addi %parallel_loop3A_186, %parallel_loop3A_187 : i32
        %parallel_loop3A_189 = arith.constant 0 : i32
        %parallel_loop3A_190 = arith.index_cast %parallel_loop3A_189 : i32 to index
        %parallel_loop3A_191 = arith.index_cast %parallel_loop3A_188 : i32 to index
        %parallel_loop3A_192 = tpu.vector_load %arg12[%parallel_loop3A_190, %parallel_loop3A_191] {strides = array<i32>} : memref<8x1600xf32, #tpu.memory_space<vmem>>, vector<16xf32>,
        tpu.vector_store %arg12[%parallel_loop3A_190, %parallel_loop3A_191], %parallel_loop3A_184 {strides = array<i32>} : memref<8x1600xf32, #tpu.memory_space<vmem>>, vector<16xf32>,
        %parallel_loop3A_193 = arith.index_cast %parallel_loop3A_150 : i32 to index
        %parallel_loop3A_194 = arith.constant 48 : index
        %parallel_loop3A_195 = tpu.vector_load %arg8[%parallel_loop3A_193, %parallel_loop3A_194] {strides = array<i32>} : memref<100x128xf32, #tpu.memory_space<vmem>>, vector<16xf32>,
        %parallel_loop3A_196 = arith.constant 8.000000e+00 : f32
        %parallel_loop3A_197 = vector.broadcast %parallel_loop3A_196 : f32 to vector<16xf32>
        %parallel_loop3A_198 = arith.mulf %parallel_loop3A_195, %parallel_loop3A_197 : vector<16xf32>
        %parallel_loop3A_199 = arith.constant 64 : i32
        %parallel_loop3A_200 = arith.muli %parallel_loop3A_148, %parallel_loop3A_199 : i32
        %parallel_loop3A_201 = arith.constant 48 : i32
        %parallel_loop3A_202 = arith.addi %parallel_loop3A_200, %parallel_loop3A_201 : i32
        %parallel_loop3A_203 = arith.constant 0 : i32
        %parallel_loop3A_204 = arith.index_cast %parallel_loop3A_203 : i32 to index
        %parallel_loop3A_205 = arith.index_cast %parallel_loop3A_202 : i32 to index
        %parallel_loop3A_206 = tpu.vector_load %arg12[%parallel_loop3A_204, %parallel_loop3A_205] {strides = array<i32>} : memref<8x1600xf32, #tpu.memory_space<vmem>>, vector<16xf32>,
        tpu.vector_store %arg12[%parallel_loop3A_204, %parallel_loop3A_205], %parallel_loop3A_198 {strides = array<i32>} : memref<8x1600xf32, #tpu.memory_space<vmem>>, vector<16xf32>,
        %parallel_loop3A_207 = arith.constant 25 : i32
        %parallel_loop3A_208 = arith.addi %parallel_loop3A_207, %parallel_loop3A_148 : i32
        %parallel_loop3A_209 = arith.index_cast %parallel_loop3A_208 : i32 to index
        %parallel_loop3A_210 = arith.constant 0 : index
        %parallel_loop3A_211 = tpu.vector_load %arg8[%parallel_loop3A_209, %parallel_loop3A_210] {strides = array<i32>} : memref<100x128xf32, #tpu.memory_space<vmem>>, vector<16xf32>,
        %parallel_loop3A_212 = arith.constant 8.000000e+00 : f32
        %parallel_loop3A_213 = vector.broadcast %parallel_loop3A_212 : f32 to vector<16xf32>
        %parallel_loop3A_214 = arith.mulf %parallel_loop3A_211, %parallel_loop3A_213 : vector<16xf32>
        %parallel_loop3A_215 = arith.constant 64 : i32
        %parallel_loop3A_216 = arith.muli %parallel_loop3A_148, %parallel_loop3A_215 : i32
        %parallel_loop3A_217 = arith.constant 0 : i32
        %parallel_loop3A_218 = arith.addi %parallel_loop3A_216, %parallel_loop3A_217 : i32
        %parallel_loop3A_219 = arith.constant 1 : i32
        %parallel_loop3A_220 = arith.index_cast %parallel_loop3A_219 : i32 to index
        %parallel_loop3A_221 = arith.index_cast %parallel_loop3A_218 : i32 to index
        %parallel_loop3A_222 = tpu.vector_load %arg12[%parallel_loop3A_220, %parallel_loop3A_221] {strides = array<i32>} : memref<8x1600xf32, #tpu.memory_space<vmem>>, vector<16xf32>,
        tpu.vector_store %arg12[%parallel_loop3A_220, %parallel_loop3A_221], %parallel_loop3A_214 {strides = array<i32>} : memref<8x1600xf32, #tpu.memory_space<vmem>>, vector<16xf32>,
        %parallel_loop3A_223 = arith.index_cast %parallel_loop3A_208 : i32 to index
        %parallel_loop3A_224 = arith.constant 16 : index
        %parallel_loop3A_225 = tpu.vector_load %arg8[%parallel_loop3A_223, %parallel_loop3A_224] {strides = array<i32>} : memref<100x128xf32, #tpu.memory_space<vmem>>, vector<16xf32>,
        %parallel_loop3A_226 = arith.constant 8.000000e+00 : f32
        %parallel_loop3A_227 = vector.broadcast %parallel_loop3A_226 : f32 to vector<16xf32>
        %parallel_loop3A_228 = arith.mulf %parallel_loop3A_225, %parallel_loop3A_227 : vector<16xf32>
        %parallel_loop3A_229 = arith.constant 64 : i32
        %parallel_loop3A_230 = arith.muli %parallel_loop3A_148, %parallel_loop3A_229 : i32
        %parallel_loop3A_231 = arith.constant 16 : i32
        %parallel_loop3A_232 = arith.addi %parallel_loop3A_230, %parallel_loop3A_231 : i32
        %parallel_loop3A_233 = arith.constant 1 : i32
        %parallel_loop3A_234 = arith.index_cast %parallel_loop3A_233 : i32 to index
        %parallel_loop3A_235 = arith.index_cast %parallel_loop3A_232 : i32 to index
        %parallel_loop3A_236 = tpu.vector_load %arg12[%parallel_loop3A_234, %parallel_loop3A_235] {strides = array<i32>} : memref<8x1600xf32, #tpu.memory_space<vmem>>, vector<16xf32>,
        tpu.vector_store %arg12[%parallel_loop3A_234, %parallel_loop3A_235], %parallel_loop3A_228 {strides = array<i32>} : memref<8x1600xf32, #tpu.memory_space<vmem>>, vector<16xf32>,
        %parallel_loop3A_237 = arith.index_cast %parallel_loop3A_208 : i32 to index
        %parallel_loop3A_238 = arith.constant 32 : index
        %parallel_loop3A_239 = tpu.vector_load %arg8[%parallel_loop3A_237, %parallel_loop3A_238] {strides = array<i32>} : memref<100x128xf32, #tpu.memory_space<vmem>>, vector<16xf32>,
        %parallel_loop3A_240 = arith.constant 8.000000e+00 : f32
        %parallel_loop3A_241 = vector.broadcast %parallel_loop3A_240 : f32 to vector<16xf32>
        %parallel_loop3A_242 = arith.mulf %parallel_loop3A_239, %parallel_loop3A_241 : vector<16xf32>
        %parallel_loop3A_243 = arith.constant 64 : i32
        %parallel_loop3A_244 = arith.muli %parallel_loop3A_148, %parallel_loop3A_243 : i32
        %parallel_loop3A_245 = arith.constant 32 : i32
        %parallel_loop3A_246 = arith.addi %parallel_loop3A_244, %parallel_loop3A_245 : i32
        %parallel_loop3A_247 = arith.constant 1 : i32
        %parallel_loop3A_248 = arith.index_cast %parallel_loop3A_247 : i32 to index
        %parallel_loop3A_249 = arith.index_cast %parallel_loop3A_246 : i32 to index
        %parallel_loop3A_250 = tpu.vector_load %arg12[%parallel_loop3A_248, %parallel_loop3A_249] {strides = array<i32>} : memref<8x1600xf32, #tpu.memory_space<vmem>>, vector<16xf32>,
        tpu.vector_store %arg12[%parallel_loop3A_248, %parallel_loop3A_249], %parallel_loop3A_242 {strides = array<i32>} : memref<8x1600xf32, #tpu.memory_space<vmem>>, vector<16xf32>,
        %parallel_loop3A_251 = arith.index_cast %parallel_loop3A_208 : i32 to index
        %parallel_loop3A_252 = arith.constant 48 : index
        %parallel_loop3A_253 = tpu.vector_load %arg8[%parallel_loop3A_251, %parallel_loop3A_252] {strides = array<i32>} : memref<100x128xf32, #tpu.memory_space<vmem>>, vector<16xf32>,
        %parallel_loop3A_254 = arith.constant 8.000000e+00 : f32
        %parallel_loop3A_255 = vector.broadcast %parallel_loop3A_254 : f32 to vector<16xf32>
        %parallel_loop3A_256 = arith.mulf %parallel_loop3A_253, %parallel_loop3A_255 : vector<16xf32>
        %parallel_loop3A_257 = arith.constant 64 : i32
        %parallel_loop3A_258 = arith.muli %parallel_loop3A_148, %parallel_loop3A_257 : i32
        %parallel_loop3A_259 = arith.constant 48 : i32
        %parallel_loop3A_260 = arith.addi %parallel_loop3A_258, %parallel_loop3A_259 : i32
        %parallel_loop3A_261 = arith.constant 1 : i32
        %parallel_loop3A_262 = arith.index_cast %parallel_loop3A_261 : i32 to index
        %parallel_loop3A_263 = arith.index_cast %parallel_loop3A_260 : i32 to index
        %parallel_loop3A_264 = tpu.vector_load %arg12[%parallel_loop3A_262, %parallel_loop3A_263] {strides = array<i32>} : memref<8x1600xf32, #tpu.memory_space<vmem>>, vector<16xf32>,
        tpu.vector_store %arg12[%parallel_loop3A_262, %parallel_loop3A_263], %parallel_loop3A_256 {strides = array<i32>} : memref<8x1600xf32, #tpu.memory_space<vmem>>, vector<16xf32>,
        %parallel_loop3A_265 = arith.constant 50 : i32
        %parallel_loop3A_266 = arith.addi %parallel_loop3A_265, %parallel_loop3A_148 : i32
        %parallel_loop3A_267 = arith.index_cast %parallel_loop3A_266 : i32 to index
        %parallel_loop3A_268 = arith.constant 0 : index
        %parallel_loop3A_269 = tpu.vector_load %arg8[%parallel_loop3A_267, %parallel_loop3A_268] {strides = array<i32>} : memref<100x128xf32, #tpu.memory_space<vmem>>, vector<16xf32>,
        %parallel_loop3A_270 = arith.constant 8.000000e+00 : f32
        %parallel_loop3A_271 = vector.broadcast %parallel_loop3A_270 : f32 to vector<16xf32>
        %parallel_loop3A_272 = arith.mulf %parallel_loop3A_269, %parallel_loop3A_271 : vector<16xf32>
        %parallel_loop3A_273 = arith.constant 64 : i32
        %parallel_loop3A_274 = arith.muli %parallel_loop3A_148, %parallel_loop3A_273 : i32
        %parallel_loop3A_275 = arith.constant 0 : i32
        %parallel_loop3A_276 = arith.addi %parallel_loop3A_274, %parallel_loop3A_275 : i32
        %parallel_loop3A_277 = arith.constant 2 : i32
        %parallel_loop3A_278 = arith.index_cast %parallel_loop3A_277 : i32 to index
        %parallel_loop3A_279 = arith.index_cast %parallel_loop3A_276 : i32 to index
        %parallel_loop3A_280 = tpu.vector_load %arg12[%parallel_loop3A_278, %parallel_loop3A_279] {strides = array<i32>} : memref<8x1600xf32, #tpu.memory_space<vmem>>, vector<16xf32>,
        tpu.vector_store %arg12[%parallel_loop3A_278, %parallel_loop3A_279], %parallel_loop3A_272 {strides = array<i32>} : memref<8x1600xf32, #tpu.memory_space<vmem>>, vector<16xf32>,
        %parallel_loop3A_281 = arith.index_cast %parallel_loop3A_266 : i32 to index
        %parallel_loop3A_282 = arith.constant 16 : index
        %parallel_loop3A_283 = tpu.vector_load %arg8[%parallel_loop3A_281, %parallel_loop3A_282] {strides = array<i32>} : memref<100x128xf32, #tpu.memory_space<vmem>>, vector<16xf32>,
        %parallel_loop3A_284 = arith.constant 8.000000e+00 : f32
        %parallel_loop3A_285 = vector.broadcast %parallel_loop3A_284 : f32 to vector<16xf32>
        %parallel_loop3A_286 = arith.mulf %parallel_loop3A_283, %parallel_loop3A_285 : vector<16xf32>
        %parallel_loop3A_287 = arith.constant 64 : i32
        %parallel_loop3A_288 = arith.muli %parallel_loop3A_148, %parallel_loop3A_287 : i32
        %parallel_loop3A_289 = arith.constant 16 : i32
        %parallel_loop3A_290 = arith.addi %parallel_loop3A_288, %parallel_loop3A_289 : i32
        %parallel_loop3A_291 = arith.constant 2 : i32
        %parallel_loop3A_292 = arith.index_cast %parallel_loop3A_291 : i32 to index
        %parallel_loop3A_293 = arith.index_cast %parallel_loop3A_290 : i32 to index
        %parallel_loop3A_294 = tpu.vector_load %arg12[%parallel_loop3A_292, %parallel_loop3A_293] {strides = array<i32>} : memref<8x1600xf32, #tpu.memory_space<vmem>>, vector<16xf32>,
        tpu.vector_store %arg12[%parallel_loop3A_292, %parallel_loop3A_293], %parallel_loop3A_286 {strides = array<i32>} : memref<8x1600xf32, #tpu.memory_space<vmem>>, vector<16xf32>,
        %parallel_loop3A_295 = arith.index_cast %parallel_loop3A_266 : i32 to index
        %parallel_loop3A_296 = arith.constant 32 : index
        %parallel_loop3A_297 = tpu.vector_load %arg8[%parallel_loop3A_295, %parallel_loop3A_296] {strides = array<i32>} : memref<100x128xf32, #tpu.memory_space<vmem>>, vector<16xf32>,
        %parallel_loop3A_298 = arith.constant 8.000000e+00 : f32
        %parallel_loop3A_299 = vector.broadcast %parallel_loop3A_298 : f32 to vector<16xf32>
        %parallel_loop3A_300 = arith.mulf %parallel_loop3A_297, %parallel_loop3A_299 : vector<16xf32>
        %parallel_loop3A_301 = arith.constant 64 : i32
        %parallel_loop3A_302 = arith.muli %parallel_loop3A_148, %parallel_loop3A_301 : i32
        %parallel_loop3A_303 = arith.constant 32 : i32
        %parallel_loop3A_304 = arith.addi %parallel_loop3A_302, %parallel_loop3A_303 : i32
        %parallel_loop3A_305 = arith.constant 2 : i32
        %parallel_loop3A_306 = arith.index_cast %parallel_loop3A_305 : i32 to index
        %parallel_loop3A_307 = arith.index_cast %parallel_loop3A_304 : i32 to index
        %parallel_loop3A_308 = tpu.vector_load %arg12[%parallel_loop3A_306, %parallel_loop3A_307] {strides = array<i32>} : memref<8x1600xf32, #tpu.memory_space<vmem>>, vector<16xf32>,
        tpu.vector_store %arg12[%parallel_loop3A_306, %parallel_loop3A_307], %parallel_loop3A_300 {strides = array<i32>} : memref<8x1600xf32, #tpu.memory_space<vmem>>, vector<16xf32>,
        %parallel_loop3A_309 = arith.index_cast %parallel_loop3A_266 : i32 to index
        %parallel_loop3A_310 = arith.constant 48 : index
        %parallel_loop3A_311 = tpu.vector_load %arg8[%parallel_loop3A_309, %parallel_loop3A_310] {strides = array<i32>} : memref<100x128xf32, #tpu.memory_space<vmem>>, vector<16xf32>,
        %parallel_loop3A_312 = arith.constant 8.000000e+00 : f32
        %parallel_loop3A_313 = vector.broadcast %parallel_loop3A_312 : f32 to vector<16xf32>
        %parallel_loop3A_314 = arith.mulf %parallel_loop3A_311, %parallel_loop3A_313 : vector<16xf32>
        %parallel_loop3A_315 = arith.constant 64 : i32
        %parallel_loop3A_316 = arith.muli %parallel_loop3A_148, %parallel_loop3A_315 : i32
        %parallel_loop3A_317 = arith.constant 48 : i32
        %parallel_loop3A_318 = arith.addi %parallel_loop3A_316, %parallel_loop3A_317 : i32
        %parallel_loop3A_319 = arith.constant 2 : i32
        %parallel_loop3A_320 = arith.index_cast %parallel_loop3A_319 : i32 to index
        %parallel_loop3A_321 = arith.index_cast %parallel_loop3A_318 : i32 to index
        %parallel_loop3A_322 = tpu.vector_load %arg12[%parallel_loop3A_320, %parallel_loop3A_321] {strides = array<i32>} : memref<8x1600xf32, #tpu.memory_space<vmem>>, vector<16xf32>,
        tpu.vector_store %arg12[%parallel_loop3A_320, %parallel_loop3A_321], %parallel_loop3A_314 {strides = array<i32>} : memref<8x1600xf32, #tpu.memory_space<vmem>>, vector<16xf32>,
        %parallel_loop3A_323 = arith.constant 75 : i32
        %parallel_loop3A_324 = arith.addi %parallel_loop3A_323, %parallel_loop3A_148 : i32
        %parallel_loop3A_325 = arith.index_cast %parallel_loop3A_324 : i32 to index
        %parallel_loop3A_326 = arith.constant 0 : index
        %parallel_loop3A_327 = tpu.vector_load %arg8[%parallel_loop3A_325, %parallel_loop3A_326] {strides = array<i32>} : memref<100x128xf32, #tpu.memory_space<vmem>>, vector<16xf32>,
        %parallel_loop3A_328 = arith.constant 8.000000e+00 : f32
        %parallel_loop3A_329 = vector.broadcast %parallel_loop3A_328 : f32 to vector<16xf32>
        %parallel_loop3A_330 = arith.mulf %parallel_loop3A_327, %parallel_loop3A_329 : vector<16xf32>
        %parallel_loop3A_331 = arith.constant 64 : i32
        %parallel_loop3A_332 = arith.muli %parallel_loop3A_148, %parallel_loop3A_331 : i32
        %parallel_loop3A_333 = arith.constant 0 : i32
        %parallel_loop3A_334 = arith.addi %parallel_loop3A_332, %parallel_loop3A_333 : i32
        %parallel_loop3A_335 = arith.constant 3 : i32
        %parallel_loop3A_336 = arith.index_cast %parallel_loop3A_335 : i32 to index
        %parallel_loop3A_337 = arith.index_cast %parallel_loop3A_334 : i32 to index
        %parallel_loop3A_338 = tpu.vector_load %arg12[%parallel_loop3A_336, %parallel_loop3A_337] {strides = array<i32>} : memref<8x1600xf32, #tpu.memory_space<vmem>>, vector<16xf32>,
        tpu.vector_store %arg12[%parallel_loop3A_336, %parallel_loop3A_337], %parallel_loop3A_330 {strides = array<i32>} : memref<8x1600xf32, #tpu.memory_space<vmem>>, vector<16xf32>,
        %parallel_loop3A_339 = arith.index_cast %parallel_loop3A_324 : i32 to index
        %parallel_loop3A_340 = arith.constant 16 : index
        %parallel_loop3A_341 = tpu.vector_load %arg8[%parallel_loop3A_339, %parallel_loop3A_340] {strides = array<i32>} : memref<100x128xf32, #tpu.memory_space<vmem>>, vector<16xf32>,
        %parallel_loop3A_342 = arith.constant 8.000000e+00 : f32
        %parallel_loop3A_343 = vector.broadcast %parallel_loop3A_342 : f32 to vector<16xf32>
        %parallel_loop3A_344 = arith.mulf %parallel_loop3A_341, %parallel_loop3A_343 : vector<16xf32>
        %parallel_loop3A_345 = arith.constant 64 : i32
        %parallel_loop3A_346 = arith.muli %parallel_loop3A_148, %parallel_loop3A_345 : i32
        %parallel_loop3A_347 = arith.constant 16 : i32
        %parallel_loop3A_348 = arith.addi %parallel_loop3A_346, %parallel_loop3A_347 : i32
        %parallel_loop3A_349 = arith.constant 3 : i32
        %parallel_loop3A_350 = arith.index_cast %parallel_loop3A_349 : i32 to index
        %parallel_loop3A_351 = arith.index_cast %parallel_loop3A_348 : i32 to index
        %parallel_loop3A_352 = tpu.vector_load %arg12[%parallel_loop3A_350, %parallel_loop3A_351] {strides = array<i32>} : memref<8x1600xf32, #tpu.memory_space<vmem>>, vector<16xf32>,
        tpu.vector_store %arg12[%parallel_loop3A_350, %parallel_loop3A_351], %parallel_loop3A_344 {strides = array<i32>} : memref<8x1600xf32, #tpu.memory_space<vmem>>, vector<16xf32>,
        %parallel_loop3A_353 = arith.index_cast %parallel_loop3A_324 : i32 to index
        %parallel_loop3A_354 = arith.constant 32 : index
        %parallel_loop3A_355 = tpu.vector_load %arg8[%parallel_loop3A_353, %parallel_loop3A_354] {strides = array<i32>} : memref<100x128xf32, #tpu.memory_space<vmem>>, vector<16xf32>,
        %parallel_loop3A_356 = arith.constant 8.000000e+00 : f32
        %parallel_loop3A_357 = vector.broadcast %parallel_loop3A_356 : f32 to vector<16xf32>
        %parallel_loop3A_358 = arith.mulf %parallel_loop3A_355, %parallel_loop3A_357 : vector<16xf32>
        %parallel_loop3A_359 = arith.constant 64 : i32
        %parallel_loop3A_360 = arith.muli %parallel_loop3A_148, %parallel_loop3A_359 : i32
        %parallel_loop3A_361 = arith.constant 32 : i32
        %parallel_loop3A_362 = arith.addi %parallel_loop3A_360, %parallel_loop3A_361 : i32
        %parallel_loop3A_363 = arith.constant 3 : i32
        %parallel_loop3A_364 = arith.index_cast %parallel_loop3A_363 : i32 to index
        %parallel_loop3A_365 = arith.index_cast %parallel_loop3A_362 : i32 to index
        %parallel_loop3A_366 = tpu.vector_load %arg12[%parallel_loop3A_364, %parallel_loop3A_365] {strides = array<i32>} : memref<8x1600xf32, #tpu.memory_space<vmem>>, vector<16xf32>,
        tpu.vector_store %arg12[%parallel_loop3A_364, %parallel_loop3A_365], %parallel_loop3A_358 {strides = array<i32>} : memref<8x1600xf32, #tpu.memory_space<vmem>>, vector<16xf32>,
        %parallel_loop3A_367 = arith.index_cast %parallel_loop3A_324 : i32 to index
        %parallel_loop3A_368 = arith.constant 48 : index
        %parallel_loop3A_369 = tpu.vector_load %arg8[%parallel_loop3A_367, %parallel_loop3A_368] {strides = array<i32>} : memref<100x128xf32, #tpu.memory_space<vmem>>, vector<16xf32>,
        %parallel_loop3A_370 = arith.constant 8.000000e+00 : f32
        %parallel_loop3A_371 = vector.broadcast %parallel_loop3A_370 : f32 to vector<16xf32>
        %parallel_loop3A_372 = arith.mulf %parallel_loop3A_369, %parallel_loop3A_371 : vector<16xf32>
        %parallel_loop3A_373 = arith.constant 64 : i32
        %parallel_loop3A_374 = arith.muli %parallel_loop3A_148, %parallel_loop3A_373 : i32
        %parallel_loop3A_375 = arith.constant 48 : i32
        %parallel_loop3A_376 = arith.addi %parallel_loop3A_374, %parallel_loop3A_375 : i32
        %parallel_loop3A_377 = arith.constant 3 : i32
        %parallel_loop3A_378 = arith.index_cast %parallel_loop3A_377 : i32 to index
        %parallel_loop3A_379 = arith.index_cast %parallel_loop3A_376 : i32 to index
        %parallel_loop3A_380 = tpu.vector_load %arg12[%parallel_loop3A_378, %parallel_loop3A_379] {strides = array<i32>} : memref<8x1600xf32, #tpu.memory_space<vmem>>, vector<16xf32>,
        tpu.vector_store %arg12[%parallel_loop3A_378, %parallel_loop3A_379], %parallel_loop3A_372 {strides = array<i32>} : memref<8x1600xf32, #tpu.memory_space<vmem>>, vector<16xf32>,
      } {sc.loop_unroll_factor = 1 : i64, sc.parallel_access}
      %add3A_67 = arith.constant 2 : i32
      %add3A_68 = arith.addi %add3A_56, %add3A_67 : i32
      %lt3A = arith.constant 128 : i32
      %lt3A_69 = arith.cmpi slt, %add3A_68, %lt3A : i32
      %convert_element_type3A_70 = arith.extui %lt3A_69 : i1 to i32
      %cond3A_71 = arith.constant 0 : i32
      %cond3A_72 = arith.cmpi ne, %convert_element_type3A_70, %cond3A_71 : i32
      scf.if %cond3A_72 {
        %add3A_148 = arith.constant 2 : i32
        %add3A_149 = arith.addi %add3A_56, %add3A_148 : i32
        %dma_start3A_150 = arith.constant 0 : i32
        %dma_start3A_151 = tpu.memref_slice %arg6[%add3A_149, %dma_start3A_150] : memref<128x100xi32, #tpu.memory_space<vmem>> -> memref<1x100xi32, #tpu.memory_space<vmem>>
        %dma_start3A_152 = tpu.memref_squeeze %dma_start3A_151 : memref<1x100xi32, #tpu.memory_space<vmem>> -> memref<100xi32, #tpu.memory_space<vmem>>
        %dma_start3A_153 = arith.constant 0 : i32
        %dma_start3A_154 = arith.constant 0 : i32
        %dma_start3A_155 = tpu.memref_slice %arg4[%dma_start3A_153, %dma_start3A_154] : memref<1000000x128xf32, #tpu.memory_space<hbm>> -> memref<1000000x128xf32, #tpu.memory_space<hbm>>
        tpu.enqueue_indirect_dma source(%dma_start3A_155 : memref<1000000x128xf32, #tpu.memory_space<hbm>>) target(%arg8 : memref<100x128xf32, #tpu.memory_space<vmem>>) offsets(%dma_start3A_152 : memref<100xi32, #tpu.memory_space<vmem>>) semaphore(%arg14 : memref<!tpu.dma_semaphore, #tpu.memory_space<semaphore_mem>>)
      } else {
      }
      %dma_wait3A_73 = arith.constant 0 : i32
      %dma_wait3A_74 = tpu.memref_slice %arg7[%add3A_56, %dma_wait3A_73] : memref<128x100xi32, #tpu.memory_space<vmem>> -> memref<1x100xi32, #tpu.memory_space<vmem>>
      %dma_wait3A_75 = tpu.memref_squeeze %dma_wait3A_74 : memref<1x100xi32, #tpu.memory_space<vmem>> -> memref<100xi32, #tpu.memory_space<vmem>>
      %dma_wait3A_76 = arith.constant 0 : i32
      %dma_wait3A_77 = arith.constant 0 : i32
      %dma_wait3A_78 = tpu.memref_slice %arg4[%dma_wait3A_76, %dma_wait3A_77] : memref<1000000x128xf32, #tpu.memory_space<hbm>> -> memref<1000000x128xf32, #tpu.memory_space<hbm>>
      tpu.wait_indirect_dma semaphore(%arg15 : memref<!tpu.dma_semaphore, #tpu.memory_space<semaphore_mem>>) src(%dma_wait3A_78 : memref<1000000x128xf32, #tpu.memory_space<hbm>>) dst(%arg9 : memref<100x128xf32, #tpu.memory_space<vmem>>)
      %parallel_loop3A_79 = arith.constant 0 : i32
      %parallel_loop3A_80 = arith.constant 25 : i32
      %parallel_loop3A_81 = arith.constant 1 : i32
      scf.for %parallel_loop3A_148 = %parallel_loop3A_79 to %parallel_loop3A_80 step %parallel_loop3A_81  : i32 {
        %parallel_loop3A_149 = arith.constant 0 : i32
        %parallel_loop3A_150 = arith.addi %parallel_loop3A_149, %parallel_loop3A_148 : i32
        %parallel_loop3A_151 = arith.index_cast %parallel_loop3A_150 : i32 to index
        %parallel_loop3A_152 = arith.constant 0 : index
        %parallel_loop3A_153 = tpu.vector_load %arg9[%parallel_loop3A_151, %parallel_loop3A_152] {strides = array<i32>} : memref<100x128xf32, #tpu.memory_space<vmem>>, vector<16xf32>,
        %parallel_loop3A_154 = arith.constant 8.000000e+00 : f32
        %parallel_loop3A_155 = vector.broadcast %parallel_loop3A_154 : f32 to vector<16xf32>
        %parallel_loop3A_156 = arith.mulf %parallel_loop3A_153, %parallel_loop3A_155 : vector<16xf32>
        %parallel_loop3A_157 = arith.constant 64 : i32
        %parallel_loop3A_158 = arith.muli %parallel_loop3A_148, %parallel_loop3A_157 : i32
        %parallel_loop3A_159 = arith.constant 0 : i32
        %parallel_loop3A_160 = arith.addi %parallel_loop3A_158, %parallel_loop3A_159 : i32
        %parallel_loop3A_161 = arith.constant 4 : i32
        %parallel_loop3A_162 = arith.index_cast %parallel_loop3A_161 : i32 to index
        %parallel_loop3A_163 = arith.index_cast %parallel_loop3A_160 : i32 to index
        %parallel_loop3A_164 = tpu.vector_load %arg12[%parallel_loop3A_162, %parallel_loop3A_163] {strides = array<i32>} : memref<8x1600xf32, #tpu.memory_space<vmem>>, vector<16xf32>,
        tpu.vector_store %arg12[%parallel_loop3A_162, %parallel_loop3A_163], %parallel_loop3A_156 {strides = array<i32>} : memref<8x1600xf32, #tpu.memory_space<vmem>>, vector<16xf32>,
        %parallel_loop3A_165 = arith.index_cast %parallel_loop3A_150 : i32 to index
        %parallel_loop3A_166 = arith.constant 16 : index
        %parallel_loop3A_167 = tpu.vector_load %arg9[%parallel_loop3A_165, %parallel_loop3A_166] {strides = array<i32>} : memref<100x128xf32, #tpu.memory_space<vmem>>, vector<16xf32>,
        %parallel_loop3A_168 = arith.constant 8.000000e+00 : f32
        %parallel_loop3A_169 = vector.broadcast %parallel_loop3A_168 : f32 to vector<16xf32>
        %parallel_loop3A_170 = arith.mulf %parallel_loop3A_167, %parallel_loop3A_169 : vector<16xf32>
        %parallel_loop3A_171 = arith.constant 64 : i32
        %parallel_loop3A_172 = arith.muli %parallel_loop3A_148, %parallel_loop3A_171 : i32
        %parallel_loop3A_173 = arith.constant 16 : i32
        %parallel_loop3A_174 = arith.addi %parallel_loop3A_172, %parallel_loop3A_173 : i32
        %parallel_loop3A_175 = arith.constant 4 : i32
        %parallel_loop3A_176 = arith.index_cast %parallel_loop3A_175 : i32 to index
        %parallel_loop3A_177 = arith.index_cast %parallel_loop3A_174 : i32 to index
        %parallel_loop3A_178 = tpu.vector_load %arg12[%parallel_loop3A_176, %parallel_loop3A_177] {strides = array<i32>} : memref<8x1600xf32, #tpu.memory_space<vmem>>, vector<16xf32>,
        tpu.vector_store %arg12[%parallel_loop3A_176, %parallel_loop3A_177], %parallel_loop3A_170 {strides = array<i32>} : memref<8x1600xf32, #tpu.memory_space<vmem>>, vector<16xf32>,
        %parallel_loop3A_179 = arith.index_cast %parallel_loop3A_150 : i32 to index
        %parallel_loop3A_180 = arith.constant 32 : index
        %parallel_loop3A_181 = tpu.vector_load %arg9[%parallel_loop3A_179, %parallel_loop3A_180] {strides = array<i32>} : memref<100x128xf32, #tpu.memory_space<vmem>>, vector<16xf32>,
        %parallel_loop3A_182 = arith.constant 8.000000e+00 : f32
        %parallel_loop3A_183 = vector.broadcast %parallel_loop3A_182 : f32 to vector<16xf32>
        %parallel_loop3A_184 = arith.mulf %parallel_loop3A_181, %parallel_loop3A_183 : vector<16xf32>
        %parallel_loop3A_185 = arith.constant 64 : i32
        %parallel_loop3A_186 = arith.muli %parallel_loop3A_148, %parallel_loop3A_185 : i32
        %parallel_loop3A_187 = arith.constant 32 : i32
        %parallel_loop3A_188 = arith.addi %parallel_loop3A_186, %parallel_loop3A_187 : i32
        %parallel_loop3A_189 = arith.constant 4 : i32
        %parallel_loop3A_190 = arith.index_cast %parallel_loop3A_189 : i32 to index
        %parallel_loop3A_191 = arith.index_cast %parallel_loop3A_188 : i32 to index
        %parallel_loop3A_192 = tpu.vector_load %arg12[%parallel_loop3A_190, %parallel_loop3A_191] {strides = array<i32>} : memref<8x1600xf32, #tpu.memory_space<vmem>>, vector<16xf32>,
        tpu.vector_store %arg12[%parallel_loop3A_190, %parallel_loop3A_191], %parallel_loop3A_184 {strides = array<i32>} : memref<8x1600xf32, #tpu.memory_space<vmem>>, vector<16xf32>,
        %parallel_loop3A_193 = arith.index_cast %parallel_loop3A_150 : i32 to index
        %parallel_loop3A_194 = arith.constant 48 : index
        %parallel_loop3A_195 = tpu.vector_load %arg9[%parallel_loop3A_193, %parallel_loop3A_194] {strides = array<i32>} : memref<100x128xf32, #tpu.memory_space<vmem>>, vector<16xf32>,
        %parallel_loop3A_196 = arith.constant 8.000000e+00 : f32
        %parallel_loop3A_197 = vector.broadcast %parallel_loop3A_196 : f32 to vector<16xf32>
        %parallel_loop3A_198 = arith.mulf %parallel_loop3A_195, %parallel_loop3A_197 : vector<16xf32>
        %parallel_loop3A_199 = arith.constant 64 : i32
        %parallel_loop3A_200 = arith.muli %parallel_loop3A_148, %parallel_loop3A_199 : i32
        %parallel_loop3A_201 = arith.constant 48 : i32
        %parallel_loop3A_202 = arith.addi %parallel_loop3A_200, %parallel_loop3A_201 : i32
        %parallel_loop3A_203 = arith.constant 4 : i32
        %parallel_loop3A_204 = arith.index_cast %parallel_loop3A_203 : i32 to index
        %parallel_loop3A_205 = arith.index_cast %parallel_loop3A_202 : i32 to index
        %parallel_loop3A_206 = tpu.vector_load %arg12[%parallel_loop3A_204, %parallel_loop3A_205] {strides = array<i32>} : memref<8x1600xf32, #tpu.memory_space<vmem>>, vector<16xf32>,
        tpu.vector_store %arg12[%parallel_loop3A_204, %parallel_loop3A_205], %parallel_loop3A_198 {strides = array<i32>} : memref<8x1600xf32, #tpu.memory_space<vmem>>, vector<16xf32>,
        %parallel_loop3A_207 = arith.constant 25 : i32
        %parallel_loop3A_208 = arith.addi %parallel_loop3A_207, %parallel_loop3A_148 : i32
        %parallel_loop3A_209 = arith.index_cast %parallel_loop3A_208 : i32 to index
        %parallel_loop3A_210 = arith.constant 0 : index
        %parallel_loop3A_211 = tpu.vector_load %arg9[%parallel_loop3A_209, %parallel_loop3A_210] {strides = array<i32>} : memref<100x128xf32, #tpu.memory_space<vmem>>, vector<16xf32>,
        %parallel_loop3A_212 = arith.constant 8.000000e+00 : f32
        %parallel_loop3A_213 = vector.broadcast %parallel_loop3A_212 : f32 to vector<16xf32>
        %parallel_loop3A_214 = arith.mulf %parallel_loop3A_211, %parallel_loop3A_213 : vector<16xf32>
        %parallel_loop3A_215 = arith.constant 64 : i32
        %parallel_loop3A_216 = arith.muli %parallel_loop3A_148, %parallel_loop3A_215 : i32
        %parallel_loop3A_217 = arith.constant 0 : i32
        %parallel_loop3A_218 = arith.addi %parallel_loop3A_216, %parallel_loop3A_217 : i32
        %parallel_loop3A_219 = arith.constant 5 : i32
        %parallel_loop3A_220 = arith.index_cast %parallel_loop3A_219 : i32 to index
        %parallel_loop3A_221 = arith.index_cast %parallel_loop3A_218 : i32 to index
        %parallel_loop3A_222 = tpu.vector_load %arg12[%parallel_loop3A_220, %parallel_loop3A_221] {strides = array<i32>} : memref<8x1600xf32, #tpu.memory_space<vmem>>, vector<16xf32>,
        tpu.vector_store %arg12[%parallel_loop3A_220, %parallel_loop3A_221], %parallel_loop3A_214 {strides = array<i32>} : memref<8x1600xf32, #tpu.memory_space<vmem>>, vector<16xf32>,
        %parallel_loop3A_223 = arith.index_cast %parallel_loop3A_208 : i32 to index
        %parallel_loop3A_224 = arith.constant 16 : index
        %parallel_loop3A_225 = tpu.vector_load %arg9[%parallel_loop3A_223, %parallel_loop3A_224] {strides = array<i32>} : memref<100x128xf32, #tpu.memory_space<vmem>>, vector<16xf32>,
        %parallel_loop3A_226 = arith.constant 8.000000e+00 : f32
        %parallel_loop3A_227 = vector.broadcast %parallel_loop3A_226 : f32 to vector<16xf32>
        %parallel_loop3A_228 = arith.mulf %parallel_loop3A_225, %parallel_loop3A_227 : vector<16xf32>
        %parallel_loop3A_229 = arith.constant 64 : i32
        %parallel_loop3A_230 = arith.muli %parallel_loop3A_148, %parallel_loop3A_229 : i32
        %parallel_loop3A_231 = arith.constant 16 : i32
        %parallel_loop3A_232 = arith.addi %parallel_loop3A_230, %parallel_loop3A_231 : i32
        %parallel_loop3A_233 = arith.constant 5 : i32
        %parallel_loop3A_234 = arith.index_cast %parallel_loop3A_233 : i32 to index
        %parallel_loop3A_235 = arith.index_cast %parallel_loop3A_232 : i32 to index
        %parallel_loop3A_236 = tpu.vector_load %arg12[%parallel_loop3A_234, %parallel_loop3A_235] {strides = array<i32>} : memref<8x1600xf32, #tpu.memory_space<vmem>>, vector<16xf32>,
        tpu.vector_store %arg12[%parallel_loop3A_234, %parallel_loop3A_235], %parallel_loop3A_228 {strides = array<i32>} : memref<8x1600xf32, #tpu.memory_space<vmem>>, vector<16xf32>,
        %parallel_loop3A_237 = arith.index_cast %parallel_loop3A_208 : i32 to index
        %parallel_loop3A_238 = arith.constant 32 : index
        %parallel_loop3A_239 = tpu.vector_load %arg9[%parallel_loop3A_237, %parallel_loop3A_238] {strides = array<i32>} : memref<100x128xf32, #tpu.memory_space<vmem>>, vector<16xf32>,
        %parallel_loop3A_240 = arith.constant 8.000000e+00 : f32
        %parallel_loop3A_241 = vector.broadcast %parallel_loop3A_240 : f32 to vector<16xf32>
        %parallel_loop3A_242 = arith.mulf %parallel_loop3A_239, %parallel_loop3A_241 : vector<16xf32>
        %parallel_loop3A_243 = arith.constant 64 : i32
        %parallel_loop3A_244 = arith.muli %parallel_loop3A_148, %parallel_loop3A_243 : i32
        %parallel_loop3A_245 = arith.constant 32 : i32
        %parallel_loop3A_246 = arith.addi %parallel_loop3A_244, %parallel_loop3A_245 : i32
        %parallel_loop3A_247 = arith.constant 5 : i32
        %parallel_loop3A_248 = arith.index_cast %parallel_loop3A_247 : i32 to index
        %parallel_loop3A_249 = arith.index_cast %parallel_loop3A_246 : i32 to index
        %parallel_loop3A_250 = tpu.vector_load %arg12[%parallel_loop3A_248, %parallel_loop3A_249] {strides = array<i32>} : memref<8x1600xf32, #tpu.memory_space<vmem>>, vector<16xf32>,
        tpu.vector_store %arg12[%parallel_loop3A_248, %parallel_loop3A_249], %parallel_loop3A_242 {strides = array<i32>} : memref<8x1600xf32, #tpu.memory_space<vmem>>, vector<16xf32>,
        %parallel_loop3A_251 = arith.index_cast %parallel_loop3A_208 : i32 to index
        %parallel_loop3A_252 = arith.constant 48 : index
        %parallel_loop3A_253 = tpu.vector_load %arg9[%parallel_loop3A_251, %parallel_loop3A_252] {strides = array<i32>} : memref<100x128xf32, #tpu.memory_space<vmem>>, vector<16xf32>,
        %parallel_loop3A_254 = arith.constant 8.000000e+00 : f32
        %parallel_loop3A_255 = vector.broadcast %parallel_loop3A_254 : f32 to vector<16xf32>
        %parallel_loop3A_256 = arith.mulf %parallel_loop3A_253, %parallel_loop3A_255 : vector<16xf32>
        %parallel_loop3A_257 = arith.constant 64 : i32
        %parallel_loop3A_258 = arith.muli %parallel_loop3A_148, %parallel_loop3A_257 : i32
        %parallel_loop3A_259 = arith.constant 48 : i32
        %parallel_loop3A_260 = arith.addi %parallel_loop3A_258, %parallel_loop3A_259 : i32
        %parallel_loop3A_261 = arith.constant 5 : i32
        %parallel_loop3A_262 = arith.index_cast %parallel_loop3A_261 : i32 to index
        %parallel_loop3A_263 = arith.index_cast %parallel_loop3A_260 : i32 to index
        %parallel_loop3A_264 = tpu.vector_load %arg12[%parallel_loop3A_262, %parallel_loop3A_263] {strides = array<i32>} : memref<8x1600xf32, #tpu.memory_space<vmem>>, vector<16xf32>,
        tpu.vector_store %arg12[%parallel_loop3A_262, %parallel_loop3A_263], %parallel_loop3A_256 {strides = array<i32>} : memref<8x1600xf32, #tpu.memory_space<vmem>>, vector<16xf32>,
        %parallel_loop3A_265 = arith.constant 50 : i32
        %parallel_loop3A_266 = arith.addi %parallel_loop3A_265, %parallel_loop3A_148 : i32
        %parallel_loop3A_267 = arith.index_cast %parallel_loop3A_266 : i32 to index
        %parallel_loop3A_268 = arith.constant 0 : index
        %parallel_loop3A_269 = tpu.vector_load %arg9[%parallel_loop3A_267, %parallel_loop3A_268] {strides = array<i32>} : memref<100x128xf32, #tpu.memory_space<vmem>>, vector<16xf32>,
        %parallel_loop3A_270 = arith.constant 8.000000e+00 : f32
        %parallel_loop3A_271 = vector.broadcast %parallel_loop3A_270 : f32 to vector<16xf32>
        %parallel_loop3A_272 = arith.mulf %parallel_loop3A_269, %parallel_loop3A_271 : vector<16xf32>
        %parallel_loop3A_273 = arith.constant 64 : i32
        %parallel_loop3A_274 = arith.muli %parallel_loop3A_148, %parallel_loop3A_273 : i32
        %parallel_loop3A_275 = arith.constant 0 : i32
        %parallel_loop3A_276 = arith.addi %parallel_loop3A_274, %parallel_loop3A_275 : i32
        %parallel_loop3A_277 = arith.constant 6 : i32
        %parallel_loop3A_278 = arith.index_cast %parallel_loop3A_277 : i32 to index
        %parallel_loop3A_279 = arith.index_cast %parallel_loop3A_276 : i32 to index
        %parallel_loop3A_280 = tpu.vector_load %arg12[%parallel_loop3A_278, %parallel_loop3A_279] {strides = array<i32>} : memref<8x1600xf32, #tpu.memory_space<vmem>>, vector<16xf32>,
        tpu.vector_store %arg12[%parallel_loop3A_278, %parallel_loop3A_279], %parallel_loop3A_272 {strides = array<i32>} : memref<8x1600xf32, #tpu.memory_space<vmem>>, vector<16xf32>,
        %parallel_loop3A_281 = arith.index_cast %parallel_loop3A_266 : i32 to index
        %parallel_loop3A_282 = arith.constant 16 : index
        %parallel_loop3A_283 = tpu.vector_load %arg9[%parallel_loop3A_281, %parallel_loop3A_282] {strides = array<i32>} : memref<100x128xf32, #tpu.memory_space<vmem>>, vector<16xf32>,
        %parallel_loop3A_284 = arith.constant 8.000000e+00 : f32
        %parallel_loop3A_285 = vector.broadcast %parallel_loop3A_284 : f32 to vector<16xf32>
        %parallel_loop3A_286 = arith.mulf %parallel_loop3A_283, %parallel_loop3A_285 : vector<16xf32>
        %parallel_loop3A_287 = arith.constant 64 : i32
        %parallel_loop3A_288 = arith.muli %parallel_loop3A_148, %parallel_loop3A_287 : i32
        %parallel_loop3A_289 = arith.constant 16 : i32
        %parallel_loop3A_290 = arith.addi %parallel_loop3A_288, %parallel_loop3A_289 : i32
        %parallel_loop3A_291 = arith.constant 6 : i32
        %parallel_loop3A_292 = arith.index_cast %parallel_loop3A_291 : i32 to index
        %parallel_loop3A_293 = arith.index_cast %parallel_loop3A_290 : i32 to index
        %parallel_loop3A_294 = tpu.vector_load %arg12[%parallel_loop3A_292, %parallel_loop3A_293] {strides = array<i32>} : memref<8x1600xf32, #tpu.memory_space<vmem>>, vector<16xf32>,
        tpu.vector_store %arg12[%parallel_loop3A_292, %parallel_loop3A_293], %parallel_loop3A_286 {strides = array<i32>} : memref<8x1600xf32, #tpu.memory_space<vmem>>, vector<16xf32>,
        %parallel_loop3A_295 = arith.index_cast %parallel_loop3A_266 : i32 to index
        %parallel_loop3A_296 = arith.constant 32 : index
        %parallel_loop3A_297 = tpu.vector_load %arg9[%parallel_loop3A_295, %parallel_loop3A_296] {strides = array<i32>} : memref<100x128xf32, #tpu.memory_space<vmem>>, vector<16xf32>,
        %parallel_loop3A_298 = arith.constant 8.000000e+00 : f32
        %parallel_loop3A_299 = vector.broadcast %parallel_loop3A_298 : f32 to vector<16xf32>
        %parallel_loop3A_300 = arith.mulf %parallel_loop3A_297, %parallel_loop3A_299 : vector<16xf32>
        %parallel_loop3A_301 = arith.constant 64 : i32
        %parallel_loop3A_302 = arith.muli %parallel_loop3A_148, %parallel_loop3A_301 : i32
        %parallel_loop3A_303 = arith.constant 32 : i32
        %parallel_loop3A_304 = arith.addi %parallel_loop3A_302, %parallel_loop3A_303 : i32
        %parallel_loop3A_305 = arith.constant 6 : i32
        %parallel_loop3A_306 = arith.index_cast %parallel_loop3A_305 : i32 to index
        %parallel_loop3A_307 = arith.index_cast %parallel_loop3A_304 : i32 to index
        %parallel_loop3A_308 = tpu.vector_load %arg12[%parallel_loop3A_306, %parallel_loop3A_307] {strides = array<i32>} : memref<8x1600xf32, #tpu.memory_space<vmem>>, vector<16xf32>,
        tpu.vector_store %arg12[%parallel_loop3A_306, %parallel_loop3A_307], %parallel_loop3A_300 {strides = array<i32>} : memref<8x1600xf32, #tpu.memory_space<vmem>>, vector<16xf32>,
        %parallel_loop3A_309 = arith.index_cast %parallel_loop3A_266 : i32 to index
        %parallel_loop3A_310 = arith.constant 48 : index
        %parallel_loop3A_311 = tpu.vector_load %arg9[%parallel_loop3A_309, %parallel_loop3A_310] {strides = array<i32>} : memref<100x128xf32, #tpu.memory_space<vmem>>, vector<16xf32>,
        %parallel_loop3A_312 = arith.constant 8.000000e+00 : f32
        %parallel_loop3A_313 = vector.broadcast %parallel_loop3A_312 : f32 to vector<16xf32>
        %parallel_loop3A_314 = arith.mulf %parallel_loop3A_311, %parallel_loop3A_313 : vector<16xf32>
        %parallel_loop3A_315 = arith.constant 64 : i32
        %parallel_loop3A_316 = arith.muli %parallel_loop3A_148, %parallel_loop3A_315 : i32
        %parallel_loop3A_317 = arith.constant 48 : i32
        %parallel_loop3A_318 = arith.addi %parallel_loop3A_316, %parallel_loop3A_317 : i32
        %parallel_loop3A_319 = arith.constant 6 : i32
        %parallel_loop3A_320 = arith.index_cast %parallel_loop3A_319 : i32 to index
        %parallel_loop3A_321 = arith.index_cast %parallel_loop3A_318 : i32 to index
        %parallel_loop3A_322 = tpu.vector_load %arg12[%parallel_loop3A_320, %parallel_loop3A_321] {strides = array<i32>} : memref<8x1600xf32, #tpu.memory_space<vmem>>, vector<16xf32>,
        tpu.vector_store %arg12[%parallel_loop3A_320, %parallel_loop3A_321], %parallel_loop3A_314 {strides = array<i32>} : memref<8x1600xf32, #tpu.memory_space<vmem>>, vector<16xf32>,
        %parallel_loop3A_323 = arith.constant 75 : i32
        %parallel_loop3A_324 = arith.addi %parallel_loop3A_323, %parallel_loop3A_148 : i32
        %parallel_loop3A_325 = arith.index_cast %parallel_loop3A_324 : i32 to index
        %parallel_loop3A_326 = arith.constant 0 : index
        %parallel_loop3A_327 = tpu.vector_load %arg9[%parallel_loop3A_325, %parallel_loop3A_326] {strides = array<i32>} : memref<100x128xf32, #tpu.memory_space<vmem>>, vector<16xf32>,
        %parallel_loop3A_328 = arith.constant 8.000000e+00 : f32
        %parallel_loop3A_329 = vector.broadcast %parallel_loop3A_328 : f32 to vector<16xf32>
        %parallel_loop3A_330 = arith.mulf %parallel_loop3A_327, %parallel_loop3A_329 : vector<16xf32>
        %parallel_loop3A_331 = arith.constant 64 : i32
        %parallel_loop3A_332 = arith.muli %parallel_loop3A_148, %parallel_loop3A_331 : i32
        %parallel_loop3A_333 = arith.constant 0 : i32
        %parallel_loop3A_334 = arith.addi %parallel_loop3A_332, %parallel_loop3A_333 : i32
        %parallel_loop3A_335 = arith.constant 7 : i32
        %parallel_loop3A_336 = arith.index_cast %parallel_loop3A_335 : i32 to index
        %parallel_loop3A_337 = arith.index_cast %parallel_loop3A_334 : i32 to index
        %parallel_loop3A_338 = tpu.vector_load %arg12[%parallel_loop3A_336, %parallel_loop3A_337] {strides = array<i32>} : memref<8x1600xf32, #tpu.memory_space<vmem>>, vector<16xf32>,
        tpu.vector_store %arg12[%parallel_loop3A_336, %parallel_loop3A_337], %parallel_loop3A_330 {strides = array<i32>} : memref<8x1600xf32, #tpu.memory_space<vmem>>, vector<16xf32>,
        %parallel_loop3A_339 = arith.index_cast %parallel_loop3A_324 : i32 to index
        %parallel_loop3A_340 = arith.constant 16 : index
        %parallel_loop3A_341 = tpu.vector_load %arg9[%parallel_loop3A_339, %parallel_loop3A_340] {strides = array<i32>} : memref<100x128xf32, #tpu.memory_space<vmem>>, vector<16xf32>,
        %parallel_loop3A_342 = arith.constant 8.000000e+00 : f32
        %parallel_loop3A_343 = vector.broadcast %parallel_loop3A_342 : f32 to vector<16xf32>
        %parallel_loop3A_344 = arith.mulf %parallel_loop3A_341, %parallel_loop3A_343 : vector<16xf32>
        %parallel_loop3A_345 = arith.constant 64 : i32
        %parallel_loop3A_346 = arith.muli %parallel_loop3A_148, %parallel_loop3A_345 : i32
        %parallel_loop3A_347 = arith.constant 16 : i32
        %parallel_loop3A_348 = arith.addi %parallel_loop3A_346, %parallel_loop3A_347 : i32
        %parallel_loop3A_349 = arith.constant 7 : i32
        %parallel_loop3A_350 = arith.index_cast %parallel_loop3A_349 : i32 to index
        %parallel_loop3A_351 = arith.index_cast %parallel_loop3A_348 : i32 to index
        %parallel_loop3A_352 = tpu.vector_load %arg12[%parallel_loop3A_350, %parallel_loop3A_351] {strides = array<i32>} : memref<8x1600xf32, #tpu.memory_space<vmem>>, vector<16xf32>,
        tpu.vector_store %arg12[%parallel_loop3A_350, %parallel_loop3A_351], %parallel_loop3A_344 {strides = array<i32>} : memref<8x1600xf32, #tpu.memory_space<vmem>>, vector<16xf32>,
        %parallel_loop3A_353 = arith.index_cast %parallel_loop3A_324 : i32 to index
        %parallel_loop3A_354 = arith.constant 32 : index
        %parallel_loop3A_355 = tpu.vector_load %arg9[%parallel_loop3A_353, %parallel_loop3A_354] {strides = array<i32>} : memref<100x128xf32, #tpu.memory_space<vmem>>, vector<16xf32>,
        %parallel_loop3A_356 = arith.constant 8.000000e+00 : f32
        %parallel_loop3A_357 = vector.broadcast %parallel_loop3A_356 : f32 to vector<16xf32>
        %parallel_loop3A_358 = arith.mulf %parallel_loop3A_355, %parallel_loop3A_357 : vector<16xf32>
        %parallel_loop3A_359 = arith.constant 64 : i32
        %parallel_loop3A_360 = arith.muli %parallel_loop3A_148, %parallel_loop3A_359 : i32
        %parallel_loop3A_361 = arith.constant 32 : i32
        %parallel_loop3A_362 = arith.addi %parallel_loop3A_360, %parallel_loop3A_361 : i32
        %parallel_loop3A_363 = arith.constant 7 : i32
        %parallel_loop3A_364 = arith.index_cast %parallel_loop3A_363 : i32 to index
        %parallel_loop3A_365 = arith.index_cast %parallel_loop3A_362 : i32 to index
        %parallel_loop3A_366 = tpu.vector_load %arg12[%parallel_loop3A_364, %parallel_loop3A_365] {strides = array<i32>} : memref<8x1600xf32, #tpu.memory_space<vmem>>, vector<16xf32>,
        tpu.vector_store %arg12[%parallel_loop3A_364, %parallel_loop3A_365], %parallel_loop3A_358 {strides = array<i32>} : memref<8x1600xf32, #tpu.memory_space<vmem>>, vector<16xf32>,
        %parallel_loop3A_367 = arith.index_cast %parallel_loop3A_324 : i32 to index
        %parallel_loop3A_368 = arith.constant 48 : index
        %parallel_loop3A_369 = tpu.vector_load %arg9[%parallel_loop3A_367, %parallel_loop3A_368] {strides = array<i32>} : memref<100x128xf32, #tpu.memory_space<vmem>>, vector<16xf32>,
        %parallel_loop3A_370 = arith.constant 8.000000e+00 : f32
        %parallel_loop3A_371 = vector.broadcast %parallel_loop3A_370 : f32 to vector<16xf32>
        %parallel_loop3A_372 = arith.mulf %parallel_loop3A_369, %parallel_loop3A_371 : vector<16xf32>
        %parallel_loop3A_373 = arith.constant 64 : i32
        %parallel_loop3A_374 = arith.muli %parallel_loop3A_148, %parallel_loop3A_373 : i32
        %parallel_loop3A_375 = arith.constant 48 : i32
        %parallel_loop3A_376 = arith.addi %parallel_loop3A_374, %parallel_loop3A_375 : i32
        %parallel_loop3A_377 = arith.constant 7 : i32
        %parallel_loop3A_378 = arith.index_cast %parallel_loop3A_377 : i32 to index
        %parallel_loop3A_379 = arith.index_cast %parallel_loop3A_376 : i32 to index
        %parallel_loop3A_380 = tpu.vector_load %arg12[%parallel_loop3A_378, %parallel_loop3A_379] {strides = array<i32>} : memref<8x1600xf32, #tpu.memory_space<vmem>>, vector<16xf32>,
        tpu.vector_store %arg12[%parallel_loop3A_378, %parallel_loop3A_379], %parallel_loop3A_372 {strides = array<i32>} : memref<8x1600xf32, #tpu.memory_space<vmem>>, vector<16xf32>,
      } {sc.loop_unroll_factor = 1 : i64, sc.parallel_access}
      %add3A_82 = arith.constant 2 : i32
      %add3A_83 = arith.addi %add3A_56, %add3A_82 : i32
      %lt3A_84 = arith.constant 128 : i32
      %lt3A_85 = arith.cmpi slt, %add3A_83, %lt3A_84 : i32
      %convert_element_type3A_86 = arith.extui %lt3A_85 : i1 to i32
      %cond3A_87 = arith.constant 0 : i32
      %cond3A_88 = arith.cmpi ne, %convert_element_type3A_86, %cond3A_87 : i32
      scf.if %cond3A_88 {
        %add3A_148 = arith.constant 2 : i32
        %add3A_149 = arith.addi %add3A_56, %add3A_148 : i32
        %dma_start3A_150 = arith.constant 0 : i32
        %dma_start3A_151 = tpu.memref_slice %arg7[%add3A_149, %dma_start3A_150] : memref<128x100xi32, #tpu.memory_space<vmem>> -> memref<1x100xi32, #tpu.memory_space<vmem>>
        %dma_start3A_152 = tpu.memref_squeeze %dma_start3A_151 : memref<1x100xi32, #tpu.memory_space<vmem>> -> memref<100xi32, #tpu.memory_space<vmem>>
        %dma_start3A_153 = arith.constant 0 : i32
        %dma_start3A_154 = arith.constant 0 : i32
        %dma_start3A_155 = tpu.memref_slice %arg4[%dma_start3A_153, %dma_start3A_154] : memref<1000000x128xf32, #tpu.memory_space<hbm>> -> memref<1000000x128xf32, #tpu.memory_space<hbm>>
        tpu.enqueue_indirect_dma source(%dma_start3A_155 : memref<1000000x128xf32, #tpu.memory_space<hbm>>) target(%arg9 : memref<100x128xf32, #tpu.memory_space<vmem>>) offsets(%dma_start3A_152 : memref<100xi32, #tpu.memory_space<vmem>>) semaphore(%arg15 : memref<!tpu.dma_semaphore, #tpu.memory_space<semaphore_mem>>)
      } else {
      }
      %add3A_89 = arith.addi %mul3A_2, %add3A_56 : i32
      %dma_start3A_90 = arith.constant 0 : i32
      %dma_start3A_91 = arith.constant 0 : i32
      %dma_start3A_92 = tpu.memref_slice %arg5[%add3A_89, %dma_start3A_90, %dma_start3A_91] : memref<4096x8x1600xf32, #tpu.memory_space<hbm>> -> memref<1x8x1600xf32, #tpu.memory_space<hbm>>
      %dma_start3A_93 = tpu.memref_squeeze %dma_start3A_92 : memref<1x8x1600xf32, #tpu.memory_space<hbm>> -> memref<8x1600xf32, #tpu.memory_space<hbm>>
      %dma_start3A_94 = arith.constant 0 : i32
      %dma_start3A_95 = arith.constant 0 : i32
      %dma_start3A_96 = tpu.memref_slice %arg5[%add3A_89, %dma_start3A_94, %dma_start3A_95] : memref<4096x8x1600xf32, #tpu.memory_space<hbm>> -> memref<1x8x1600xf32, #tpu.memory_space<hbm>>
      %dma_start3A_97 = tpu.memref_squeeze %dma_start3A_96 : memref<1x8x1600xf32, #tpu.memory_space<hbm>> -> memref<8x1600xf32, #tpu.memory_space<hbm>>
      tpu.enqueue_dma source(%arg12 : memref<8x1600xf32, #tpu.memory_space<vmem>>) target(%dma_start3A_97 : memref<8x1600xf32, #tpu.memory_space<hbm>>) target_semaphore(%arg18 : memref<!tpu.dma_semaphore, #tpu.memory_space<semaphore_mem>>)
      %mul3A_98 = arith.constant 2 : i32
      %mul3A_99 = arith.muli %mul3A_98, %scan3A_52 : i32
      %add3A_100 = arith.constant 1 : i32
      %add3A_101 = arith.addi %mul3A_99, %add3A_100 : i32
      %ge3A_102 = arith.constant 2 : i32
      %ge3A_103 = arith.cmpi sge, %add3A_101, %ge3A_102 : i32
      %convert_element_type3A_104 = arith.extui %ge3A_103 : i1 to i32
      %cond3A_105 = arith.constant 0 : i32
      %cond3A_106 = arith.cmpi ne, %convert_element_type3A_104, %cond3A_105 : i32
      scf.if %cond3A_106 {
        %dma_wait3A_148 = arith.constant 0 : i32
        %dma_wait3A_149 = arith.constant 0 : i32
        %dma_wait3A_150 = arith.constant 0 : i32
        %dma_wait3A_151 = tpu.memref_slice %arg5[%dma_wait3A_148, %dma_wait3A_149, %dma_wait3A_150] : memref<4096x8x1600xf32, #tpu.memory_space<hbm>> -> memref<1x8x1600xf32, #tpu.memory_space<hbm>>
        %dma_wait3A_152 = tpu.memref_squeeze %dma_wait3A_151 : memref<1x8x1600xf32, #tpu.memory_space<hbm>> -> memref<8x1600xf32, #tpu.memory_space<hbm>>
        %dma_wait3A_153 = arith.constant 0 : i32
        %dma_wait3A_154 = arith.constant 0 : i32
        %dma_wait3A_155 = tpu.memref_slice %arg5[%dma_wait3A_148, %dma_wait3A_153, %dma_wait3A_154] : memref<4096x8x1600xf32, #tpu.memory_space<hbm>> -> memref<1x8x1600xf32, #tpu.memory_space<hbm>>
        %dma_wait3A_156 = tpu.memref_squeeze %dma_wait3A_155 : memref<1x8x1600xf32, #tpu.memory_space<hbm>> -> memref<8x1600xf32, #tpu.memory_space<hbm>>
        tpu.wait_dma2 semaphore(%arg19 : memref<!tpu.dma_semaphore, #tpu.memory_space<semaphore_mem>>) src(%arg13 : memref<8x1600xf32, #tpu.memory_space<vmem>>) dst(%dma_wait3A_156 : memref<8x1600xf32, #tpu.memory_space<hbm>>)
      } else {
      }
      %dma_wait3A_107 = arith.constant 0 : i32
      %dma_wait3A_108 = tpu.memref_slice %arg6[%add3A_101, %dma_wait3A_107] : memref<128x100xi32, #tpu.memory_space<vmem>> -> memref<1x100xi32, #tpu.memory_space<vmem>>
      %dma_wait3A_109 = tpu.memref_squeeze %dma_wait3A_108 : memref<1x100xi32, #tpu.memory_space<vmem>> -> memref<100xi32, #tpu.memory_space<vmem>>
      %dma_wait3A_110 = arith.constant 0 : i32
      %dma_wait3A_111 = arith.constant 0 : i32
      %dma_wait3A_112 = tpu.memref_slice %arg4[%dma_wait3A_110, %dma_wait3A_111] : memref<1000000x128xf32, #tpu.memory_space<hbm>> -> memref<1000000x128xf32, #tpu.memory_space<hbm>>
      tpu.wait_indirect_dma semaphore(%arg16 : memref<!tpu.dma_semaphore, #tpu.memory_space<semaphore_mem>>) src(%dma_wait3A_112 : memref<1000000x128xf32, #tpu.memory_space<hbm>>) dst(%arg10 : memref<100x128xf32, #tpu.memory_space<vmem>>)
      %parallel_loop3A_113 = arith.constant 0 : i32
      %parallel_loop3A_114 = arith.constant 25 : i32
      %parallel_loop3A_115 = arith.constant 1 : i32
      scf.for %parallel_loop3A_148 = %parallel_loop3A_113 to %parallel_loop3A_114 step %parallel_loop3A_115  : i32 {
        %parallel_loop3A_149 = arith.constant 0 : i32
        %parallel_loop3A_150 = arith.addi %parallel_loop3A_149, %parallel_loop3A_148 : i32
        %parallel_loop3A_151 = arith.index_cast %parallel_loop3A_150 : i32 to index
        %parallel_loop3A_152 = arith.constant 0 : index
        %parallel_loop3A_153 = tpu.vector_load %arg10[%parallel_loop3A_151, %parallel_loop3A_152] {strides = array<i32>} : memref<100x128xf32, #tpu.memory_space<vmem>>, vector<16xf32>,
        %parallel_loop3A_154 = arith.constant 8.000000e+00 : f32
        %parallel_loop3A_155 = vector.broadcast %parallel_loop3A_154 : f32 to vector<16xf32>
        %parallel_loop3A_156 = arith.mulf %parallel_loop3A_153, %parallel_loop3A_155 : vector<16xf32>
        %parallel_loop3A_157 = arith.constant 64 : i32
        %parallel_loop3A_158 = arith.muli %parallel_loop3A_148, %parallel_loop3A_157 : i32
        %parallel_loop3A_159 = arith.constant 0 : i32
        %parallel_loop3A_160 = arith.addi %parallel_loop3A_158, %parallel_loop3A_159 : i32
        %parallel_loop3A_161 = arith.constant 0 : i32
        %parallel_loop3A_162 = arith.index_cast %parallel_loop3A_161 : i32 to index
        %parallel_loop3A_163 = arith.index_cast %parallel_loop3A_160 : i32 to index
        %parallel_loop3A_164 = tpu.vector_load %arg13[%parallel_loop3A_162, %parallel_loop3A_163] {strides = array<i32>} : memref<8x1600xf32, #tpu.memory_space<vmem>>, vector<16xf32>,
        tpu.vector_store %arg13[%parallel_loop3A_162, %parallel_loop3A_163], %parallel_loop3A_156 {strides = array<i32>} : memref<8x1600xf32, #tpu.memory_space<vmem>>, vector<16xf32>,
        %parallel_loop3A_165 = arith.index_cast %parallel_loop3A_150 : i32 to index
        %parallel_loop3A_166 = arith.constant 16 : index
        %parallel_loop3A_167 = tpu.vector_load %arg10[%parallel_loop3A_165, %parallel_loop3A_166] {strides = array<i32>} : memref<100x128xf32, #tpu.memory_space<vmem>>, vector<16xf32>,
        %parallel_loop3A_168 = arith.constant 8.000000e+00 : f32
        %parallel_loop3A_169 = vector.broadcast %parallel_loop3A_168 : f32 to vector<16xf32>
        %parallel_loop3A_170 = arith.mulf %parallel_loop3A_167, %parallel_loop3A_169 : vector<16xf32>
        %parallel_loop3A_171 = arith.constant 64 : i32
        %parallel_loop3A_172 = arith.muli %parallel_loop3A_148, %parallel_loop3A_171 : i32
        %parallel_loop3A_173 = arith.constant 16 : i32
        %parallel_loop3A_174 = arith.addi %parallel_loop3A_172, %parallel_loop3A_173 : i32
        %parallel_loop3A_175 = arith.constant 0 : i32
        %parallel_loop3A_176 = arith.index_cast %parallel_loop3A_175 : i32 to index
        %parallel_loop3A_177 = arith.index_cast %parallel_loop3A_174 : i32 to index
        %parallel_loop3A_178 = tpu.vector_load %arg13[%parallel_loop3A_176, %parallel_loop3A_177] {strides = array<i32>} : memref<8x1600xf32, #tpu.memory_space<vmem>>, vector<16xf32>,
        tpu.vector_store %arg13[%parallel_loop3A_176, %parallel_loop3A_177], %parallel_loop3A_170 {strides = array<i32>} : memref<8x1600xf32, #tpu.memory_space<vmem>>, vector<16xf32>,
        %parallel_loop3A_179 = arith.index_cast %parallel_loop3A_150 : i32 to index
        %parallel_loop3A_180 = arith.constant 32 : index
        %parallel_loop3A_181 = tpu.vector_load %arg10[%parallel_loop3A_179, %parallel_loop3A_180] {strides = array<i32>} : memref<100x128xf32, #tpu.memory_space<vmem>>, vector<16xf32>,
        %parallel_loop3A_182 = arith.constant 8.000000e+00 : f32
        %parallel_loop3A_183 = vector.broadcast %parallel_loop3A_182 : f32 to vector<16xf32>
        %parallel_loop3A_184 = arith.mulf %parallel_loop3A_181, %parallel_loop3A_183 : vector<16xf32>
        %parallel_loop3A_185 = arith.constant 64 : i32
        %parallel_loop3A_186 = arith.muli %parallel_loop3A_148, %parallel_loop3A_185 : i32
        %parallel_loop3A_187 = arith.constant 32 : i32
        %parallel_loop3A_188 = arith.addi %parallel_loop3A_186, %parallel_loop3A_187 : i32
        %parallel_loop3A_189 = arith.constant 0 : i32
        %parallel_loop3A_190 = arith.index_cast %parallel_loop3A_189 : i32 to index
        %parallel_loop3A_191 = arith.index_cast %parallel_loop3A_188 : i32 to index
        %parallel_loop3A_192 = tpu.vector_load %arg13[%parallel_loop3A_190, %parallel_loop3A_191] {strides = array<i32>} : memref<8x1600xf32, #tpu.memory_space<vmem>>, vector<16xf32>,
        tpu.vector_store %arg13[%parallel_loop3A_190, %parallel_loop3A_191], %parallel_loop3A_184 {strides = array<i32>} : memref<8x1600xf32, #tpu.memory_space<vmem>>, vector<16xf32>,
        %parallel_loop3A_193 = arith.index_cast %parallel_loop3A_150 : i32 to index
        %parallel_loop3A_194 = arith.constant 48 : index
        %parallel_loop3A_195 = tpu.vector_load %arg10[%parallel_loop3A_193, %parallel_loop3A_194] {strides = array<i32>} : memref<100x128xf32, #tpu.memory_space<vmem>>, vector<16xf32>,
        %parallel_loop3A_196 = arith.constant 8.000000e+00 : f32
        %parallel_loop3A_197 = vector.broadcast %parallel_loop3A_196 : f32 to vector<16xf32>
        %parallel_loop3A_198 = arith.mulf %parallel_loop3A_195, %parallel_loop3A_197 : vector<16xf32>
        %parallel_loop3A_199 = arith.constant 64 : i32
        %parallel_loop3A_200 = arith.muli %parallel_loop3A_148, %parallel_loop3A_199 : i32
        %parallel_loop3A_201 = arith.constant 48 : i32
        %parallel_loop3A_202 = arith.addi %parallel_loop3A_200, %parallel_loop3A_201 : i32
        %parallel_loop3A_203 = arith.constant 0 : i32
        %parallel_loop3A_204 = arith.index_cast %parallel_loop3A_203 : i32 to index
        %parallel_loop3A_205 = arith.index_cast %parallel_loop3A_202 : i32 to index
        %parallel_loop3A_206 = tpu.vector_load %arg13[%parallel_loop3A_204, %parallel_loop3A_205] {strides = array<i32>} : memref<8x1600xf32, #tpu.memory_space<vmem>>, vector<16xf32>,
        tpu.vector_store %arg13[%parallel_loop3A_204, %parallel_loop3A_205], %parallel_loop3A_198 {strides = array<i32>} : memref<8x1600xf32, #tpu.memory_space<vmem>>, vector<16xf32>,
        %parallel_loop3A_207 = arith.constant 25 : i32
        %parallel_loop3A_208 = arith.addi %parallel_loop3A_207, %parallel_loop3A_148 : i32
        %parallel_loop3A_209 = arith.index_cast %parallel_loop3A_208 : i32 to index
        %parallel_loop3A_210 = arith.constant 0 : index
        %parallel_loop3A_211 = tpu.vector_load %arg10[%parallel_loop3A_209, %parallel_loop3A_210] {strides = array<i32>} : memref<100x128xf32, #tpu.memory_space<vmem>>, vector<16xf32>,
        %parallel_loop3A_212 = arith.constant 8.000000e+00 : f32
        %parallel_loop3A_213 = vector.broadcast %parallel_loop3A_212 : f32 to vector<16xf32>
        %parallel_loop3A_214 = arith.mulf %parallel_loop3A_211, %parallel_loop3A_213 : vector<16xf32>
        %parallel_loop3A_215 = arith.constant 64 : i32
        %parallel_loop3A_216 = arith.muli %parallel_loop3A_148, %parallel_loop3A_215 : i32
        %parallel_loop3A_217 = arith.constant 0 : i32
        %parallel_loop3A_218 = arith.addi %parallel_loop3A_216, %parallel_loop3A_217 : i32
        %parallel_loop3A_219 = arith.constant 1 : i32
        %parallel_loop3A_220 = arith.index_cast %parallel_loop3A_219 : i32 to index
        %parallel_loop3A_221 = arith.index_cast %parallel_loop3A_218 : i32 to index
        %parallel_loop3A_222 = tpu.vector_load %arg13[%parallel_loop3A_220, %parallel_loop3A_221] {strides = array<i32>} : memref<8x1600xf32, #tpu.memory_space<vmem>>, vector<16xf32>,
        tpu.vector_store %arg13[%parallel_loop3A_220, %parallel_loop3A_221], %parallel_loop3A_214 {strides = array<i32>} : memref<8x1600xf32, #tpu.memory_space<vmem>>, vector<16xf32>,
        %parallel_loop3A_223 = arith.index_cast %parallel_loop3A_208 : i32 to index
        %parallel_loop3A_224 = arith.constant 16 : index
        %parallel_loop3A_225 = tpu.vector_load %arg10[%parallel_loop3A_223, %parallel_loop3A_224] {strides = array<i32>} : memref<100x128xf32, #tpu.memory_space<vmem>>, vector<16xf32>,
        %parallel_loop3A_226 = arith.constant 8.000000e+00 : f32
        %parallel_loop3A_227 = vector.broadcast %parallel_loop3A_226 : f32 to vector<16xf32>
        %parallel_loop3A_228 = arith.mulf %parallel_loop3A_225, %parallel_loop3A_227 : vector<16xf32>
        %parallel_loop3A_229 = arith.constant 64 : i32
        %parallel_loop3A_230 = arith.muli %parallel_loop3A_148, %parallel_loop3A_229 : i32
        %parallel_loop3A_231 = arith.constant 16 : i32
        %parallel_loop3A_232 = arith.addi %parallel_loop3A_230, %parallel_loop3A_231 : i32
        %parallel_loop3A_233 = arith.constant 1 : i32
        %parallel_loop3A_234 = arith.index_cast %parallel_loop3A_233 : i32 to index
        %parallel_loop3A_235 = arith.index_cast %parallel_loop3A_232 : i32 to index
        %parallel_loop3A_236 = tpu.vector_load %arg13[%parallel_loop3A_234, %parallel_loop3A_235] {strides = array<i32>} : memref<8x1600xf32, #tpu.memory_space<vmem>>, vector<16xf32>,
        tpu.vector_store %arg13[%parallel_loop3A_234, %parallel_loop3A_235], %parallel_loop3A_228 {strides = array<i32>} : memref<8x1600xf32, #tpu.memory_space<vmem>>, vector<16xf32>,
        %parallel_loop3A_237 = arith.index_cast %parallel_loop3A_208 : i32 to index
        %parallel_loop3A_238 = arith.constant 32 : index
        %parallel_loop3A_239 = tpu.vector_load %arg10[%parallel_loop3A_237, %parallel_loop3A_238] {strides = array<i32>} : memref<100x128xf32, #tpu.memory_space<vmem>>, vector<16xf32>,
        %parallel_loop3A_240 = arith.constant 8.000000e+00 : f32
        %parallel_loop3A_241 = vector.broadcast %parallel_loop3A_240 : f32 to vector<16xf32>
        %parallel_loop3A_242 = arith.mulf %parallel_loop3A_239, %parallel_loop3A_241 : vector<16xf32>
        %parallel_loop3A_243 = arith.constant 64 : i32
        %parallel_loop3A_244 = arith.muli %parallel_loop3A_148, %parallel_loop3A_243 : i32
        %parallel_loop3A_245 = arith.constant 32 : i32
        %parallel_loop3A_246 = arith.addi %parallel_loop3A_244, %parallel_loop3A_245 : i32
        %parallel_loop3A_247 = arith.constant 1 : i32
        %parallel_loop3A_248 = arith.index_cast %parallel_loop3A_247 : i32 to index
        %parallel_loop3A_249 = arith.index_cast %parallel_loop3A_246 : i32 to index
        %parallel_loop3A_250 = tpu.vector_load %arg13[%parallel_loop3A_248, %parallel_loop3A_249] {strides = array<i32>} : memref<8x1600xf32, #tpu.memory_space<vmem>>, vector<16xf32>,
        tpu.vector_store %arg13[%parallel_loop3A_248, %parallel_loop3A_249], %parallel_loop3A_242 {strides = array<i32>} : memref<8x1600xf32, #tpu.memory_space<vmem>>, vector<16xf32>,
        %parallel_loop3A_251 = arith.index_cast %parallel_loop3A_208 : i32 to index
        %parallel_loop3A_252 = arith.constant 48 : index
        %parallel_loop3A_253 = tpu.vector_load %arg10[%parallel_loop3A_251, %parallel_loop3A_252] {strides = array<i32>} : memref<100x128xf32, #tpu.memory_space<vmem>>, vector<16xf32>,
        %parallel_loop3A_254 = arith.constant 8.000000e+00 : f32
        %parallel_loop3A_255 = vector.broadcast %parallel_loop3A_254 : f32 to vector<16xf32>
        %parallel_loop3A_256 = arith.mulf %parallel_loop3A_253, %parallel_loop3A_255 : vector<16xf32>
        %parallel_loop3A_257 = arith.constant 64 : i32
        %parallel_loop3A_258 = arith.muli %parallel_loop3A_148, %parallel_loop3A_257 : i32
        %parallel_loop3A_259 = arith.constant 48 : i32
        %parallel_loop3A_260 = arith.addi %parallel_loop3A_258, %parallel_loop3A_259 : i32
        %parallel_loop3A_261 = arith.constant 1 : i32
        %parallel_loop3A_262 = arith.index_cast %parallel_loop3A_261 : i32 to index
        %parallel_loop3A_263 = arith.index_cast %parallel_loop3A_260 : i32 to index
        %parallel_loop3A_264 = tpu.vector_load %arg13[%parallel_loop3A_262, %parallel_loop3A_263] {strides = array<i32>} : memref<8x1600xf32, #tpu.memory_space<vmem>>, vector<16xf32>,
        tpu.vector_store %arg13[%parallel_loop3A_262, %parallel_loop3A_263], %parallel_loop3A_256 {strides = array<i32>} : memref<8x1600xf32, #tpu.memory_space<vmem>>, vector<16xf32>,
        %parallel_loop3A_265 = arith.constant 50 : i32
        %parallel_loop3A_266 = arith.addi %parallel_loop3A_265, %parallel_loop3A_148 : i32
        %parallel_loop3A_267 = arith.index_cast %parallel_loop3A_266 : i32 to index
        %parallel_loop3A_268 = arith.constant 0 : index
        %parallel_loop3A_269 = tpu.vector_load %arg10[%parallel_loop3A_267, %parallel_loop3A_268] {strides = array<i32>} : memref<100x128xf32, #tpu.memory_space<vmem>>, vector<16xf32>,
        %parallel_loop3A_270 = arith.constant 8.000000e+00 : f32
        %parallel_loop3A_271 = vector.broadcast %parallel_loop3A_270 : f32 to vector<16xf32>
        %parallel_loop3A_272 = arith.mulf %parallel_loop3A_269, %parallel_loop3A_271 : vector<16xf32>
        %parallel_loop3A_273 = arith.constant 64 : i32
        %parallel_loop3A_274 = arith.muli %parallel_loop3A_148, %parallel_loop3A_273 : i32
        %parallel_loop3A_275 = arith.constant 0 : i32
        %parallel_loop3A_276 = arith.addi %parallel_loop3A_274, %parallel_loop3A_275 : i32
        %parallel_loop3A_277 = arith.constant 2 : i32
        %parallel_loop3A_278 = arith.index_cast %parallel_loop3A_277 : i32 to index
        %parallel_loop3A_279 = arith.index_cast %parallel_loop3A_276 : i32 to index
        %parallel_loop3A_280 = tpu.vector_load %arg13[%parallel_loop3A_278, %parallel_loop3A_279] {strides = array<i32>} : memref<8x1600xf32, #tpu.memory_space<vmem>>, vector<16xf32>,
        tpu.vector_store %arg13[%parallel_loop3A_278, %parallel_loop3A_279], %parallel_loop3A_272 {strides = array<i32>} : memref<8x1600xf32, #tpu.memory_space<vmem>>, vector<16xf32>,
        %parallel_loop3A_281 = arith.index_cast %parallel_loop3A_266 : i32 to index
        %parallel_loop3A_282 = arith.constant 16 : index
        %parallel_loop3A_283 = tpu.vector_load %arg10[%parallel_loop3A_281, %parallel_loop3A_282] {strides = array<i32>} : memref<100x128xf32, #tpu.memory_space<vmem>>, vector<16xf32>,
        %parallel_loop3A_284 = arith.constant 8.000000e+00 : f32
        %parallel_loop3A_285 = vector.broadcast %parallel_loop3A_284 : f32 to vector<16xf32>
        %parallel_loop3A_286 = arith.mulf %parallel_loop3A_283, %parallel_loop3A_285 : vector<16xf32>
        %parallel_loop3A_287 = arith.constant 64 : i32
        %parallel_loop3A_288 = arith.muli %parallel_loop3A_148, %parallel_loop3A_287 : i32
        %parallel_loop3A_289 = arith.constant 16 : i32
        %parallel_loop3A_290 = arith.addi %parallel_loop3A_288, %parallel_loop3A_289 : i32
        %parallel_loop3A_291 = arith.constant 2 : i32
        %parallel_loop3A_292 = arith.index_cast %parallel_loop3A_291 : i32 to index
        %parallel_loop3A_293 = arith.index_cast %parallel_loop3A_290 : i32 to index
        %parallel_loop3A_294 = tpu.vector_load %arg13[%parallel_loop3A_292, %parallel_loop3A_293] {strides = array<i32>} : memref<8x1600xf32, #tpu.memory_space<vmem>>, vector<16xf32>,
        tpu.vector_store %arg13[%parallel_loop3A_292, %parallel_loop3A_293], %parallel_loop3A_286 {strides = array<i32>} : memref<8x1600xf32, #tpu.memory_space<vmem>>, vector<16xf32>,
        %parallel_loop3A_295 = arith.index_cast %parallel_loop3A_266 : i32 to index
        %parallel_loop3A_296 = arith.constant 32 : index
        %parallel_loop3A_297 = tpu.vector_load %arg10[%parallel_loop3A_295, %parallel_loop3A_296] {strides = array<i32>} : memref<100x128xf32, #tpu.memory_space<vmem>>, vector<16xf32>,
        %parallel_loop3A_298 = arith.constant 8.000000e+00 : f32
        %parallel_loop3A_299 = vector.broadcast %parallel_loop3A_298 : f32 to vector<16xf32>
        %parallel_loop3A_300 = arith.mulf %parallel_loop3A_297, %parallel_loop3A_299 : vector<16xf32>
        %parallel_loop3A_301 = arith.constant 64 : i32
        %parallel_loop3A_302 = arith.muli %parallel_loop3A_148, %parallel_loop3A_301 : i32
        %parallel_loop3A_303 = arith.constant 32 : i32
        %parallel_loop3A_304 = arith.addi %parallel_loop3A_302, %parallel_loop3A_303 : i32
        %parallel_loop3A_305 = arith.constant 2 : i32
        %parallel_loop3A_306 = arith.index_cast %parallel_loop3A_305 : i32 to index
        %parallel_loop3A_307 = arith.index_cast %parallel_loop3A_304 : i32 to index
        %parallel_loop3A_308 = tpu.vector_load %arg13[%parallel_loop3A_306, %parallel_loop3A_307] {strides = array<i32>} : memref<8x1600xf32, #tpu.memory_space<vmem>>, vector<16xf32>,
        tpu.vector_store %arg13[%parallel_loop3A_306, %parallel_loop3A_307], %parallel_loop3A_300 {strides = array<i32>} : memref<8x1600xf32, #tpu.memory_space<vmem>>, vector<16xf32>,
        %parallel_loop3A_309 = arith.index_cast %parallel_loop3A_266 : i32 to index
        %parallel_loop3A_310 = arith.constant 48 : index
        %parallel_loop3A_311 = tpu.vector_load %arg10[%parallel_loop3A_309, %parallel_loop3A_310] {strides = array<i32>} : memref<100x128xf32, #tpu.memory_space<vmem>>, vector<16xf32>,
        %parallel_loop3A_312 = arith.constant 8.000000e+00 : f32
        %parallel_loop3A_313 = vector.broadcast %parallel_loop3A_312 : f32 to vector<16xf32>
        %parallel_loop3A_314 = arith.mulf %parallel_loop3A_311, %parallel_loop3A_313 : vector<16xf32>
        %parallel_loop3A_315 = arith.constant 64 : i32
        %parallel_loop3A_316 = arith.muli %parallel_loop3A_148, %parallel_loop3A_315 : i32
        %parallel_loop3A_317 = arith.constant 48 : i32
        %parallel_loop3A_318 = arith.addi %parallel_loop3A_316, %parallel_loop3A_317 : i32
        %parallel_loop3A_319 = arith.constant 2 : i32
        %parallel_loop3A_320 = arith.index_cast %parallel_loop3A_319 : i32 to index
        %parallel_loop3A_321 = arith.index_cast %parallel_loop3A_318 : i32 to index
        %parallel_loop3A_322 = tpu.vector_load %arg13[%parallel_loop3A_320, %parallel_loop3A_321] {strides = array<i32>} : memref<8x1600xf32, #tpu.memory_space<vmem>>, vector<16xf32>,
        tpu.vector_store %arg13[%parallel_loop3A_320, %parallel_loop3A_321], %parallel_loop3A_314 {strides = array<i32>} : memref<8x1600xf32, #tpu.memory_space<vmem>>, vector<16xf32>,
        %parallel_loop3A_323 = arith.constant 75 : i32
        %parallel_loop3A_324 = arith.addi %parallel_loop3A_323, %parallel_loop3A_148 : i32
        %parallel_loop3A_325 = arith.index_cast %parallel_loop3A_324 : i32 to index
        %parallel_loop3A_326 = arith.constant 0 : index
        %parallel_loop3A_327 = tpu.vector_load %arg10[%parallel_loop3A_325, %parallel_loop3A_326] {strides = array<i32>} : memref<100x128xf32, #tpu.memory_space<vmem>>, vector<16xf32>,
        %parallel_loop3A_328 = arith.constant 8.000000e+00 : f32
        %parallel_loop3A_329 = vector.broadcast %parallel_loop3A_328 : f32 to vector<16xf32>
        %parallel_loop3A_330 = arith.mulf %parallel_loop3A_327, %parallel_loop3A_329 : vector<16xf32>
        %parallel_loop3A_331 = arith.constant 64 : i32
        %parallel_loop3A_332 = arith.muli %parallel_loop3A_148, %parallel_loop3A_331 : i32
        %parallel_loop3A_333 = arith.constant 0 : i32
        %parallel_loop3A_334 = arith.addi %parallel_loop3A_332, %parallel_loop3A_333 : i32
        %parallel_loop3A_335 = arith.constant 3 : i32
        %parallel_loop3A_336 = arith.index_cast %parallel_loop3A_335 : i32 to index
        %parallel_loop3A_337 = arith.index_cast %parallel_loop3A_334 : i32 to index
        %parallel_loop3A_338 = tpu.vector_load %arg13[%parallel_loop3A_336, %parallel_loop3A_337] {strides = array<i32>} : memref<8x1600xf32, #tpu.memory_space<vmem>>, vector<16xf32>,
        tpu.vector_store %arg13[%parallel_loop3A_336, %parallel_loop3A_337], %parallel_loop3A_330 {strides = array<i32>} : memref<8x1600xf32, #tpu.memory_space<vmem>>, vector<16xf32>,
        %parallel_loop3A_339 = arith.index_cast %parallel_loop3A_324 : i32 to index
        %parallel_loop3A_340 = arith.constant 16 : index
        %parallel_loop3A_341 = tpu.vector_load %arg10[%parallel_loop3A_339, %parallel_loop3A_340] {strides = array<i32>} : memref<100x128xf32, #tpu.memory_space<vmem>>, vector<16xf32>,
        %parallel_loop3A_342 = arith.constant 8.000000e+00 : f32
        %parallel_loop3A_343 = vector.broadcast %parallel_loop3A_342 : f32 to vector<16xf32>
        %parallel_loop3A_344 = arith.mulf %parallel_loop3A_341, %parallel_loop3A_343 : vector<16xf32>
        %parallel_loop3A_345 = arith.constant 64 : i32
        %parallel_loop3A_346 = arith.muli %parallel_loop3A_148, %parallel_loop3A_345 : i32
        %parallel_loop3A_347 = arith.constant 16 : i32
        %parallel_loop3A_348 = arith.addi %parallel_loop3A_346, %parallel_loop3A_347 : i32
        %parallel_loop3A_349 = arith.constant 3 : i32
        %parallel_loop3A_350 = arith.index_cast %parallel_loop3A_349 : i32 to index
        %parallel_loop3A_351 = arith.index_cast %parallel_loop3A_348 : i32 to index
        %parallel_loop3A_352 = tpu.vector_load %arg13[%parallel_loop3A_350, %parallel_loop3A_351] {strides = array<i32>} : memref<8x1600xf32, #tpu.memory_space<vmem>>, vector<16xf32>,
        tpu.vector_store %arg13[%parallel_loop3A_350, %parallel_loop3A_351], %parallel_loop3A_344 {strides = array<i32>} : memref<8x1600xf32, #tpu.memory_space<vmem>>, vector<16xf32>,
        %parallel_loop3A_353 = arith.index_cast %parallel_loop3A_324 : i32 to index
        %parallel_loop3A_354 = arith.constant 32 : index
        %parallel_loop3A_355 = tpu.vector_load %arg10[%parallel_loop3A_353, %parallel_loop3A_354] {strides = array<i32>} : memref<100x128xf32, #tpu.memory_space<vmem>>, vector<16xf32>,
        %parallel_loop3A_356 = arith.constant 8.000000e+00 : f32
        %parallel_loop3A_357 = vector.broadcast %parallel_loop3A_356 : f32 to vector<16xf32>
        %parallel_loop3A_358 = arith.mulf %parallel_loop3A_355, %parallel_loop3A_357 : vector<16xf32>
        %parallel_loop3A_359 = arith.constant 64 : i32
        %parallel_loop3A_360 = arith.muli %parallel_loop3A_148, %parallel_loop3A_359 : i32
        %parallel_loop3A_361 = arith.constant 32 : i32
        %parallel_loop3A_362 = arith.addi %parallel_loop3A_360, %parallel_loop3A_361 : i32
        %parallel_loop3A_363 = arith.constant 3 : i32
        %parallel_loop3A_364 = arith.index_cast %parallel_loop3A_363 : i32 to index
        %parallel_loop3A_365 = arith.index_cast %parallel_loop3A_362 : i32 to index
        %parallel_loop3A_366 = tpu.vector_load %arg13[%parallel_loop3A_364, %parallel_loop3A_365] {strides = array<i32>} : memref<8x1600xf32, #tpu.memory_space<vmem>>, vector<16xf32>,
        tpu.vector_store %arg13[%parallel_loop3A_364, %parallel_loop3A_365], %parallel_loop3A_358 {strides = array<i32>} : memref<8x1600xf32, #tpu.memory_space<vmem>>, vector<16xf32>,
        %parallel_loop3A_367 = arith.index_cast %parallel_loop3A_324 : i32 to index
        %parallel_loop3A_368 = arith.constant 48 : index
        %parallel_loop3A_369 = tpu.vector_load %arg10[%parallel_loop3A_367, %parallel_loop3A_368] {strides = array<i32>} : memref<100x128xf32, #tpu.memory_space<vmem>>, vector<16xf32>,
        %parallel_loop3A_370 = arith.constant 8.000000e+00 : f32
        %parallel_loop3A_371 = vector.broadcast %parallel_loop3A_370 : f32 to vector<16xf32>
        %parallel_loop3A_372 = arith.mulf %parallel_loop3A_369, %parallel_loop3A_371 : vector<16xf32>
        %parallel_loop3A_373 = arith.constant 64 : i32
        %parallel_loop3A_374 = arith.muli %parallel_loop3A_148, %parallel_loop3A_373 : i32
        %parallel_loop3A_375 = arith.constant 48 : i32
        %parallel_loop3A_376 = arith.addi %parallel_loop3A_374, %parallel_loop3A_375 : i32
        %parallel_loop3A_377 = arith.constant 3 : i32
        %parallel_loop3A_378 = arith.index_cast %parallel_loop3A_377 : i32 to index
        %parallel_loop3A_379 = arith.index_cast %parallel_loop3A_376 : i32 to index
        %parallel_loop3A_380 = tpu.vector_load %arg13[%parallel_loop3A_378, %parallel_loop3A_379] {strides = array<i32>} : memref<8x1600xf32, #tpu.memory_space<vmem>>, vector<16xf32>,
        tpu.vector_store %arg13[%parallel_loop3A_378, %parallel_loop3A_379], %parallel_loop3A_372 {strides = array<i32>} : memref<8x1600xf32, #tpu.memory_space<vmem>>, vector<16xf32>,
      } {sc.loop_unroll_factor = 1 : i64, sc.parallel_access}
      %add3A_116 = arith.constant 2 : i32
      %add3A_117 = arith.addi %add3A_101, %add3A_116 : i32
      %lt3A_118 = arith.constant 128 : i32
      %lt3A_119 = arith.cmpi slt, %add3A_117, %lt3A_118 : i32
      %convert_element_type3A_120 = arith.extui %lt3A_119 : i1 to i32
      %cond3A_121 = arith.constant 0 : i32
      %cond3A_122 = arith.cmpi ne, %convert_element_type3A_120, %cond3A_121 : i32
      scf.if %cond3A_122 {
        %add3A_148 = arith.constant 2 : i32
        %add3A_149 = arith.addi %add3A_101, %add3A_148 : i32
        %dma_start3A_150 = arith.constant 0 : i32
        %dma_start3A_151 = tpu.memref_slice %arg6[%add3A_149, %dma_start3A_150] : memref<128x100xi32, #tpu.memory_space<vmem>> -> memref<1x100xi32, #tpu.memory_space<vmem>>
        %dma_start3A_152 = tpu.memref_squeeze %dma_start3A_151 : memref<1x100xi32, #tpu.memory_space<vmem>> -> memref<100xi32, #tpu.memory_space<vmem>>
        %dma_start3A_153 = arith.constant 0 : i32
        %dma_start3A_154 = arith.constant 0 : i32
        %dma_start3A_155 = tpu.memref_slice %arg4[%dma_start3A_153, %dma_start3A_154] : memref<1000000x128xf32, #tpu.memory_space<hbm>> -> memref<1000000x128xf32, #tpu.memory_space<hbm>>
        tpu.enqueue_indirect_dma source(%dma_start3A_155 : memref<1000000x128xf32, #tpu.memory_space<hbm>>) target(%arg10 : memref<100x128xf32, #tpu.memory_space<vmem>>) offsets(%dma_start3A_152 : memref<100xi32, #tpu.memory_space<vmem>>) semaphore(%arg16 : memref<!tpu.dma_semaphore, #tpu.memory_space<semaphore_mem>>)
      } else {
      }
      %dma_wait3A_123 = arith.constant 0 : i32
      %dma_wait3A_124 = tpu.memref_slice %arg7[%add3A_101, %dma_wait3A_123] : memref<128x100xi32, #tpu.memory_space<vmem>> -> memref<1x100xi32, #tpu.memory_space<vmem>>
      %dma_wait3A_125 = tpu.memref_squeeze %dma_wait3A_124 : memref<1x100xi32, #tpu.memory_space<vmem>> -> memref<100xi32, #tpu.memory_space<vmem>>
      %dma_wait3A_126 = arith.constant 0 : i32
      %dma_wait3A_127 = arith.constant 0 : i32
      %dma_wait3A_128 = tpu.memref_slice %arg4[%dma_wait3A_126, %dma_wait3A_127] : memref<1000000x128xf32, #tpu.memory_space<hbm>> -> memref<1000000x128xf32, #tpu.memory_space<hbm>>
      tpu.wait_indirect_dma semaphore(%arg17 : memref<!tpu.dma_semaphore, #tpu.memory_space<semaphore_mem>>) src(%dma_wait3A_128 : memref<1000000x128xf32, #tpu.memory_space<hbm>>) dst(%arg11 : memref<100x128xf32, #tpu.memory_space<vmem>>)
      %parallel_loop3A_129 = arith.constant 0 : i32
      %parallel_loop3A_130 = arith.constant 25 : i32
      %parallel_loop3A_131 = arith.constant 1 : i32
      scf.for %parallel_loop3A_148 = %parallel_loop3A_129 to %parallel_loop3A_130 step %parallel_loop3A_131  : i32 {
        %parallel_loop3A_149 = arith.constant 0 : i32
        %parallel_loop3A_150 = arith.addi %parallel_loop3A_149, %parallel_loop3A_148 : i32
        %parallel_loop3A_151 = arith.index_cast %parallel_loop3A_150 : i32 to index
        %parallel_loop3A_152 = arith.constant 0 : index
        %parallel_loop3A_153 = tpu.vector_load %arg11[%parallel_loop3A_151, %parallel_loop3A_152] {strides = array<i32>} : memref<100x128xf32, #tpu.memory_space<vmem>>, vector<16xf32>,
        %parallel_loop3A_154 = arith.constant 8.000000e+00 : f32
        %parallel_loop3A_155 = vector.broadcast %parallel_loop3A_154 : f32 to vector<16xf32>
        %parallel_loop3A_156 = arith.mulf %parallel_loop3A_153, %parallel_loop3A_155 : vector<16xf32>
        %parallel_loop3A_157 = arith.constant 64 : i32
        %parallel_loop3A_158 = arith.muli %parallel_loop3A_148, %parallel_loop3A_157 : i32
        %parallel_loop3A_159 = arith.constant 0 : i32
        %parallel_loop3A_160 = arith.addi %parallel_loop3A_158, %parallel_loop3A_159 : i32
        %parallel_loop3A_161 = arith.constant 4 : i32
        %parallel_loop3A_162 = arith.index_cast %parallel_loop3A_161 : i32 to index
        %parallel_loop3A_163 = arith.index_cast %parallel_loop3A_160 : i32 to index
        %parallel_loop3A_164 = tpu.vector_load %arg13[%parallel_loop3A_162, %parallel_loop3A_163] {strides = array<i32>} : memref<8x1600xf32, #tpu.memory_space<vmem>>, vector<16xf32>,
        tpu.vector_store %arg13[%parallel_loop3A_162, %parallel_loop3A_163], %parallel_loop3A_156 {strides = array<i32>} : memref<8x1600xf32, #tpu.memory_space<vmem>>, vector<16xf32>,
        %parallel_loop3A_165 = arith.index_cast %parallel_loop3A_150 : i32 to index
        %parallel_loop3A_166 = arith.constant 16 : index
        %parallel_loop3A_167 = tpu.vector_load %arg11[%parallel_loop3A_165, %parallel_loop3A_166] {strides = array<i32>} : memref<100x128xf32, #tpu.memory_space<vmem>>, vector<16xf32>,
        %parallel_loop3A_168 = arith.constant 8.000000e+00 : f32
        %parallel_loop3A_169 = vector.broadcast %parallel_loop3A_168 : f32 to vector<16xf32>
        %parallel_loop3A_170 = arith.mulf %parallel_loop3A_167, %parallel_loop3A_169 : vector<16xf32>
        %parallel_loop3A_171 = arith.constant 64 : i32
        %parallel_loop3A_172 = arith.muli %parallel_loop3A_148, %parallel_loop3A_171 : i32
        %parallel_loop3A_173 = arith.constant 16 : i32
        %parallel_loop3A_174 = arith.addi %parallel_loop3A_172, %parallel_loop3A_173 : i32
        %parallel_loop3A_175 = arith.constant 4 : i32
        %parallel_loop3A_176 = arith.index_cast %parallel_loop3A_175 : i32 to index
        %parallel_loop3A_177 = arith.index_cast %parallel_loop3A_174 : i32 to index
        %parallel_loop3A_178 = tpu.vector_load %arg13[%parallel_loop3A_176, %parallel_loop3A_177] {strides = array<i32>} : memref<8x1600xf32, #tpu.memory_space<vmem>>, vector<16xf32>,
        tpu.vector_store %arg13[%parallel_loop3A_176, %parallel_loop3A_177], %parallel_loop3A_170 {strides = array<i32>} : memref<8x1600xf32, #tpu.memory_space<vmem>>, vector<16xf32>,
        %parallel_loop3A_179 = arith.index_cast %parallel_loop3A_150 : i32 to index
        %parallel_loop3A_180 = arith.constant 32 : index
        %parallel_loop3A_181 = tpu.vector_load %arg11[%parallel_loop3A_179, %parallel_loop3A_180] {strides = array<i32>} : memref<100x128xf32, #tpu.memory_space<vmem>>, vector<16xf32>,
        %parallel_loop3A_182 = arith.constant 8.000000e+00 : f32
        %parallel_loop3A_183 = vector.broadcast %parallel_loop3A_182 : f32 to vector<16xf32>
        %parallel_loop3A_184 = arith.mulf %parallel_loop3A_181, %parallel_loop3A_183 : vector<16xf32>
        %parallel_loop3A_185 = arith.constant 64 : i32
        %parallel_loop3A_186 = arith.muli %parallel_loop3A_148, %parallel_loop3A_185 : i32
        %parallel_loop3A_187 = arith.constant 32 : i32
        %parallel_loop3A_188 = arith.addi %parallel_loop3A_186, %parallel_loop3A_187 : i32
        %parallel_loop3A_189 = arith.constant 4 : i32
        %parallel_loop3A_190 = arith.index_cast %parallel_loop3A_189 : i32 to index
        %parallel_loop3A_191 = arith.index_cast %parallel_loop3A_188 : i32 to index
        %parallel_loop3A_192 = tpu.vector_load %arg13[%parallel_loop3A_190, %parallel_loop3A_191] {strides = array<i32>} : memref<8x1600xf32, #tpu.memory_space<vmem>>, vector<16xf32>,
        tpu.vector_store %arg13[%parallel_loop3A_190, %parallel_loop3A_191], %parallel_loop3A_184 {strides = array<i32>} : memref<8x1600xf32, #tpu.memory_space<vmem>>, vector<16xf32>,
        %parallel_loop3A_193 = arith.index_cast %parallel_loop3A_150 : i32 to index
        %parallel_loop3A_194 = arith.constant 48 : index
        %parallel_loop3A_195 = tpu.vector_load %arg11[%parallel_loop3A_193, %parallel_loop3A_194] {strides = array<i32>} : memref<100x128xf32, #tpu.memory_space<vmem>>, vector<16xf32>,
        %parallel_loop3A_196 = arith.constant 8.000000e+00 : f32
        %parallel_loop3A_197 = vector.broadcast %parallel_loop3A_196 : f32 to vector<16xf32>
        %parallel_loop3A_198 = arith.mulf %parallel_loop3A_195, %parallel_loop3A_197 : vector<16xf32>
        %parallel_loop3A_199 = arith.constant 64 : i32
        %parallel_loop3A_200 = arith.muli %parallel_loop3A_148, %parallel_loop3A_199 : i32
        %parallel_loop3A_201 = arith.constant 48 : i32
        %parallel_loop3A_202 = arith.addi %parallel_loop3A_200, %parallel_loop3A_201 : i32
        %parallel_loop3A_203 = arith.constant 4 : i32
        %parallel_loop3A_204 = arith.index_cast %parallel_loop3A_203 : i32 to index
        %parallel_loop3A_205 = arith.index_cast %parallel_loop3A_202 : i32 to index
        %parallel_loop3A_206 = tpu.vector_load %arg13[%parallel_loop3A_204, %parallel_loop3A_205] {strides = array<i32>} : memref<8x1600xf32, #tpu.memory_space<vmem>>, vector<16xf32>,
        tpu.vector_store %arg13[%parallel_loop3A_204, %parallel_loop3A_205], %parallel_loop3A_198 {strides = array<i32>} : memref<8x1600xf32, #tpu.memory_space<vmem>>, vector<16xf32>,
        %parallel_loop3A_207 = arith.constant 25 : i32
        %parallel_loop3A_208 = arith.addi %parallel_loop3A_207, %parallel_loop3A_148 : i32
        %parallel_loop3A_209 = arith.index_cast %parallel_loop3A_208 : i32 to index
        %parallel_loop3A_210 = arith.constant 0 : index
        %parallel_loop3A_211 = tpu.vector_load %arg11[%parallel_loop3A_209, %parallel_loop3A_210] {strides = array<i32>} : memref<100x128xf32, #tpu.memory_space<vmem>>, vector<16xf32>,
        %parallel_loop3A_212 = arith.constant 8.000000e+00 : f32
        %parallel_loop3A_213 = vector.broadcast %parallel_loop3A_212 : f32 to vector<16xf32>
        %parallel_loop3A_214 = arith.mulf %parallel_loop3A_211, %parallel_loop3A_213 : vector<16xf32>
        %parallel_loop3A_215 = arith.constant 64 : i32
        %parallel_loop3A_216 = arith.muli %parallel_loop3A_148, %parallel_loop3A_215 : i32
        %parallel_loop3A_217 = arith.constant 0 : i32
        %parallel_loop3A_218 = arith.addi %parallel_loop3A_216, %parallel_loop3A_217 : i32
        %parallel_loop3A_219 = arith.constant 5 : i32
        %parallel_loop3A_220 = arith.index_cast %parallel_loop3A_219 : i32 to index
        %parallel_loop3A_221 = arith.index_cast %parallel_loop3A_218 : i32 to index
        %parallel_loop3A_222 = tpu.vector_load %arg13[%parallel_loop3A_220, %parallel_loop3A_221] {strides = array<i32>} : memref<8x1600xf32, #tpu.memory_space<vmem>>, vector<16xf32>,
        tpu.vector_store %arg13[%parallel_loop3A_220, %parallel_loop3A_221], %parallel_loop3A_214 {strides = array<i32>} : memref<8x1600xf32, #tpu.memory_space<vmem>>, vector<16xf32>,
        %parallel_loop3A_223 = arith.index_cast %parallel_loop3A_208 : i32 to index
        %parallel_loop3A_224 = arith.constant 16 : index
        %parallel_loop3A_225 = tpu.vector_load %arg11[%parallel_loop3A_223, %parallel_loop3A_224] {strides = array<i32>} : memref<100x128xf32, #tpu.memory_space<vmem>>, vector<16xf32>,
        %parallel_loop3A_226 = arith.constant 8.000000e+00 : f32
        %parallel_loop3A_227 = vector.broadcast %parallel_loop3A_226 : f32 to vector<16xf32>
        %parallel_loop3A_228 = arith.mulf %parallel_loop3A_225, %parallel_loop3A_227 : vector<16xf32>
        %parallel_loop3A_229 = arith.constant 64 : i32
        %parallel_loop3A_230 = arith.muli %parallel_loop3A_148, %parallel_loop3A_229 : i32
        %parallel_loop3A_231 = arith.constant 16 : i32
        %parallel_loop3A_232 = arith.addi %parallel_loop3A_230, %parallel_loop3A_231 : i32
        %parallel_loop3A_233 = arith.constant 5 : i32
        %parallel_loop3A_234 = arith.index_cast %parallel_loop3A_233 : i32 to index
        %parallel_loop3A_235 = arith.index_cast %parallel_loop3A_232 : i32 to index
        %parallel_loop3A_236 = tpu.vector_load %arg13[%parallel_loop3A_234, %parallel_loop3A_235] {strides = array<i32>} : memref<8x1600xf32, #tpu.memory_space<vmem>>, vector<16xf32>,
        tpu.vector_store %arg13[%parallel_loop3A_234, %parallel_loop3A_235], %parallel_loop3A_228 {strides = array<i32>} : memref<8x1600xf32, #tpu.memory_space<vmem>>, vector<16xf32>,
        %parallel_loop3A_237 = arith.index_cast %parallel_loop3A_208 : i32 to index
        %parallel_loop3A_238 = arith.constant 32 : index
        %parallel_loop3A_239 = tpu.vector_load %arg11[%parallel_loop3A_237, %parallel_loop3A_238] {strides = array<i32>} : memref<100x128xf32, #tpu.memory_space<vmem>>, vector<16xf32>,
        %parallel_loop3A_240 = arith.constant 8.000000e+00 : f32
        %parallel_loop3A_241 = vector.broadcast %parallel_loop3A_240 : f32 to vector<16xf32>
        %parallel_loop3A_242 = arith.mulf %parallel_loop3A_239, %parallel_loop3A_241 : vector<16xf32>
        %parallel_loop3A_243 = arith.constant 64 : i32
        %parallel_loop3A_244 = arith.muli %parallel_loop3A_148, %parallel_loop3A_243 : i32
        %parallel_loop3A_245 = arith.constant 32 : i32
        %parallel_loop3A_246 = arith.addi %parallel_loop3A_244, %parallel_loop3A_245 : i32
        %parallel_loop3A_247 = arith.constant 5 : i32
        %parallel_loop3A_248 = arith.index_cast %parallel_loop3A_247 : i32 to index
        %parallel_loop3A_249 = arith.index_cast %parallel_loop3A_246 : i32 to index
        %parallel_loop3A_250 = tpu.vector_load %arg13[%parallel_loop3A_248, %parallel_loop3A_249] {strides = array<i32>} : memref<8x1600xf32, #tpu.memory_space<vmem>>, vector<16xf32>,
        tpu.vector_store %arg13[%parallel_loop3A_248, %parallel_loop3A_249], %parallel_loop3A_242 {strides = array<i32>} : memref<8x1600xf32, #tpu.memory_space<vmem>>, vector<16xf32>,
        %parallel_loop3A_251 = arith.index_cast %parallel_loop3A_208 : i32 to index
        %parallel_loop3A_252 = arith.constant 48 : index
        %parallel_loop3A_253 = tpu.vector_load %arg11[%parallel_loop3A_251, %parallel_loop3A_252] {strides = array<i32>} : memref<100x128xf32, #tpu.memory_space<vmem>>, vector<16xf32>,
        %parallel_loop3A_254 = arith.constant 8.000000e+00 : f32
        %parallel_loop3A_255 = vector.broadcast %parallel_loop3A_254 : f32 to vector<16xf32>
        %parallel_loop3A_256 = arith.mulf %parallel_loop3A_253, %parallel_loop3A_255 : vector<16xf32>
        %parallel_loop3A_257 = arith.constant 64 : i32
        %parallel_loop3A_258 = arith.muli %parallel_loop3A_148, %parallel_loop3A_257 : i32
        %parallel_loop3A_259 = arith.constant 48 : i32
        %parallel_loop3A_260 = arith.addi %parallel_loop3A_258, %parallel_loop3A_259 : i32
        %parallel_loop3A_261 = arith.constant 5 : i32
        %parallel_loop3A_262 = arith.index_cast %parallel_loop3A_261 : i32 to index
        %parallel_loop3A_263 = arith.index_cast %parallel_loop3A_260 : i32 to index
        %parallel_loop3A_264 = tpu.vector_load %arg13[%parallel_loop3A_262, %parallel_loop3A_263] {strides = array<i32>} : memref<8x1600xf32, #tpu.memory_space<vmem>>, vector<16xf32>,
        tpu.vector_store %arg13[%parallel_loop3A_262, %parallel_loop3A_263], %parallel_loop3A_256 {strides = array<i32>} : memref<8x1600xf32, #tpu.memory_space<vmem>>, vector<16xf32>,
        %parallel_loop3A_265 = arith.constant 50 : i32
        %parallel_loop3A_266 = arith.addi %parallel_loop3A_265, %parallel_loop3A_148 : i32
        %parallel_loop3A_267 = arith.index_cast %parallel_loop3A_266 : i32 to index
        %parallel_loop3A_268 = arith.constant 0 : index
        %parallel_loop3A_269 = tpu.vector_load %arg11[%parallel_loop3A_267, %parallel_loop3A_268] {strides = array<i32>} : memref<100x128xf32, #tpu.memory_space<vmem>>, vector<16xf32>,
        %parallel_loop3A_270 = arith.constant 8.000000e+00 : f32
        %parallel_loop3A_271 = vector.broadcast %parallel_loop3A_270 : f32 to vector<16xf32>
        %parallel_loop3A_272 = arith.mulf %parallel_loop3A_269, %parallel_loop3A_271 : vector<16xf32>
        %parallel_loop3A_273 = arith.constant 64 : i32
        %parallel_loop3A_274 = arith.muli %parallel_loop3A_148, %parallel_loop3A_273 : i32
        %parallel_loop3A_275 = arith.constant 0 : i32
        %parallel_loop3A_276 = arith.addi %parallel_loop3A_274, %parallel_loop3A_275 : i32
        %parallel_loop3A_277 = arith.constant 6 : i32
        %parallel_loop3A_278 = arith.index_cast %parallel_loop3A_277 : i32 to index
        %parallel_loop3A_279 = arith.index_cast %parallel_loop3A_276 : i32 to index
        %parallel_loop3A_280 = tpu.vector_load %arg13[%parallel_loop3A_278, %parallel_loop3A_279] {strides = array<i32>} : memref<8x1600xf32, #tpu.memory_space<vmem>>, vector<16xf32>,
        tpu.vector_store %arg13[%parallel_loop3A_278, %parallel_loop3A_279], %parallel_loop3A_272 {strides = array<i32>} : memref<8x1600xf32, #tpu.memory_space<vmem>>, vector<16xf32>,
        %parallel_loop3A_281 = arith.index_cast %parallel_loop3A_266 : i32 to index
        %parallel_loop3A_282 = arith.constant 16 : index
        %parallel_loop3A_283 = tpu.vector_load %arg11[%parallel_loop3A_281, %parallel_loop3A_282] {strides = array<i32>} : memref<100x128xf32, #tpu.memory_space<vmem>>, vector<16xf32>,
        %parallel_loop3A_284 = arith.constant 8.000000e+00 : f32
        %parallel_loop3A_285 = vector.broadcast %parallel_loop3A_284 : f32 to vector<16xf32>
        %parallel_loop3A_286 = arith.mulf %parallel_loop3A_283, %parallel_loop3A_285 : vector<16xf32>
        %parallel_loop3A_287 = arith.constant 64 : i32
        %parallel_loop3A_288 = arith.muli %parallel_loop3A_148, %parallel_loop3A_287 : i32
        %parallel_loop3A_289 = arith.constant 16 : i32
        %parallel_loop3A_290 = arith.addi %parallel_loop3A_288, %parallel_loop3A_289 : i32
        %parallel_loop3A_291 = arith.constant 6 : i32
        %parallel_loop3A_292 = arith.index_cast %parallel_loop3A_291 : i32 to index
        %parallel_loop3A_293 = arith.index_cast %parallel_loop3A_290 : i32 to index
        %parallel_loop3A_294 = tpu.vector_load %arg13[%parallel_loop3A_292, %parallel_loop3A_293] {strides = array<i32>} : memref<8x1600xf32, #tpu.memory_space<vmem>>, vector<16xf32>,
        tpu.vector_store %arg13[%parallel_loop3A_292, %parallel_loop3A_293], %parallel_loop3A_286 {strides = array<i32>} : memref<8x1600xf32, #tpu.memory_space<vmem>>, vector<16xf32>,
        %parallel_loop3A_295 = arith.index_cast %parallel_loop3A_266 : i32 to index
        %parallel_loop3A_296 = arith.constant 32 : index
        %parallel_loop3A_297 = tpu.vector_load %arg11[%parallel_loop3A_295, %parallel_loop3A_296] {strides = array<i32>} : memref<100x128xf32, #tpu.memory_space<vmem>>, vector<16xf32>,
        %parallel_loop3A_298 = arith.constant 8.000000e+00 : f32
        %parallel_loop3A_299 = vector.broadcast %parallel_loop3A_298 : f32 to vector<16xf32>
        %parallel_loop3A_300 = arith.mulf %parallel_loop3A_297, %parallel_loop3A_299 : vector<16xf32>
        %parallel_loop3A_301 = arith.constant 64 : i32
        %parallel_loop3A_302 = arith.muli %parallel_loop3A_148, %parallel_loop3A_301 : i32
        %parallel_loop3A_303 = arith.constant 32 : i32
        %parallel_loop3A_304 = arith.addi %parallel_loop3A_302, %parallel_loop3A_303 : i32
        %parallel_loop3A_305 = arith.constant 6 : i32
        %parallel_loop3A_306 = arith.index_cast %parallel_loop3A_305 : i32 to index
        %parallel_loop3A_307 = arith.index_cast %parallel_loop3A_304 : i32 to index
        %parallel_loop3A_308 = tpu.vector_load %arg13[%parallel_loop3A_306, %parallel_loop3A_307] {strides = array<i32>} : memref<8x1600xf32, #tpu.memory_space<vmem>>, vector<16xf32>,
        tpu.vector_store %arg13[%parallel_loop3A_306, %parallel_loop3A_307], %parallel_loop3A_300 {strides = array<i32>} : memref<8x1600xf32, #tpu.memory_space<vmem>>, vector<16xf32>,
        %parallel_loop3A_309 = arith.index_cast %parallel_loop3A_266 : i32 to index
        %parallel_loop3A_310 = arith.constant 48 : index
        %parallel_loop3A_311 = tpu.vector_load %arg11[%parallel_loop3A_309, %parallel_loop3A_310] {strides = array<i32>} : memref<100x128xf32, #tpu.memory_space<vmem>>, vector<16xf32>,
        %parallel_loop3A_312 = arith.constant 8.000000e+00 : f32
        %parallel_loop3A_313 = vector.broadcast %parallel_loop3A_312 : f32 to vector<16xf32>
        %parallel_loop3A_314 = arith.mulf %parallel_loop3A_311, %parallel_loop3A_313 : vector<16xf32>
        %parallel_loop3A_315 = arith.constant 64 : i32
        %parallel_loop3A_316 = arith.muli %parallel_loop3A_148, %parallel_loop3A_315 : i32
        %parallel_loop3A_317 = arith.constant 48 : i32
        %parallel_loop3A_318 = arith.addi %parallel_loop3A_316, %parallel_loop3A_317 : i32
        %parallel_loop3A_319 = arith.constant 6 : i32
        %parallel_loop3A_320 = arith.index_cast %parallel_loop3A_319 : i32 to index
        %parallel_loop3A_321 = arith.index_cast %parallel_loop3A_318 : i32 to index
        %parallel_loop3A_322 = tpu.vector_load %arg13[%parallel_loop3A_320, %parallel_loop3A_321] {strides = array<i32>} : memref<8x1600xf32, #tpu.memory_space<vmem>>, vector<16xf32>,
        tpu.vector_store %arg13[%parallel_loop3A_320, %parallel_loop3A_321], %parallel_loop3A_314 {strides = array<i32>} : memref<8x1600xf32, #tpu.memory_space<vmem>>, vector<16xf32>,
        %parallel_loop3A_323 = arith.constant 75 : i32
        %parallel_loop3A_324 = arith.addi %parallel_loop3A_323, %parallel_loop3A_148 : i32
        %parallel_loop3A_325 = arith.index_cast %parallel_loop3A_324 : i32 to index
        %parallel_loop3A_326 = arith.constant 0 : index
        %parallel_loop3A_327 = tpu.vector_load %arg11[%parallel_loop3A_325, %parallel_loop3A_326] {strides = array<i32>} : memref<100x128xf32, #tpu.memory_space<vmem>>, vector<16xf32>,
        %parallel_loop3A_328 = arith.constant 8.000000e+00 : f32
        %parallel_loop3A_329 = vector.broadcast %parallel_loop3A_328 : f32 to vector<16xf32>
        %parallel_loop3A_330 = arith.mulf %parallel_loop3A_327, %parallel_loop3A_329 : vector<16xf32>
        %parallel_loop3A_331 = arith.constant 64 : i32
        %parallel_loop3A_332 = arith.muli %parallel_loop3A_148, %parallel_loop3A_331 : i32
        %parallel_loop3A_333 = arith.constant 0 : i32
        %parallel_loop3A_334 = arith.addi %parallel_loop3A_332, %parallel_loop3A_333 : i32
        %parallel_loop3A_335 = arith.constant 7 : i32
        %parallel_loop3A_336 = arith.index_cast %parallel_loop3A_335 : i32 to index
        %parallel_loop3A_337 = arith.index_cast %parallel_loop3A_334 : i32 to index
        %parallel_loop3A_338 = tpu.vector_load %arg13[%parallel_loop3A_336, %parallel_loop3A_337] {strides = array<i32>} : memref<8x1600xf32, #tpu.memory_space<vmem>>, vector<16xf32>,
        tpu.vector_store %arg13[%parallel_loop3A_336, %parallel_loop3A_337], %parallel_loop3A_330 {strides = array<i32>} : memref<8x1600xf32, #tpu.memory_space<vmem>>, vector<16xf32>,
        %parallel_loop3A_339 = arith.index_cast %parallel_loop3A_324 : i32 to index
        %parallel_loop3A_340 = arith.constant 16 : index
        %parallel_loop3A_341 = tpu.vector_load %arg11[%parallel_loop3A_339, %parallel_loop3A_340] {strides = array<i32>} : memref<100x128xf32, #tpu.memory_space<vmem>>, vector<16xf32>,
        %parallel_loop3A_342 = arith.constant 8.000000e+00 : f32
        %parallel_loop3A_343 = vector.broadcast %parallel_loop3A_342 : f32 to vector<16xf32>
        %parallel_loop3A_344 = arith.mulf %parallel_loop3A_341, %parallel_loop3A_343 : vector<16xf32>
        %parallel_loop3A_345 = arith.constant 64 : i32
        %parallel_loop3A_346 = arith.muli %parallel_loop3A_148, %parallel_loop3A_345 : i32
        %parallel_loop3A_347 = arith.constant 16 : i32
        %parallel_loop3A_348 = arith.addi %parallel_loop3A_346, %parallel_loop3A_347 : i32
        %parallel_loop3A_349 = arith.constant 7 : i32
        %parallel_loop3A_350 = arith.index_cast %parallel_loop3A_349 : i32 to index
        %parallel_loop3A_351 = arith.index_cast %parallel_loop3A_348 : i32 to index
        %parallel_loop3A_352 = tpu.vector_load %arg13[%parallel_loop3A_350, %parallel_loop3A_351] {strides = array<i32>} : memref<8x1600xf32, #tpu.memory_space<vmem>>, vector<16xf32>,
        tpu.vector_store %arg13[%parallel_loop3A_350, %parallel_loop3A_351], %parallel_loop3A_344 {strides = array<i32>} : memref<8x1600xf32, #tpu.memory_space<vmem>>, vector<16xf32>,
        %parallel_loop3A_353 = arith.index_cast %parallel_loop3A_324 : i32 to index
        %parallel_loop3A_354 = arith.constant 32 : index
        %parallel_loop3A_355 = tpu.vector_load %arg11[%parallel_loop3A_353, %parallel_loop3A_354] {strides = array<i32>} : memref<100x128xf32, #tpu.memory_space<vmem>>, vector<16xf32>,
        %parallel_loop3A_356 = arith.constant 8.000000e+00 : f32
        %parallel_loop3A_357 = vector.broadcast %parallel_loop3A_356 : f32 to vector<16xf32>
        %parallel_loop3A_358 = arith.mulf %parallel_loop3A_355, %parallel_loop3A_357 : vector<16xf32>
        %parallel_loop3A_359 = arith.constant 64 : i32
        %parallel_loop3A_360 = arith.muli %parallel_loop3A_148, %parallel_loop3A_359 : i32
        %parallel_loop3A_361 = arith.constant 32 : i32
        %parallel_loop3A_362 = arith.addi %parallel_loop3A_360, %parallel_loop3A_361 : i32
        %parallel_loop3A_363 = arith.constant 7 : i32
        %parallel_loop3A_364 = arith.index_cast %parallel_loop3A_363 : i32 to index
        %parallel_loop3A_365 = arith.index_cast %parallel_loop3A_362 : i32 to index
        %parallel_loop3A_366 = tpu.vector_load %arg13[%parallel_loop3A_364, %parallel_loop3A_365] {strides = array<i32>} : memref<8x1600xf32, #tpu.memory_space<vmem>>, vector<16xf32>,
        tpu.vector_store %arg13[%parallel_loop3A_364, %parallel_loop3A_365], %parallel_loop3A_358 {strides = array<i32>} : memref<8x1600xf32, #tpu.memory_space<vmem>>, vector<16xf32>,
        %parallel_loop3A_367 = arith.index_cast %parallel_loop3A_324 : i32 to index
        %parallel_loop3A_368 = arith.constant 48 : index
        %parallel_loop3A_369 = tpu.vector_load %arg11[%parallel_loop3A_367, %parallel_loop3A_368] {strides = array<i32>} : memref<100x128xf32, #tpu.memory_space<vmem>>, vector<16xf32>,
        %parallel_loop3A_370 = arith.constant 8.000000e+00 : f32
        %parallel_loop3A_371 = vector.broadcast %parallel_loop3A_370 : f32 to vector<16xf32>
        %parallel_loop3A_372 = arith.mulf %parallel_loop3A_369, %parallel_loop3A_371 : vector<16xf32>
        %parallel_loop3A_373 = arith.constant 64 : i32
        %parallel_loop3A_374 = arith.muli %parallel_loop3A_148, %parallel_loop3A_373 : i32
        %parallel_loop3A_375 = arith.constant 48 : i32
        %parallel_loop3A_376 = arith.addi %parallel_loop3A_374, %parallel_loop3A_375 : i32
        %parallel_loop3A_377 = arith.constant 7 : i32
        %parallel_loop3A_378 = arith.index_cast %parallel_loop3A_377 : i32 to index
        %parallel_loop3A_379 = arith.index_cast %parallel_loop3A_376 : i32 to index
        %parallel_loop3A_380 = tpu.vector_load %arg13[%parallel_loop3A_378, %parallel_loop3A_379] {strides = array<i32>} : memref<8x1600xf32, #tpu.memory_space<vmem>>, vector<16xf32>,
        tpu.vector_store %arg13[%parallel_loop3A_378, %parallel_loop3A_379], %parallel_loop3A_372 {strides = array<i32>} : memref<8x1600xf32, #tpu.memory_space<vmem>>, vector<16xf32>,
      } {sc.loop_unroll_factor = 1 : i64, sc.parallel_access}
      %add3A_132 = arith.constant 2 : i32
      %add3A_133 = arith.addi %add3A_101, %add3A_132 : i32
      %lt3A_134 = arith.constant 128 : i32
      %lt3A_135 = arith.cmpi slt, %add3A_133, %lt3A_134 : i32
      %convert_element_type3A_136 = arith.extui %lt3A_135 : i1 to i32
      %cond3A_137 = arith.constant 0 : i32
      %cond3A_138 = arith.cmpi ne, %convert_element_type3A_136, %cond3A_137 : i32
      scf.if %cond3A_138 {
        %add3A_148 = arith.constant 2 : i32
        %add3A_149 = arith.addi %add3A_101, %add3A_148 : i32
        %dma_start3A_150 = arith.constant 0 : i32
        %dma_start3A_151 = tpu.memref_slice %arg7[%add3A_149, %dma_start3A_150] : memref<128x100xi32, #tpu.memory_space<vmem>> -> memref<1x100xi32, #tpu.memory_space<vmem>>
        %dma_start3A_152 = tpu.memref_squeeze %dma_start3A_151 : memref<1x100xi32, #tpu.memory_space<vmem>> -> memref<100xi32, #tpu.memory_space<vmem>>
        %dma_start3A_153 = arith.constant 0 : i32
        %dma_start3A_154 = arith.constant 0 : i32
        %dma_start3A_155 = tpu.memref_slice %arg4[%dma_start3A_153, %dma_start3A_154] : memref<1000000x128xf32, #tpu.memory_space<hbm>> -> memref<1000000x128xf32, #tpu.memory_space<hbm>>
        tpu.enqueue_indirect_dma source(%dma_start3A_155 : memref<1000000x128xf32, #tpu.memory_space<hbm>>) target(%arg11 : memref<100x128xf32, #tpu.memory_space<vmem>>) offsets(%dma_start3A_152 : memref<100xi32, #tpu.memory_space<vmem>>) semaphore(%arg17 : memref<!tpu.dma_semaphore, #tpu.memory_space<semaphore_mem>>)
      } else {
      }
      %add3A_139 = arith.addi %mul3A_2, %add3A_101 : i32
      %dma_start3A_140 = arith.constant 0 : i32
      %dma_start3A_141 = arith.constant 0 : i32
      %dma_start3A_142 = tpu.memref_slice %arg5[%add3A_139, %dma_start3A_140, %dma_start3A_141] : memref<4096x8x1600xf32, #tpu.memory_space<hbm>> -> memref<1x8x1600xf32, #tpu.memory_space<hbm>>
      %dma_start3A_143 = tpu.memref_squeeze %dma_start3A_142 : memref<1x8x1600xf32, #tpu.memory_space<hbm>> -> memref<8x1600xf32, #tpu.memory_space<hbm>>
      %dma_start3A_144 = arith.constant 0 : i32
      %dma_start3A_145 = arith.constant 0 : i32
      %dma_start3A_146 = tpu.memref_slice %arg5[%add3A_139, %dma_start3A_144, %dma_start3A_145] : memref<4096x8x1600xf32, #tpu.memory_space<hbm>> -> memref<1x8x1600xf32, #tpu.memory_space<hbm>>
      %dma_start3A_147 = tpu.memref_squeeze %dma_start3A_146 : memref<1x8x1600xf32, #tpu.memory_space<hbm>> -> memref<8x1600xf32, #tpu.memory_space<hbm>>
      tpu.enqueue_dma source(%arg13 : memref<8x1600xf32, #tpu.memory_space<vmem>>) target(%dma_start3A_147 : memref<8x1600xf32, #tpu.memory_space<hbm>>) target_semaphore(%arg19 : memref<!tpu.dma_semaphore, #tpu.memory_space<semaphore_mem>>)
    }
    %scan3A_34 = arith.constant 64 : i32
    %dma_wait3A = arith.constant 0 : i32
    %dma_wait3A_35 = arith.constant 0 : i32
    %dma_wait3A_36 = arith.constant 0 : i32
    %dma_wait3A_37 = tpu.memref_slice %arg5[%dma_wait3A, %dma_wait3A_35, %dma_wait3A_36] : memref<4096x8x1600xf32, #tpu.memory_space<hbm>> -> memref<1x8x1600xf32, #tpu.memory_space<hbm>>
    %dma_wait3A_38 = tpu.memref_squeeze %dma_wait3A_37 : memref<1x8x1600xf32, #tpu.memory_space<hbm>> -> memref<8x1600xf32, #tpu.memory_space<hbm>>
    %dma_wait3A_39 = arith.constant 0 : i32
    %dma_wait3A_40 = arith.constant 0 : i32
    %dma_wait3A_41 = tpu.memref_slice %arg5[%dma_wait3A, %dma_wait3A_39, %dma_wait3A_40] : memref<4096x8x1600xf32, #tpu.memory_space<hbm>> -> memref<1x8x1600xf32, #tpu.memory_space<hbm>>
    %dma_wait3A_42 = tpu.memref_squeeze %dma_wait3A_41 : memref<1x8x1600xf32, #tpu.memory_space<hbm>> -> memref<8x1600xf32, #tpu.memory_space<hbm>>
    tpu.wait_dma2 semaphore(%arg18 : memref<!tpu.dma_semaphore, #tpu.memory_space<semaphore_mem>>) src(%arg12 : memref<8x1600xf32, #tpu.memory_space<vmem>>) dst(%dma_wait3A_42 : memref<8x1600xf32, #tpu.memory_space<hbm>>)
    %dma_wait3A_43 = arith.constant 0 : i32
    %dma_wait3A_44 = arith.constant 0 : i32
    %dma_wait3A_45 = arith.constant 0 : i32
    %dma_wait3A_46 = tpu.memref_slice %arg5[%dma_wait3A_43, %dma_wait3A_44, %dma_wait3A_45] : memref<4096x8x1600xf32, #tpu.memory_space<hbm>> -> memref<1x8x1600xf32, #tpu.memory_space<hbm>>
    %dma_wait3A_47 = tpu.memref_squeeze %dma_wait3A_46 : memref<1x8x1600xf32, #tpu.memory_space<hbm>> -> memref<8x1600xf32, #tpu.memory_space<hbm>>
    %dma_wait3A_48 = arith.constant 0 : i32
    %dma_wait3A_49 = arith.constant 0 : i32
    %dma_wait3A_50 = tpu.memref_slice %arg5[%dma_wait3A_43, %dma_wait3A_48, %dma_wait3A_49] : memref<4096x8x1600xf32, #tpu.memory_space<hbm>> -> memref<1x8x1600xf32, #tpu.memory_space<hbm>>
    %dma_wait3A_51 = tpu.memref_squeeze %dma_wait3A_50 : memref<1x8x1600xf32, #tpu.memory_space<hbm>> -> memref<8x1600xf32, #tpu.memory_space<hbm>>
    tpu.wait_dma2 semaphore(%arg19 : memref<!tpu.dma_semaphore, #tpu.memory_space<semaphore_mem>>) src(%arg13 : memref<8x1600xf32, #tpu.memory_space<vmem>>) dst(%dma_wait3A_51 : memref<8x1600xf32, #tpu.memory_space<hbm>>)
    return
  }
}

</mosaic_0001>

<sc_bundles>
// kernel: kernel.3.cloned.1.call-start
scs
__scs_entry_jumppad:
0x0: {  	(pc) =	sbr.rel $0x88, $3  }
0x1: {  	(tag) =	ssettag $0x0;
	lr =	simm.s32 $0x1  }
0x2: {  	[smem:$0x3F9F] =	sst lr;
	_ =	strace $0xD0000000  }
0x3: {  	_ = 	snop  }
0x4: {  	_ = 	snop  }
0x5: {  	_ = 	snop  }
0x6: {  	_ = 	snop  }
0x7: {  	_ = 	snop  }
__scs_overlays_trampoline_lowered:
0x8: {  	[smem:$0x3FAE] =	sst s0  }
0x9: {  	[smem:$0x3FAF] =	sst s1  }
0xa: {  	[smem:$0x3FB0] =	sst s2  }
0xb: {  	[smem:$0x3FB1] =	sst s3  }
0xc: {  	[smem:$0x3FB2] =	sst s4  }
0xd: {  	[smem:$0x3FB3] =	sst s5  }
0xe: {  	[smem:$0x3FB4] =	sst s6  }
0xf: {  	[smem:$0x3FB5] =	sst s7  }
0x10: {  	[smem:$0x3FB6] =	sst s8  }
0x11: {  	[smem:$0x3FB7] =	sst s9;
	s0 =	simm.s32 @!p0 $0x0  }
0x12: {  	s1 =	sld [smem:$0x3F9D];
	s0 =	simm.s32 @p0 $0x1  }
0x13: {  	[smem:$0x3FB8] =	sst s0;
	s0 =	simm.s32 @!p1 $0x0  }
0x14: {  	s2 =	sld [smem:$0x3F9C];
	s0 =	simm.s32 @p1 $0x1  }
0x15: {  	[smem:$0x3FB9] =	sst s0;
	s0 =	simm.s32 @!p2 $0x0  }
0x16: {  	s3 =	sld [smem:$0x3FDB];
	s0 =	simm.s32 @p2 $0x1  }
0x17: {  	s4 =	simm.s32 $0x1BF5;
	[smem:$0x3FBB] =	sst s0  }
0x18: {  	s0 =	sld [smem:$0x3F9E];
	_ =	swait.ge [sflag:s4], $0x0  }
0x19: {  	s7 =	sld [smem:$0x3F9F]  }
0x1a: {  	s8 =	sadd.s32 $0xFFFFE003, lr  }
0x1b: {  	s9 =	sadd.s32 $0xFFFFFEF7, lr;
	s5 =	simm.s32 $0xFFFFFFFF;
	p2 =	slt.u32 s8, $0xFFFFF086  }
0x1c: {  	p1 =	slt.u32 s9, $0xF7A;
	s5 =	simm.s32 @!p2 $0x0  }
0x1d: {  	s5 =	simm.s32 @p1 $0x1;
	p0 =	seq.s32 s7, s2  }
0x1e: {  	s7 =	smul.u32 @!p0 $0xF7A, s2;
	p2 =	seq.s32 @!p0 s5, $0x0  }
0x1f: {  	s9 =	smul.u32 $0xF7A, s1;
	s8 =	simm.s32 @!p0 $0x1BF5;
	p2 =	por !p2, p0  }
0x20: {  	[sflag:s8] =	ssyncset.s32 @!p0 $0xFFFFF086;
	s6 =	sadd.s32 @!p0 s3, s7;
	s7 =	simm.s32 @!p0 $0x108  }
0x21: {  	s3 =	sadd.s32 s3, s9;
	s6 =	sadd.s32 @!p0 $0x88, s6;
	s7 =	simm.s32 @p2 $0x1082  }
0x22: {  	[simem:s7], [sflag:s8] =	dma.local @!p0 [hbm:s6], $0xF7A  }
0x23: {  	s9 =	sor.u32 $0xD0000000, s2;
	s6 =	simm.s32 $0x108;
	_ =	swait.ge @!p0 [sflag:s8], $0x0  }
0x24: {  	s3 =	sadd.s32 $0x88, s3;
	s6 =	simm.s32 @!p1 $0x1082;
	[sflag:s4] =	ssyncset.s32 $0xFFFFF086  }
0x25: {  	[simem:s6], [sflag:s4] =	dma.local [hbm:s3], $0xF7A  }
0x26: {  	[smem:$0x3F9F] =	sst s1;
	(tag) =	ssettag s2;
	_ =	strace s9  }
0x27: {  	s1 =	sld [smem:$0x3FAF]  }
0x28: {  	s2 =	sld [smem:$0x3FB0]  }
0x29: {  	s4 =	sld [smem:$0x3FB2]  }
0x2a: {  	p0 =	seq.s32 s5, $0x0;
	s5 =	sld [smem:$0x3FB3]  }
0x2b: {  	s6 =	sld [smem:$0x3FB4]  }
0x2c: {  	s7 =	sld [smem:$0x3FB5]  }
0x2d: {  	s3 =	simm.s32 $0x108;
	s8 =	sld [smem:$0x3FB6]  }
0x2e: {  	s3 =	simm.s32 @!p0 $0x1082;
	s9 =	sld [smem:$0x3FB7]  }
0x2f: {  	lr =	sadd.s32 s0, s3;
	s0 =	sld [smem:$0x3FAE]  }
0x30: {  	s3 =	sld [smem:$0x3FB1]  }
0x31: {  	[smem:$0x3FBA] =	sst s10  }
0x32: {  	s10 =	sld [smem:$0x3FB8];
	_ =	sdelay $0x3  }
0x33: {  	p0 =	seq.s32 s10, $0x1;
	s10 =	sld [smem:$0x3FBA];
	_ =	sdelay $0x3  }
0x34: {  	[smem:$0x3FBA] =	sst s10  }
0x35: {  	s10 =	sld [smem:$0x3FB9];
	_ =	sdelay $0x3  }
0x36: {  	p1 =	seq.s32 s10, $0x1;
	s10 =	sld [smem:$0x3FBA];
	_ =	sdelay $0x3  }
0x37: {  	[smem:$0x3FBA] =	sst s10  }
0x38: {  	s10 =	sld [smem:$0x3FBB]  }
0x39: {  	_ = 	snop;
	(pc) =	sbr.ind lr, $3  }
0x3a: {  	_ = 	snop  }
0x3b: {  	_ = 	snop  }
0x3c: {  	p2 =	seq.s32 s10, $0x1;
	s10 =	sld [smem:$0x3FBA]  }
0x3d: {  	_ =	shalt  }
0x3e: {  	_ =	shalt  }
0x3f: {  	_ =	shalt  }
0x40: {  	_ =	shalt  }
0x41: {  	_ =	shalt  }
0x42: {  	_ =	shalt  }
0x43: {  	_ =	shalt  }
0x44: {  	_ =	shalt  }
0x45: {  	_ =	shalt  }
0x46: {  	_ =	shalt  }
0x47: {  	_ =	shalt  }
0x48: {  	_ =	shalt  }
0x49: {  	_ =	shalt  }
0x4a: {  	_ =	shalt  }
0x4b: {  	_ =	shalt  }
0x4c: {  	_ =	shalt  }
0x4d: {  	_ =	shalt  }
0x4e: {  	_ =	shalt  }
0x4f: {  	_ =	shalt  }
0x50: {  	_ =	shalt  }
0x51: {  	_ =	shalt  }
0x52: {  	_ =	shalt  }
0x53: {  	_ =	shalt  }
0x54: {  	_ =	shalt  }
0x55: {  	_ =	shalt  }
0x56: {  	_ =	shalt  }
0x57: {  	_ =	shalt  }
0x58: {  	_ =	shalt  }
0x59: {  	_ =	shalt  }
0x5a: {  	_ =	shalt  }
0x5b: {  	_ =	shalt  }
0x5c: {  	_ =	shalt  }
0x5d: {  	_ =	shalt  }
0x5e: {  	_ =	shalt  }
0x5f: {  	_ =	shalt  }
0x60: {  	_ =	shalt  }
0x61: {  	_ =	shalt  }
0x62: {  	_ =	shalt  }
0x63: {  	_ =	shalt  }
0x64: {  	_ =	shalt  }
0x65: {  	_ =	shalt  }
0x66: {  	_ =	shalt  }
0x67: {  	_ =	shalt  }
0x68: {  	_ =	shalt  }
0x69: {  	_ =	shalt  }
0x6a: {  	_ =	shalt  }
0x6b: {  	_ =	shalt  }
0x6c: {  	_ =	shalt  }
0x6d: {  	_ =	shalt  }
0x6e: {  	_ =	shalt  }
0x6f: {  	_ =	shalt  }
0x70: {  	_ =	shalt  }
0x71: {  	_ =	shalt  }
0x72: {  	_ =	shalt  }
0x73: {  	_ =	shalt  }
0x74: {  	_ =	shalt  }
0x75: {  	_ =	shalt  }
0x76: {  	_ =	shalt  }
0x77: {  	_ =	shalt  }
0x78: {  	_ =	shalt  }
0x79: {  	_ =	shalt  }
0x7a: {  	_ =	shalt  }
0x7b: {  	_ =	shalt  }
0x7c: {  	_ =	shalt  }
0x7d: {  	_ =	shalt  }
0x7e: {  	_ =	shalt  }
0x7f: {  	_ =	shalt  }
0x80: {  	_ =	shalt  }
0x81: {  	_ =	shalt  }
0x82: {  	_ =	shalt  }
0x83: {  	_ =	shalt  }
0x84: {  	_ =	shalt  }
0x85: {  	_ =	shalt  }
0x86: {  	_ =	shalt  }
0x87: {  	_ =	shalt  }
.Lfunc_end0:
.L_simem_size_0:
called_computation_lowered:
.L_overlay_start_0:
0x88: {  	s2 =	sld [smem:$0x3FD9]  }
0x89: {  	s3 =	sld [smem:$0x3FFE];
	_ =	sdelay $0x1  }
0x8a: {  	s1 =	srdreg.scid  }
0x8b: {  	s0 =	sand.u32 $0x1, s1  }
0x8c: {  	s17 =	sshll.u32 s0, $0xA;
	s2 =	sadd.s32 s3, s2  }
0x8d: {  	s2 =	sadd.s32 s2, s17  }
0x8e: {  	[smem:$0x3FC6] =	sst s2  }
0x8f: {  	_ = 	snop  }
0x90: {  	s2 =	sld [smem:$0x3FD0];
	(tm) =	ssettm $0x1  }
0x91: {  	s18 =	sld [smem:$0x3FFB];
	_ =	sdelay $0x3  }
0x92: {  	_ =	strace s18  }
0x93: {  	s3 =	sld [smem:$0x3FFC];
	_ =	sdelay $0x3  }
0x94: {  	_ =	strace s3  }
0x95: {  	s3 =	sld [smem:$0x3FFD];
	_ =	sdelay $0x3  }
0x96: {  	_ =	strace s3  }
0x97: {  	_ =	strace $0x8FFFFFFF  }
0x98: {  	s19 =	sld [smem:$0x3FDB];
	_ =	sdelay $0x1  }
0x99: {  	s4 =	simm.s32 $_scs_section_size  }
0x9a: {  	s5 =	simm.s32 $_size__tile_overlayer_lowered;
	s6 =	simm.s32 $_tile_overlayer_lowered  }
0x9b: {  	s22 =	simm.s32 $0x1BFF;
	s21 =	sshll.u32 s6, $0x1;
	s3 =	sadd.s32 s4, s19  }
0x9c: {  	s7 =	simm.s32 $0x0;
	s20 =	sshll.u32 s5, $0x1;
	s5 =	sadd.s32 s21, s3  }
0x9d: {  	[timem:s7], [sflag:s22] =	dma.local [hbm:s5], s20  }
0x9e: {  	_ =	swait.ge [sflag:s22], s20  }
0x9f: {  	s4 =	ssub.s32 $0x0, s20;
	[sflag:s22] =	ssyncset.done $0x0  }
0xa0: {  	[sflag:s22] =	ssyncadd.s32 s4;
	_ =	sdelay $0x1  }
0xa1: {  	s23 =	simm.s32 $0x1B8B  }
0xa2: {  	_ =	swait.ge [sflag:s23], $0x1  }
0xa3: {  	[sflag:s23] =	ssyncset.done $0x0  }
0xa4: {  	s25 =	simm.s32 $0x1B8E;
	s24 =	sld [smem:$0x3FFE];
	[sflag:s23] =	ssyncadd.s32 $0xFFFFFFFF  }
0xa5: {  	s26 =	simm.s32 $execute0_lowered;
	[smem:$0x3FD2] =	sst s25  }
0xa6: {  	s5 =	sshll.u32 s26, $0x1;
	_ =	strace $0x80000046;
	[dreg:$0x1] =	wrdreg $0xFFFFFFFF  }
0xa7: {  	s28 =	simm.s32 $_size_execute0_lowered;
	s3 =	sadd.s32 s3, s5;
	[dreg:$0x0] =	wrdreg $0x0  }
0xa8: {  	s5 =	sshll.u32 s28, $0x1;
	[dreg:$0x2] =	wrdreg s3  }
0xa9: {  	[dreg:$0x3] =	wrdreg s5  }
0xaa: {  	[dreg:$0x4] =	wrdreg $0xC0  }
0xab: {  	_ =	task [dreg:s7], $0x5FFFF  }
0xac: {  	[dreg:$0x1] =	wrdreg $0xFFFFFFFF  }
0xad: {  	[dreg:$0x0] =	wrdreg $0x60  }
0xae: {  	[dreg:$0x2] =	wrdreg s2  }
0xaf: {  	[dreg:$0x3] =	wrdreg s24  }
0xb0: {  	[dreg:$0x4] =	wrdreg $0x9  }
0xb1: {  	_ =	task.clear_ibuf [dreg:s7], $0x5FFFF;
	_ =	strace $0x90000046  }
0xb2: {  	s29 =	simm.s32 $0x9;
	_ =	strace $0x80000048  }
0xb3: {  	_ =	swait.ge [sflag:s29], $0x1  }
0xb4: {  	[sflag:s29] =	ssyncadd.s32 $0xFFFFFFFF  }
0xb5: {  	_ =	strace $0x90000048  }
0xb6: {  	_ =	sfence  }
0xb7: {  	s30 =	sld [smem:$0x0];
	_ =	sdelay $0x2  }
0xb8: {  	s31 =	sshll.u32 s1, $0xD;
	s1 =	sshrl.u32 s1, $0x2  }
0xb9: {  	s3 =	sand.u32 $0x4000, s31;
	s1 =	sadd.s32 s1, s30  }
0xba: {  	s0 =	sor.u32 s3, s0;
	s1 =	sshll.u32 s1, $0x11  }
0xbb: {  	s0 =	sor.u32 s1, s0  }
0xbc: {  	s0 =	sadd.s32 $0x8F2B, s0  }
0xbd: {  	[sflag:s0] =	ssyncadd.remote.s32 $0x1  }
0xbe: {  	_ =	sfence.sel $0xFFFF  }
0xbf: {  	[dreg:$0x0] =	wrdreg $0xFFFFFFFF;
	(pc) =	sbr.abs _section_cstart, $3  }
0xc0: {  	[dreg:$0x1] =	wrdreg $0xFFFFFFFF  }
0xc1: {  	_ =	task.clear_ibuf [dreg:s7], $0x2FFFF;
	_ =	strace $0x9FFFFFFF  }
0xc2: {  	(tm) =	ssettm $0x7FFFFFFF  }
0xc3: {  	_ =	shalt  }
tec
execute0_lowered:
.L_overlay_start_1:
0x0: {  	(tag) =	ssettag $0x1  }
0x1: {  	s0 =	srdreg.scid;
	s1 =	rddreg [dreg:$0x0]  }
0x2: {  	s3 =	stileid.u32;
	s2 =	rddreg [dreg:$0x1]  }
0x3: {  	s5 =	simm.s32 $0x0;
	s19 =	simm.s32 $0x2;
	s0 =	sand.u32 $0x1, s0  }
0x4: {  	s21 =	simm.s32 $0x3;
	s3 =	sshll.u32 s3, $0x8;
	s4 =	sshll.u32 s0, $0x7  }
0x5: {  	s22 =	simm.s32 $0x4;
	s0 =	ssub.s32 $0x2, s0;
	s3 =	sor.u32 s4, s3  }
0x6: {  	[smem:$0x7FF] =	sst s5;
	s8 =	sshrl.u32 s0, $0x1;
	s6 =	sshll.u32 s3, $0x4  }
0x7: {  	_ =	strace $0x80000047;
	s0 =	ssub.s32 s0, s8;
	s1 =	sadd.s32 s1, s6  }
0x8: {  	s7 =	sadd.s32 s6, s2;
	s0 =	smax.u32 s0, $0x1;
	[dreg:$0x3] =	wrdreg s1  }
0x9: {  	s5 =	sadd.s32 $0x10600, s2;
	s31 =	sadd.s32 $0x600, s7;
	[dreg:$0x5] =	wrdreg s0  }
0xa: {  	s4 =	sadd.s32 $0xF52A00, s2;
	s2 =	simm.s32 $0x0;
	[dreg:$0x4] =	wrdreg s31  }
.LBB2_1:
0xb: {  	[dreg:$0x6] =	wrdreg s2  }
0xc: {  	s0 =	simm.s32 $0x0;
	s1 =	rddreg [dreg:$0x3];
	s18 =	simm.s32 $0x7  }
0xd: {  	[tilespmem:s0], [sflag:$0x7] =	stream.linear.gather [hbm4b:s1+s0], $0x4000, $0x38;
	[tilespmem:$0x1B800] =	vst v63  }
0xe: {  	_ =	swait.ge [sflag:s18], $0x4000  }
0xf: {  	[sflag:s18] =	ssyncset.done $0x0  }
0x10: {  	s6 =	simm.s32 $0x4000;
	s20 =	rddreg [dreg:$0x4];
	[sflag:s18] =	ssyncadd.s32 $0xFFFFC000  }
0x11: {  	[tilespmem:s6], [sflag:$0x7] =	stream.linear.gather [hbm4b:s20+s0], $0x4000, $0x38;
	[tilespmem:$0x1B800] =	vst v63  }
0x12: {  	_ =	swait.ge [sflag:s18], $0x4000  }
0x13: {  	[sflag:s18] =	ssyncset.done $0x0  }
0x14: {  	s23 =	simm.s32 $0x64;
	s24 =	simm.s32 $0x8000;
	[sflag:s18] =	ssyncadd.s32 $0xFFFFC000  }
0x15: {  	[tilespmem:s24], [sflag:$0x1] =	stream.indirect.gather [hbm4b:s4+s23], $0x80, s0, s23, $0xb8;
	[tilespmem:$0x1B800] =	vst v63  }
0x16: {  	s25 =	simm.s32 $0xB400  }
0x17: {  	[tilespmem:s25], [sflag:$0x2] =	stream.indirect.gather [hbm4b:s4+s23], $0x80, s6, s23, $0xb8;
	[tilespmem:$0x1B800] =	vst v63  }
0x18: {  	s26 =	simm.s32 $0x80;
	s29 =	simm.s32 $0xE800  }
0x19: {  	[tilespmem:s29], [sflag:$0x3] =	stream.indirect.gather [hbm4b:s4+s23], $0x80, s26, s23, $0xb8;
	[tilespmem:$0x1B800] =	vst v63  }
0x1a: {  	s30 =	simm.s32 $0x4080;
	s31 =	simm.s32 $0x11C00;
	s28 =	simm.s32 $0x0  }
0x1b: {  	[tilespmem:s31], [sflag:$0x4] =	stream.indirect.gather [hbm4b:s4+s23], $0x80, s30, s23, $0xb8;
	[tilespmem:$0x1B800] =	vst v63  }
.LBB2_2:
0x1c: {  	p1 =	seq.s32 s28, $0x0  }
0x1d: {  	s0 =	simm.s32 @!p1 $0x5  }
0x1e: {  	_ =	swait.ge @!p1 [sflag:s0], $0x3400  }
0x1f: {  	[sflag:s0] =	ssyncset.done @!p1 $0x0  }
0x20: {  	s14 =	simm.s32 $0x1;
	[sflag:s0] =	ssyncadd.s32 @!p1 $0xFFFFCC00  }
0x21: {  	_ =	swait.ge [sflag:s14], $0x3200  }
0x22: {  	[sflag:s14] =	ssyncset.done $0x0  }
0x23: {  	s1 =	simm.s32 $0x0;
	[sflag:s14] =	ssyncadd.s32 $0xFFFFCE00  }
0x24: {  	v0 =	vld [tilespmem:s1+$0x8000];
	_ =	sdelay $0x3  }
0x25: {  	s15 =	simm.s32 $0x0  }
0x26: {  	s2 =	sand.u32 $0x40, s15;
	s0 =	sand.u32 $0x3C00, s15;
	v0 =	vmul.f32 $8.000000000e+00, v0  }
0x27: {  	s0 =	sor.u32 s2, s0  }
0x28: {  	[tilespmem:s0+$0x15000] =	vst v0  }
0x29: {  	v0 =	vld [tilespmem:s1+$0x8010];
	_ =	sdelay $0x4  }
0x2a: {  	v0 =	vmul.f32 $8.000000000e+00, v0  }
0x2b: {  	s7 =	simm.s32 $0x80;
	s0 =	sadd.s32 $0x15000, s0  }
0x2c: {  	[tilespmem:s0+$0x10] =	vst v0;
	v0 =	vld [tilespmem:s7+$0x8000]  }
0x2d: {  	v1 =	vld [tilespmem:s1+$0x8020];
	_ =	sdelay $0x2  }
0x2e: {  	s16 =	simm.s32 $0x200;
	s6 =	simm.s32 $0x40  }
0x2f: {  	s6 =	sand.u32 $0x40, s6;
	s2 =	sand.u32 $0x3C00, s16;
	v0 =	vmul.f32 $8.000000000e+00, v0  }
0x30: {  	s2 =	sor.u32 s6, s2;
	v1 =	vmul.f32 $8.000000000e+00, v1  }
0x31: {  	[tilespmem:s2+$0x15000] =	vst v0  }
0x32: {  	v0 =	vld [tilespmem:s7+$0x8010];
	[tilespmem:s0+$0x20] =	vst v1  }
0x33: {  	v1 =	vld [tilespmem:s1+$0x8030];
	_ =	sdelay $0x3  }
0x34: {  	v0 =	vmul.f32 $8.000000000e+00, v0  }
0x35: {  	s10 =	simm.s32 $0x100;
	s6 =	sadd.s32 $0x15000, s2;
	v1 =	vmul.f32 $8.000000000e+00, v1  }
0x36: {  	[tilespmem:s6+$0x10] =	vst v0;
	v0 =	vld [tilespmem:s10+$0x8000]  }
0x37: {  	[tilespmem:s0+$0x30] =	vst v1;
	v1 =	vld [tilespmem:s7+$0x8020]  }
0x38: {  	v2 =	vld [tilespmem:s1+$0x8C80];
	_ =	sdelay $0x1  }
0x39: {  	s17 =	simm.s32 $0x400;
	s8 =	simm.s32 $0x80  }
0x3a: {  	s8 =	sand.u32 $0x40, s8;
	s2 =	sand.u32 $0x3C00, s17;
	v0 =	vmul.f32 $8.000000000e+00, v0  }
0x3b: {  	s2 =	sor.u32 s8, s2;
	v1 =	vmul.f32 $8.000000000e+00, v1  }
0x3c: {  	[tilespmem:s2+$0x15000] =	vst v0;
	v0 =	vmul.f32 $8.000000000e+00, v2  }
0x3d: {  	v2 =	vld [tilespmem:s10+$0x8010];
	[tilespmem:s6+$0x20] =	vst v1  }
0x3e: {  	v1 =	vld [tilespmem:s7+$0x8030];
	[tilespmem:s0+$0x80] =	vst v0  }
0x3f: {  	v0 =	vld [tilespmem:s1+$0x8C90];
	_ =	sdelay $0x2  }
0x40: {  	v2 =	vmul.f32 $8.000000000e+00, v2  }
0x41: {  	s13 =	simm.s32 $0x180;
	s12 =	sadd.s32 $0x15000, s2;
	v1 =	vmul.f32 $8.000000000e+00, v1  }
0x42: {  	[tilespmem:s12+$0x10] =	vst v2;
	v0 =	vmul.f32 $8.000000000e+00, v0;
	v2 =	vld [tilespmem:s13+$0x8000]  }
0x43: {  	[tilespmem:s6+$0x30] =	vst v1;
	v1 =	vld [tilespmem:s10+$0x8020]  }
0x44: {  	[tilespmem:s0+$0x90] =	vst v0;
	v0 =	vld [tilespmem:s7+$0x8C80]  }
0x45: {  	v3 =	vld [tilespmem:s1+$0x8CA0]  }
0x46: {  	s18 =	simm.s32 $0x600;
	s20 =	simm.s32 $0xC0  }
0x47: {  	s8 =	sand.u32 $0x40, s20;
	s2 =	sand.u32 $0x3C00, s18;
	v2 =	vmul.f32 $8.000000000e+00, v2  }
0x48: {  	s2 =	sor.u32 s8, s2;
	v1 =	vmul.f32 $8.000000000e+00, v1  }
0x49: {  	[tilespmem:s2+$0x15000] =	vst v2;
	v0 =	vmul.f32 $8.000000000e+00, v0  }
0x4a: {  	v2 =	vld [tilespmem:s13+$0x8010];
	[tilespmem:s12+$0x20] =	vst v1;
	v1 =	vmul.f32 $8.000000000e+00, v3  }
0x4b: {  	v3 =	vld [tilespmem:s10+$0x8030];
	[tilespmem:s6+$0x80] =	vst v0  }
0x4c: {  	v0 =	vld [tilespmem:s7+$0x8C90];
	[tilespmem:s0+$0xA0] =	vst v1  }
0x4d: {  	v1 =	vld [tilespmem:s1+$0x8CB0];
	_ =	sdelay $0x1  }
0x4e: {  	v2 =	vmul.f32 $8.000000000e+00, v2  }
0x4f: {  	s14 =	simm.s32 $0x200;
	s8 =	sadd.s32 $0x15000, s2;
	v3 =	vmul.f32 $8.000000000e+00, v3  }
0x50: {  	[tilespmem:s8+$0x10] =	vst v2;
	v0 =	vmul.f32 $8.000000000e+00, v0;
	v2 =	vld [tilespmem:s14+$0x8000]  }
0x51: {  	[tilespmem:s12+$0x30] =	vst v3;
	v1 =	vmul.f32 $8.000000000e+00, v1;
	v3 =	vld [tilespmem:s13+$0x8020]  }
0x52: {  	[tilespmem:s6+$0x90] =	vst v0;
	v0 =	vld [tilespmem:s10+$0x8C80]  }
0x53: {  	[tilespmem:s0+$0xB0] =	vst v1;
	v1 =	vld [tilespmem:s7+$0x8CA0]  }
0x54: {  	s23 =	simm.s32 $0x800;
	s9 =	simm.s32 $0x100;
	v4 =	vld [tilespmem:s1+$0x9900]  }
0x55: {  	s9 =	sand.u32 $0x40, s9;
	s2 =	sand.u32 $0x3C00, s23;
	v2 =	vmul.f32 $8.000000000e+00, v2  }
0x56: {  	s2 =	sor.u32 s9, s2;
	v3 =	vmul.f32 $8.000000000e+00, v3  }
0x57: {  	[tilespmem:s2+$0x15000] =	vst v2;
	v0 =	vmul.f32 $8.000000000e+00, v0  }
0x58: {  	v2 =	vld [tilespmem:s14+$0x8010];
	[tilespmem:s8+$0x20] =	vst v3;
	v1 =	vmul.f32 $8.000000000e+00, v1  }
0x59: {  	v3 =	vld [tilespmem:s13+$0x8030];
	[tilespmem:s12+$0x80] =	vst v0;
	v0 =	vmul.f32 $8.000000000e+00, v4  }
0x5a: {  	v4 =	vld [tilespmem:s10+$0x8C90];
	[tilespmem:s6+$0xA0] =	vst v1  }
0x5b: {  	v1 =	vld [tilespmem:s7+$0x8CB0];
	[tilespmem:s0+$0x100] =	vst v0  }
0x5c: {  	v0 =	vld [tilespmem:s1+$0x9910]  }
0x5d: {  	v2 =	vmul.f32 $8.000000000e+00, v2  }
0x5e: {  	s16 =	simm.s32 $0x280;
	s15 =	sadd.s32 $0x15000, s2;
	v3 =	vmul.f32 $8.000000000e+00, v3  }
0x5f: {  	[tilespmem:s15+$0x10] =	vst v2;
	v2 =	vmul.f32 $8.000000000e+00, v4;
	v4 =	vld [tilespmem:s16+$0x8000]  }
0x60: {  	[tilespmem:s8+$0x30] =	vst v3;
	v1 =	vmul.f32 $8.000000000e+00, v1;
	v3 =	vld [tilespmem:s14+$0x8020]  }
0x61: {  	[tilespmem:s12+$0x90] =	vst v2;
	v0 =	vmul.f32 $8.000000000e+00, v0;
	v2 =	vld [tilespmem:s13+$0x8C80]  }
0x62: {  	[tilespmem:s6+$0xB0] =	vst v1;
	v1 =	vld [tilespmem:s10+$0x8CA0]  }
0x63: {  	s24 =	simm.s32 $0xA00;
	s25 =	simm.s32 $0x140;
	[tilespmem:s0+$0x110] =	vst v0;
	v0 =	vld [tilespmem:s7+$0x9900]  }
0x64: {  	s9 =	sand.u32 $0x40, s25;
	s2 =	sand.u32 $0x3C00, s24;
	v4 =	vmul.f32 $8.000000000e+00, v4;
	v5 =	vld [tilespmem:s1+$0x9920]  }
0x65: {  	s2 =	sor.u32 s9, s2;
	v3 =	vmul.f32 $8.000000000e+00, v3  }
0x66: {  	[tilespmem:s2+$0x15000] =	vst v4;
	v2 =	vmul.f32 $8.000000000e+00, v2  }
0x67: {  	v4 =	vld [tilespmem:s16+$0x8010];
	[tilespmem:s15+$0x20] =	vst v3;
	v1 =	vmul.f32 $8.000000000e+00, v1  }
0x68: {  	v3 =	vld [tilespmem:s14+$0x8030];
	[tilespmem:s8+$0x80] =	vst v2;
	v0 =	vmul.f32 $8.000000000e+00, v0  }
0x69: {  	v2 =	vld [tilespmem:s13+$0x8C90];
	[tilespmem:s12+$0xA0] =	vst v1;
	v1 =	vmul.f32 $8.000000000e+00, v5  }
0x6a: {  	v5 =	vld [tilespmem:s10+$0x8CB0];
	[tilespmem:s6+$0x100] =	vst v0  }
0x6b: {  	v0 =	vld [tilespmem:s7+$0x9910];
	[tilespmem:s0+$0x120] =	vst v1  }
0x6c: {  	v1 =	vmul.f32 $8.000000000e+00, v4;
	v4 =	vld [tilespmem:s1+$0x9930]  }
0x6d: {  	s24 =	simm.s32 $0x300;
	s17 =	sadd.s32 $0x15000, s2;
	v3 =	vmul.f32 $8.000000000e+00, v3  }
0x6e: {  	[tilespmem:s17+$0x10] =	vst v1;
	v1 =	vmul.f32 $8.000000000e+00, v2;
	v2 =	vld [tilespmem:s24+$0x8000]  }
0x6f: {  	[tilespmem:s15+$0x30] =	vst v3;
	v3 =	vmul.f32 $8.000000000e+00, v5;
	v5 =	vld [tilespmem:s16+$0x8020]  }
0x70: {  	[tilespmem:s8+$0x90] =	vst v1;
	v0 =	vmul.f32 $8.000000000e+00, v0;
	v1 =	vld [tilespmem:s14+$0x8C80]  }
0x71: {  	[tilespmem:s12+$0xB0] =	vst v3;
	v3 =	vmul.f32 $8.000000000e+00, v4;
	v4 =	vld [tilespmem:s13+$0x8CA0]  }
0x72: {  	s26 =	simm.s32 $0xC00;
	s30 =	simm.s32 $0x180;
	[tilespmem:s6+$0x110] =	vst v0;
	v0 =	vld [tilespmem:s10+$0x9900]  }
0x73: {  	s9 =	sand.u32 $0x40, s30;
	s2 =	sand.u32 $0x3C00, s26;
	[tilespmem:s0+$0x130] =	vst v3;
	v2 =	vmul.f32 $8.000000000e+00, v2;
	v3 =	vld [tilespmem:s7+$0x9920]  }
0x74: {  	s2 =	sor.u32 s9, s2;
	v5 =	vmul.f32 $8.000000000e+00, v5;
	v6 =	vld [tilespmem:s1+$0xA580]  }
0x75: {  	[tilespmem:s2+$0x15000] =	vst v2;
	v1 =	vmul.f32 $8.000000000e+00, v1  }
0x76: {  	v2 =	vld [tilespmem:s24+$0x8010];
	[tilespmem:s17+$0x20] =	vst v5;
	v4 =	vmul.f32 $8.000000000e+00, v4  }
0x77: {  	v5 =	vld [tilespmem:s16+$0x8030];
	[tilespmem:s15+$0x80] =	vst v1;
	v0 =	vmul.f32 $8.000000000e+00, v0  }
0x78: {  	v1 =	vld [tilespmem:s14+$0x8C90];
	[tilespmem:s8+$0xA0] =	vst v4;
	v3 =	vmul.f32 $8.000000000e+00, v3  }
0x79: {  	v4 =	vld [tilespmem:s13+$0x8CB0];
	[tilespmem:s12+$0x100] =	vst v0;
	v0 =	vmul.f32 $8.000000000e+00, v6  }
0x7a: {  	v6 =	vld [tilespmem:s10+$0x9910];
	[tilespmem:s6+$0x120] =	vst v3  }
0x7b: {  	v2 =	vmul.f32 $8.000000000e+00, v2;
	v3 =	vld [tilespmem:s7+$0x9930];
	[tilespmem:s0+$0x180] =	vst v0  }
0x7c: {  	s11 =	simm.s32 $0x380;
	s25 =	sadd.s32 $0x15000, s2;
	v0 =	vmul.f32 $8.000000000e+00, v5;
	v5 =	vld [tilespmem:s1+$0xA590]  }
0x7d: {  	v7 =	vld [tilespmem:s11+$0x8000];
	[tilespmem:s25+$0x10] =	vst v2;
	v1 =	vmul.f32 $8.000000000e+00, v1  }
0x7e: {  	[tilespmem:s17+$0x30] =	vst v0;
	v0 =	vmul.f32 $8.000000000e+00, v4;
	v8 =	vld [tilespmem:s24+$0x8020]  }
0x7f: {  	[tilespmem:s15+$0x90] =	vst v1;
	v1 =	vmul.f32 $8.000000000e+00, v6;
	v4 =	vld [tilespmem:s16+$0x8C80]  }
0x80: {  	[tilespmem:s8+$0xB0] =	vst v0;
	v0 =	vmul.f32 $8.000000000e+00, v3;
	v3 =	vld [tilespmem:s14+$0x8CA0]  }
0x81: {  	s31 =	simm.s32 $0xE00;
	s9 =	simm.s32 $0x1C0;
	[tilespmem:s12+$0x110] =	vst v1;
	v5 =	vmul.f32 $8.000000000e+00, v5;
	v2 =	vld [tilespmem:s13+$0x9900]  }
0x82: {  	s20 =	sand.u32 $0x40, s9;
	s2 =	sand.u32 $0x3C00, s31;
	v6 =	vmul.f32 $8.000000000e+00, v7;
	[tilespmem:s6+$0x130] =	vst v0;
	v1 =	vld [tilespmem:s10+$0x9920]  }
0x83: {  	s29 =	sshll.u32 s28, $0x1;
	s26 =	sor.u32 s20, s2;
	s20 =	simm.s32 $0x1000;
	[tilespmem:s0+$0x190] =	vst v5;
	v5 =	vmul.f32 $8.000000000e+00, v8;
	v0 =	vld [tilespmem:s7+$0xA580]  }
.LBB2_3:
0x84: {  	p0 =	sne.s32 s20, $0x3000;
	[tilespmem:s26+$0x15000] =	vst v6;
	v4 =	vmul.f32 $8.000000000e+00, v4;
	v6 =	vld [tilespmem:s1+$0xA5A0];
	s23 =	smov.u32 s6;
	s6 =	smov.u32 s12  }
0x85: {  	s12 =	smov.u32 s8;
	s8 =	smov.u32 s15;
	s15 =	smov.u32 s17;
	v7 =	vld [tilespmem:s11+$0x8010];
	[tilespmem:s25+$0x20] =	vst v5;
	v3 =	vmul.f32 $8.000000000e+00, v3  }
0x86: {  	s17 =	smov.u32 s25;
	v5 =	vld [tilespmem:s24+$0x8030];
	[tilespmem:s15+$0x80] =	vst v4;
	v2 =	vmul.f32 $8.000000000e+00, v2  }
0x87: {  	v4 =	vld [tilespmem:s16+$0x8C90];
	[tilespmem:s8+$0xA0] =	vst v3;
	v1 =	vmul.f32 $8.000000000e+00, v1  }
0x88: {  	v3 =	vld [tilespmem:s14+$0x8CB0];
	[tilespmem:s12+$0x100] =	vst v2;
	v0 =	vmul.f32 $8.000000000e+00, v0  }
0x89: {  	v2 =	vld [tilespmem:s13+$0x9910];
	[tilespmem:s6+$0x120] =	vst v1;
	v1 =	vmul.f32 $8.000000000e+00, v6  }
0x8a: {  	v6 =	vmul.f32 $8.000000000e+00, v7;
	v7 =	vld [tilespmem:s10+$0x9930];
	[tilespmem:s23+$0x180] =	vst v0  }
0x8b: {  	s25 =	sadd.s32 $0x15000, s26;
	v0 =	vmul.f32 $8.000000000e+00, v5;
	v5 =	vld [tilespmem:s7+$0xA590];
	[tilespmem:s0+$0x1A0] =	vst v1  }
0x8c: {  	s2 =	sshra.s32 s20, $0x2;
	[tilespmem:s25+$0x10] =	vst v6;
	v1 =	vmul.f32 $8.000000000e+00, v4;
	v6 =	vld [tilespmem:s1+$0xA5B0];
	s1 =	smov.u32 s7;
	s7 =	smov.u32 s10  }
0x8d: {  	s10 =	smov.u32 s13;
	s13 =	smov.u32 s14;
	s14 =	smov.u32 s16;
	v8 =	vld [tilespmem:s2+$0x8000];
	[tilespmem:s17+$0x30] =	vst v0;
	v0 =	vmul.f32 $8.000000000e+00, v3  }
0x8e: {  	s16 =	smov.u32 s24;
	s24 =	smov.u32 s11;
	v9 =	vld [tilespmem:s11+$0x8020];
	[tilespmem:s15+$0x90] =	vst v1;
	v1 =	vmul.f32 $8.000000000e+00, v2;
	s11 =	smov.u32 s2  }
.Ltmp0:
0x8f: {  	v4 =	vld [tilespmem:s16+$0x8C80];
	[tilespmem:s8+$0xB0] =	vst v0;
	v0 =	vmul.f32 $8.000000000e+00, v7;
	(pc) =	sbr.rel @p0 .LBB2_3-.Ltmp0, $4  }
0x90: {  	v3 =	vld [tilespmem:s14+$0x8CA0];
	[tilespmem:s12+$0x110] =	vst v1;
	v5 =	vmul.f32 $8.000000000e+00, v5  }
0x91: {  	s9 =	sadd.s32 $0x40, s9;
	v2 =	vld [tilespmem:s13+$0x9900];
	[tilespmem:s6+$0x130] =	vst v0;
	v7 =	vmul.f32 $8.000000000e+00, v6  }
0x92: {  	s26 =	sand.u32 $0x3C00, s20;
	s2 =	sand.u32 $0x40, s9;
	v6 =	vmul.f32 $8.000000000e+00, v8;
	v1 =	vld [tilespmem:s10+$0x9920];
	[tilespmem:s23+$0x190] =	vst v5  }
0x93: {  	s20 =	sadd.s32 $0x200, s20;
	s26 =	sor.u32 s2, s26;
	v5 =	vmul.f32 $8.000000000e+00, v9;
	v0 =	vld [tilespmem:s7+$0xA580];
	[tilespmem:s0+$0x1B0] =	vst v7;
	s0 =	smov.u32 s23  }
0x94: {  	[tilespmem:s26+$0x15000] =	vst v6  }
0x95: {  	v6 =	vld [tilespmem:s11+$0x8010];
	_ =	sdelay $0x4  }
0x96: {  	v6 =	vmul.f32 $8.000000000e+00, v6  }
0x97: {  	s30 =	sadd.s32 $0x15000, s26  }
0x98: {  	[tilespmem:s30+$0x10] =	vst v6  }
0x99: {  	v6 =	vld [tilespmem:s11+$0x8020];
	_ =	sdelay $0x4  }
0x9a: {  	v6 =	vmul.f32 $8.000000000e+00, v6  }
0x9b: {  	[tilespmem:s25+$0x20] =	vst v5  }
0x9c: {  	v5 =	vld [tilespmem:s24+$0x8030];
	[tilespmem:s30+$0x20] =	vst v6  }
0x9d: {  	v6 =	vld [tilespmem:s11+$0x8030];
	_ =	sdelay $0x3  }
0x9e: {  	v5 =	vmul.f32 $8.000000000e+00, v5  }
0x9f: {  	v6 =	vmul.f32 $8.000000000e+00, v6  }
0xa0: {  	[tilespmem:s25+$0x30] =	vst v5  }
0xa1: {  	v5 =	vld [tilespmem:s24+$0x8C80];
	[tilespmem:s30+$0x30] =	vst v6  }
0xa2: {  	v6 =	vld [tilespmem:s11+$0x8C80];
	_ =	sdelay $0x2  }
0xa3: {  	v4 =	vmul.f32 $8.000000000e+00, v4  }
0xa4: {  	v5 =	vmul.f32 $8.000000000e+00, v5  }
0xa5: {  	[tilespmem:s17+$0x80] =	vst v4;
	v4 =	vmul.f32 $8.000000000e+00, v6  }
0xa6: {  	[tilespmem:s25+$0x80] =	vst v5;
	v6 =	vld [tilespmem:s16+$0x8C90]  }
0xa7: {  	v5 =	vld [tilespmem:s24+$0x8C90];
	[tilespmem:s30+$0x80] =	vst v4  }
0xa8: {  	v4 =	vld [tilespmem:s11+$0x8C90];
	_ =	sdelay $0x2  }
0xa9: {  	v6 =	vmul.f32 $8.000000000e+00, v6  }
0xaa: {  	v5 =	vmul.f32 $8.000000000e+00, v5  }
0xab: {  	[tilespmem:s17+$0x90] =	vst v6;
	v4 =	vmul.f32 $8.000000000e+00, v4  }
0xac: {  	[tilespmem:s25+$0x90] =	vst v5;
	v6 =	vld [tilespmem:s16+$0x8CA0]  }
0xad: {  	v5 =	vld [tilespmem:s24+$0x8CA0];
	[tilespmem:s30+$0x90] =	vst v4  }
0xae: {  	v4 =	vld [tilespmem:s11+$0x8CA0];
	_ =	sdelay $0x1  }
0xaf: {  	v3 =	vmul.f32 $8.000000000e+00, v3  }
0xb0: {  	v6 =	vmul.f32 $8.000000000e+00, v6  }
0xb1: {  	[tilespmem:s15+$0xA0] =	vst v3;
	v3 =	vmul.f32 $8.000000000e+00, v5  }
0xb2: {  	v5 =	vld [tilespmem:s14+$0x8CB0];
	[tilespmem:s17+$0xA0] =	vst v6;
	v4 =	vmul.f32 $8.000000000e+00, v4  }
0xb3: {  	[tilespmem:s25+$0xA0] =	vst v3;
	v6 =	vld [tilespmem:s16+$0x8CB0]  }
0xb4: {  	v3 =	vld [tilespmem:s24+$0x8CB0];
	[tilespmem:s30+$0xA0] =	vst v4  }
0xb5: {  	v4 =	vld [tilespmem:s11+$0x8CB0];
	_ =	sdelay $0x1  }
0xb6: {  	v5 =	vmul.f32 $8.000000000e+00, v5  }
0xb7: {  	v6 =	vmul.f32 $8.000000000e+00, v6  }
0xb8: {  	[tilespmem:s15+$0xB0] =	vst v5;
	v3 =	vmul.f32 $8.000000000e+00, v3  }
0xb9: {  	v5 =	vld [tilespmem:s14+$0x9900];
	[tilespmem:s17+$0xB0] =	vst v6;
	v4 =	vmul.f32 $8.000000000e+00, v4  }
0xba: {  	[tilespmem:s25+$0xB0] =	vst v3;
	v6 =	vld [tilespmem:s16+$0x9900]  }
0xbb: {  	v3 =	vld [tilespmem:s24+$0x9900];
	[tilespmem:s30+$0xB0] =	vst v4  }
0xbc: {  	v4 =	vld [tilespmem:s11+$0x9900]  }
0xbd: {  	v2 =	vmul.f32 $8.000000000e+00, v2  }
0xbe: {  	v5 =	vmul.f32 $8.000000000e+00, v5  }
0xbf: {  	[tilespmem:s8+$0x100] =	vst v2;
	v2 =	vmul.f32 $8.000000000e+00, v6  }
0xc0: {  	[tilespmem:s15+$0x100] =	vst v5;
	v3 =	vmul.f32 $8.000000000e+00, v3;
	v6 =	vld [tilespmem:s13+$0x9910]  }
0xc1: {  	v5 =	vld [tilespmem:s14+$0x9910];
	[tilespmem:s17+$0x100] =	vst v2;
	v2 =	vmul.f32 $8.000000000e+00, v4  }
0xc2: {  	[tilespmem:s25+$0x100] =	vst v3;
	v4 =	vld [tilespmem:s16+$0x9910]  }
0xc3: {  	v3 =	vld [tilespmem:s24+$0x9910];
	[tilespmem:s30+$0x100] =	vst v2  }
0xc4: {  	v2 =	vld [tilespmem:s11+$0x9910]  }
0xc5: {  	v6 =	vmul.f32 $8.000000000e+00, v6  }
0xc6: {  	v5 =	vmul.f32 $8.000000000e+00, v5  }
0xc7: {  	[tilespmem:s8+$0x110] =	vst v6;
	v4 =	vmul.f32 $8.000000000e+00, v4  }
0xc8: {  	[tilespmem:s15+$0x110] =	vst v5;
	v3 =	vmul.f32 $8.000000000e+00, v3;
	v6 =	vld [tilespmem:s13+$0x9920]  }
0xc9: {  	v5 =	vld [tilespmem:s14+$0x9920];
	[tilespmem:s17+$0x110] =	vst v4;
	v2 =	vmul.f32 $8.000000000e+00, v2  }
0xca: {  	[tilespmem:s25+$0x110] =	vst v3;
	v4 =	vld [tilespmem:s16+$0x9920]  }
0xcb: {  	v3 =	vld [tilespmem:s24+$0x9920];
	[tilespmem:s30+$0x110] =	vst v2  }
0xcc: {  	v1 =	vmul.f32 $8.000000000e+00, v1;
	v2 =	vld [tilespmem:s11+$0x9920]  }
0xcd: {  	v6 =	vmul.f32 $8.000000000e+00, v6  }
0xce: {  	[tilespmem:s12+$0x120] =	vst v1;
	v1 =	vmul.f32 $8.000000000e+00, v5  }
0xcf: {  	v5 =	vld [tilespmem:s10+$0x9930];
	[tilespmem:s8+$0x120] =	vst v6;
	v4 =	vmul.f32 $8.000000000e+00, v4  }
0xd0: {  	[tilespmem:s15+$0x120] =	vst v1;
	v1 =	vmul.f32 $8.000000000e+00, v3;
	v6 =	vld [tilespmem:s13+$0x9930]  }
0xd1: {  	v3 =	vld [tilespmem:s14+$0x9930];
	[tilespmem:s17+$0x120] =	vst v4;
	v2 =	vmul.f32 $8.000000000e+00, v2  }
0xd2: {  	[tilespmem:s25+$0x120] =	vst v1;
	v4 =	vld [tilespmem:s16+$0x9930]  }
0xd3: {  	v1 =	vld [tilespmem:s24+$0x9930];
	[tilespmem:s30+$0x120] =	vst v2  }
0xd4: {  	v2 =	vmul.f32 $8.000000000e+00, v5;
	v5 =	vld [tilespmem:s11+$0x9930]  }
0xd5: {  	v6 =	vmul.f32 $8.000000000e+00, v6  }
0xd6: {  	[tilespmem:s12+$0x130] =	vst v2;
	v2 =	vmul.f32 $8.000000000e+00, v3  }
0xd7: {  	[tilespmem:s8+$0x130] =	vst v6;
	v3 =	vld [tilespmem:s10+$0xA580];
	v4 =	vmul.f32 $8.000000000e+00, v4  }
0xd8: {  	v1 =	vmul.f32 $8.000000000e+00, v1;
	v6 =	vld [tilespmem:s13+$0xA580];
	[tilespmem:s15+$0x130] =	vst v2  }
0xd9: {  	v2 =	vld [tilespmem:s14+$0xA580];
	[tilespmem:s17+$0x130] =	vst v4;
	v4 =	vmul.f32 $8.000000000e+00, v5  }
0xda: {  	[tilespmem:s25+$0x130] =	vst v1;
	v5 =	vld [tilespmem:s16+$0xA580]  }
0xdb: {  	v0 =	vmul.f32 $8.000000000e+00, v0;
	v1 =	vld [tilespmem:s24+$0xA580];
	[tilespmem:s30+$0x130] =	vst v4  }
0xdc: {  	v3 =	vmul.f32 $8.000000000e+00, v3;
	v4 =	vld [tilespmem:s11+$0xA580]  }
0xdd: {  	[tilespmem:s6+$0x180] =	vst v0;
	v0 =	vmul.f32 $8.000000000e+00, v6  }
0xde: {  	v6 =	vld [tilespmem:s7+$0xA590];
	[tilespmem:s12+$0x180] =	vst v3;
	v2 =	vmul.f32 $8.000000000e+00, v2  }
0xdf: {  	[tilespmem:s8+$0x180] =	vst v0;
	v3 =	vld [tilespmem:s10+$0xA590];
	v0 =	vmul.f32 $8.000000000e+00, v5  }
0xe0: {  	v1 =	vmul.f32 $8.000000000e+00, v1;
	v5 =	vld [tilespmem:s13+$0xA590];
	[tilespmem:s15+$0x180] =	vst v2  }
0xe1: {  	v2 =	vld [tilespmem:s14+$0xA590];
	[tilespmem:s17+$0x180] =	vst v0;
	v0 =	vmul.f32 $8.000000000e+00, v4  }
0xe2: {  	[tilespmem:s25+$0x180] =	vst v1;
	v4 =	vld [tilespmem:s16+$0xA590]  }
0xe3: {  	v1 =	vmul.f32 $8.000000000e+00, v6;
	v6 =	vld [tilespmem:s24+$0xA590];
	[tilespmem:s30+$0x180] =	vst v0  }
0xe4: {  	v0 =	vmul.f32 $8.000000000e+00, v3;
	v3 =	vld [tilespmem:s11+$0xA590]  }
0xe5: {  	v7 =	vld [tilespmem:s1+$0xA5A0];
	[tilespmem:s6+$0x190] =	vst v1;
	v1 =	vmul.f32 $8.000000000e+00, v5  }
0xe6: {  	v5 =	vld [tilespmem:s7+$0xA5A0];
	[tilespmem:s12+$0x190] =	vst v0;
	v0 =	vmul.f32 $8.000000000e+00, v2  }
0xe7: {  	[tilespmem:s8+$0x190] =	vst v1;
	v2 =	vld [tilespmem:s10+$0xA5A0];
	v1 =	vmul.f32 $8.000000000e+00, v4  }
0xe8: {  	v4 =	vld [tilespmem:s13+$0xA5A0];
	[tilespmem:s15+$0x190] =	vst v0;
	v0 =	vmul.f32 $8.000000000e+00, v6  }
0xe9: {  	v6 =	vld [tilespmem:s14+$0xA5A0];
	[tilespmem:s17+$0x190] =	vst v1;
	v1 =	vmul.f32 $8.000000000e+00, v3  }
0xea: {  	v3 =	vmul.f32 $8.000000000e+00, v7;
	v7 =	vld [tilespmem:s16+$0xA5A0];
	[tilespmem:s25+$0x190] =	vst v0  }
0xeb: {  	v0 =	vmul.f32 $8.000000000e+00, v5;
	v5 =	vld [tilespmem:s24+$0xA5A0];
	[tilespmem:s30+$0x190] =	vst v1  }
0xec: {  	[tilespmem:s0+$0x1A0] =	vst v3;
	v1 =	vmul.f32 $8.000000000e+00, v2;
	v2 =	vld [tilespmem:s11+$0xA5A0]  }
0xed: {  	[tilespmem:s6+$0x1A0] =	vst v0;
	v0 =	vmul.f32 $8.000000000e+00, v4;
	v3 =	vld [tilespmem:s1+$0xA5B0]  }
0xee: {  	v4 =	vld [tilespmem:s7+$0xA5B0];
	[tilespmem:s12+$0x1A0] =	vst v1;
	v1 =	vmul.f32 $8.000000000e+00, v6  }
0xef: {  	[tilespmem:s8+$0x1A0] =	vst v0;
	v6 =	vld [tilespmem:s10+$0xA5B0];
	v0 =	vmul.f32 $8.000000000e+00, v7  }
0xf0: {  	v7 =	vld [tilespmem:s13+$0xA5B0];
	[tilespmem:s15+$0x1A0] =	vst v1;
	v1 =	vmul.f32 $8.000000000e+00, v5  }
0xf1: {  	v5 =	vld [tilespmem:s14+$0xA5B0];
	[tilespmem:s17+$0x1A0] =	vst v0;
	v0 =	vmul.f32 $8.000000000e+00, v2  }
0xf2: {  	v2 =	vmul.f32 $8.000000000e+00, v3;
	v3 =	vld [tilespmem:s16+$0xA5B0];
	[tilespmem:s25+$0x1A0] =	vst v1  }
0xf3: {  	v1 =	vmul.f32 $8.000000000e+00, v4;
	v4 =	vld [tilespmem:s24+$0xA5B0];
	[tilespmem:s30+$0x1A0] =	vst v0  }
0xf4: {  	[tilespmem:s0+$0x1B0] =	vst v2;
	v0 =	vmul.f32 $8.000000000e+00, v6;
	v2 =	vld [tilespmem:s11+$0xA5B0]  }
0xf5: {  	[tilespmem:s6+$0x1B0] =	vst v1;
	v1 =	vmul.f32 $8.000000000e+00, v7  }
0xf6: {  	[tilespmem:s12+$0x1B0] =	vst v0;
	v0 =	vmul.f32 $8.000000000e+00, v5  }
0xf7: {  	[tilespmem:s8+$0x1B0] =	vst v1;
	v1 =	vmul.f32 $8.000000000e+00, v3  }
0xf8: {  	[tilespmem:s15+$0x1B0] =	vst v0;
	v0 =	vmul.f32 $8.000000000e+00, v4  }
0xf9: {  	p0 =	seq.s32 s28, $0x3F;
	s0 =	sadd.s32 $0x2, s29;
	[tilespmem:s17+$0x1B0] =	vst v1;
	v1 =	vmul.f32 $8.000000000e+00, v2  }
0xfa: {  	s0 =	sshll.u32 @!p0 s0, $0x7;
	[tilespmem:s25+$0x1B0] =	vst v0  }
0xfb: {  	s1 =	simm.s32 @!p0 $0x8000;
	[tilespmem:s30+$0x1B0] =	vst v1;
	s30 =	sand.u32 @!p0 $0x3FFFFF80, s0;
	s0 =	simm.s32 @!p0 $0x64  }
0xfc: {  	[tilespmem:s1], [sflag:$0x1] =	stream.indirect.gather @!p0 [hbm4b:s4+s0], $0x80, s30, s0, $0xb8;
	[tilespmem:$0x1B800] =	vst v63  }
0xfd: {  	_ =	swait.ge [sflag:s19], $0x3200  }
0xfe: {  	[sflag:s19] =	ssyncset.done $0x0  }
0xff: {  	s0 =	simm.s32 $0xCD00;
	[sflag:s19] =	ssyncadd.s32 $0xFFFFCE00  }
0x100: {  	v0 =	vld [tilespmem:s0+$0xFFFFE700];
	_ =	sdelay $0x1  }
0x101: {  	p2 =	por $0x0, $0x0;
	s1 =	simm.s32 $0x1  }
0x102: {  	s1 =	simm.s32 @!p2 $0x0  }
0x103: {  	s1 =	sshll.u32 s1, $0x6  }
0x104: {  	s31 =	sadd.s32 $0x0, s1;
	v0 =	vmul.f32 $8.000000000e+00, v0  }
0x105: {  	s1 =	sor.u32 $0x200, s31  }
0x106: {  	[tilespmem:s1+$0x15000] =	vst v0  }
0x107: {  	v0 =	vld [tilespmem:s0+$0xFFFFE710];
	_ =	sdelay $0x4  }
0x108: {  	v0 =	vmul.f32 $8.000000000e+00, v0  }
0x109: {  	s12 =	simm.s32 $0xCD80;
	s6 =	sor.u32 $0x210, s31  }
0x10a: {  	[tilespmem:s6+$0x15000] =	vst v0;
	v0 =	vld [tilespmem:s12+$0xFFFFE700]  }
0x10b: {  	v1 =	vld [tilespmem:s0+$0xFFFFE720]  }
0x10c: {  	p2 =	por !p2, !p2;
	s1 =	simm.s32 $0x1  }
0x10d: {  	s1 =	simm.s32 @!p2 $0x0  }
0x10e: {  	s1 =	sshll.u32 s1, $0x6  }
0x10f: {  	s1 =	sadd.s32 $0x200, s1;
	v0 =	vmul.f32 $8.000000000e+00, v0  }
0x110: {  	s2 =	sor.u32 $0x200, s1;
	v1 =	vmul.f32 $8.000000000e+00, v1  }
0x111: {  	s7 =	sor.u32 $0x220, s31;
	[tilespmem:s2+$0x15000] =	vst v0  }
0x112: {  	v0 =	vld [tilespmem:s12+$0xFFFFE710];
	[tilespmem:s7+$0x15000] =	vst v1  }
0x113: {  	v1 =	vld [tilespmem:s0+$0xFFFFE730];
	_ =	sdelay $0x3  }
0x114: {  	v0 =	vmul.f32 $8.000000000e+00, v0  }
0x115: {  	s14 =	simm.s32 $0xCE00;
	s8 =	sor.u32 $0x210, s1;
	v1 =	vmul.f32 $8.000000000e+00, v1  }
0x116: {  	s9 =	sor.u32 $0x230, s31;
	[tilespmem:s8+$0x15000] =	vst v0;
	v0 =	vld [tilespmem:s14+$0xFFFFE700]  }
0x117: {  	[tilespmem:s9+$0x15000] =	vst v1;
	v1 =	vld [tilespmem:s12+$0xFFFFE720]  }
0x118: {  	p2 =	por !p2, !p2;
	s2 =	simm.s32 $0x1;
	v2 =	vld [tilespmem:s0+$0xFFFFF380]  }
0x119: {  	s2 =	simm.s32 @!p2 $0x0  }
0x11a: {  	s2 =	sshll.u32 s2, $0x6  }
0x11b: {  	s13 =	sadd.s32 $0x400, s2;
	v0 =	vmul.f32 $8.000000000e+00, v0  }
0x11c: {  	s2 =	sor.u32 $0x200, s13;
	v1 =	vmul.f32 $8.000000000e+00, v1  }
0x11d: {  	s10 =	sor.u32 $0x220, s1;
	[tilespmem:s2+$0x15000] =	vst v0;
	v0 =	vmul.f32 $8.000000000e+00, v2  }
0x11e: {  	s11 =	sor.u32 $0x280, s31;
	v2 =	vld [tilespmem:s14+$0xFFFFE710];
	[tilespmem:s10+$0x15000] =	vst v1  }
0x11f: {  	v1 =	vld [tilespmem:s12+$0xFFFFE730];
	[tilespmem:s11+$0x15000] =	vst v0  }
0x120: {  	v0 =	vld [tilespmem:s0+$0xFFFFF390];
	_ =	sdelay $0x2  }
0x121: {  	v2 =	vmul.f32 $8.000000000e+00, v2  }
0x122: {  	s16 =	simm.s32 $0xCE80;
	s15 =	sor.u32 $0x210, s13;
	v1 =	vmul.f32 $8.000000000e+00, v1  }
0x123: {  	s17 =	sor.u32 $0x230, s1;
	[tilespmem:s15+$0x15000] =	vst v2;
	v0 =	vmul.f32 $8.000000000e+00, v0;
	v2 =	vld [tilespmem:s16+$0xFFFFE700]  }
0x124: {  	s18 =	sor.u32 $0x290, s31;
	[tilespmem:s17+$0x15000] =	vst v1;
	v1 =	vld [tilespmem:s14+$0xFFFFE720]  }
0x125: {  	p2 =	por !p2, !p2;
	s2 =	simm.s32 $0x1;
	[tilespmem:s18+$0x15000] =	vst v0;
	v0 =	vld [tilespmem:s12+$0xFFFFF380]  }
0x126: {  	s2 =	simm.s32 @!p2 $0x0;
	v3 =	vld [tilespmem:s0+$0xFFFFF3A0]  }
0x127: {  	s2 =	sshll.u32 s2, $0x6  }
0x128: {  	s15 =	sadd.s32 $0x600, s2;
	v2 =	vmul.f32 $8.000000000e+00, v2  }
0x129: {  	s2 =	sor.u32 $0x200, s15;
	v1 =	vmul.f32 $8.000000000e+00, v1  }
0x12a: {  	s20 =	sor.u32 $0x220, s13;
	[tilespmem:s2+$0x15000] =	vst v2;
	v0 =	vmul.f32 $8.000000000e+00, v0  }
0x12b: {  	s23 =	sor.u32 $0x280, s1;
	v2 =	vld [tilespmem:s16+$0xFFFFE710];
	[tilespmem:s20+$0x15000] =	vst v1;
	v1 =	vmul.f32 $8.000000000e+00, v3  }
0x12c: {  	s24 =	sor.u32 $0x2A0, s31;
	v3 =	vld [tilespmem:s14+$0xFFFFE730];
	[tilespmem:s23+$0x15000] =	vst v0  }
0x12d: {  	v0 =	vld [tilespmem:s12+$0xFFFFF390];
	[tilespmem:s24+$0x15000] =	vst v1  }
0x12e: {  	v1 =	vld [tilespmem:s0+$0xFFFFF3B0];
	_ =	sdelay $0x1  }
0x12f: {  	v2 =	vmul.f32 $8.000000000e+00, v2  }
0x130: {  	s25 =	sor.u32 $0x210, s15;
	s17 =	simm.s32 $0xCF00;
	v3 =	vmul.f32 $8.000000000e+00, v3  }
0x131: {  	s26 =	sor.u32 $0x230, s13;
	[tilespmem:s25+$0x15000] =	vst v2;
	v0 =	vmul.f32 $8.000000000e+00, v0;
	v2 =	vld [tilespmem:s17+$0xFFFFE700]  }
0x132: {  	s6 =	sor.u32 $0x290, s1;
	[tilespmem:s26+$0x15000] =	vst v3;
	v1 =	vmul.f32 $8.000000000e+00, v1;
	v3 =	vld [tilespmem:s16+$0xFFFFE720]  }
0x133: {  	s7 =	sor.u32 $0x2B0, s31;
	p2 =	por !p2, !p2;
	[tilespmem:s6+$0x15000] =	vst v0;
	v0 =	vld [tilespmem:s14+$0xFFFFF380];
	s6 =	simm.s32 $0x1  }
0x134: {  	[tilespmem:s7+$0x15000] =	vst v1;
	s6 =	simm.s32 @!p2 $0x0;
	v1 =	vld [tilespmem:s12+$0xFFFFF3A0]  }
0x135: {  	s8 =	sshll.u32 s6, $0x6;
	v4 =	vld [tilespmem:s0+$0x0]  }
0x136: {  	s10 =	sadd.s32 $0x800, s8;
	v2 =	vmul.f32 $8.000000000e+00, v2  }
0x137: {  	s2 =	sor.u32 $0x200, s10;
	v3 =	vmul.f32 $8.000000000e+00, v3  }
0x138: {  	s9 =	sor.u32 $0x220, s15;
	[tilespmem:s2+$0x15000] =	vst v2;
	v0 =	vmul.f32 $8.000000000e+00, v0  }
0x139: {  	s11 =	sor.u32 $0x280, s13;
	v2 =	vld [tilespmem:s17+$0xFFFFE710];
	[tilespmem:s9+$0x15000] =	vst v3;
	v1 =	vmul.f32 $8.000000000e+00, v1  }
0x13a: {  	s18 =	sor.u32 $0x2A0, s1;
	v3 =	vld [tilespmem:s16+$0xFFFFE730];
	[tilespmem:s11+$0x15000] =	vst v0;
	v0 =	vmul.f32 $8.000000000e+00, v4  }
0x13b: {  	s20 =	sor.u32 $0x300, s31;
	v4 =	vld [tilespmem:s14+$0xFFFFF390];
	[tilespmem:s18+$0x15000] =	vst v1  }
0x13c: {  	v1 =	vld [tilespmem:s12+$0xFFFFF3B0];
	[tilespmem:s20+$0x15000] =	vst v0  }
0x13d: {  	v0 =	vld [tilespmem:s0+$0x10]  }
0x13e: {  	v2 =	vmul.f32 $8.000000000e+00, v2  }
0x13f: {  	s7 =	simm.s32 $0xCF80;
	s23 =	sor.u32 $0x210, s10;
	v3 =	vmul.f32 $8.000000000e+00, v3  }
0x140: {  	s24 =	sor.u32 $0x230, s15;
	[tilespmem:s23+$0x15000] =	vst v2;
	v2 =	vmul.f32 $8.000000000e+00, v4;
	v4 =	vld [tilespmem:s7+$0xFFFFE700]  }
0x141: {  	s25 =	sor.u32 $0x290, s13;
	[tilespmem:s24+$0x15000] =	vst v3;
	v1 =	vmul.f32 $8.000000000e+00, v1;
	v3 =	vld [tilespmem:s17+$0xFFFFE720]  }
0x142: {  	s26 =	sor.u32 $0x2B0, s1;
	p2 =	por !p2, !p2;
	s6 =	simm.s32 $0x1;
	[tilespmem:s25+$0x15000] =	vst v2;
	v0 =	vmul.f32 $8.000000000e+00, v0;
	v2 =	vld [tilespmem:s16+$0xFFFFF380]  }
0x143: {  	s8 =	sor.u32 $0x310, s31;
	s6 =	simm.s32 @!p2 $0x0;
	[tilespmem:s26+$0x15000] =	vst v1;
	v1 =	vld [tilespmem:s14+$0xFFFFF3A0]  }
0x144: {  	s9 =	sshll.u32 s6, $0x6;
	[tilespmem:s8+$0x15000] =	vst v0;
	v0 =	vld [tilespmem:s12+$0x0]  }
0x145: {  	s6 =	sadd.s32 $0xA00, s9;
	v4 =	vmul.f32 $8.000000000e+00, v4;
	v5 =	vld [tilespmem:s0+$0x20]  }
0x146: {  	s2 =	sor.u32 $0x200, s6;
	v3 =	vmul.f32 $8.000000000e+00, v3  }
0x147: {  	s11 =	sor.u32 $0x220, s10;
	[tilespmem:s2+$0x15000] =	vst v4;
	v2 =	vmul.f32 $8.000000000e+00, v2  }
0x148: {  	s18 =	sor.u32 $0x280, s15;
	v4 =	vld [tilespmem:s7+$0xFFFFE710];
	[tilespmem:s11+$0x15000] =	vst v3;
	v1 =	vmul.f32 $8.000000000e+00, v1  }
0x149: {  	s20 =	sor.u32 $0x2A0, s13;
	v3 =	vld [tilespmem:s17+$0xFFFFE730];
	[tilespmem:s18+$0x15000] =	vst v2;
	v0 =	vmul.f32 $8.000000000e+00, v0  }
0x14a: {  	s23 =	sor.u32 $0x300, s1;
	v2 =	vld [tilespmem:s16+$0xFFFFF390];
	[tilespmem:s20+$0x15000] =	vst v1;
	v1 =	vmul.f32 $8.000000000e+00, v5  }
0x14b: {  	s24 =	sor.u32 $0x320, s31;
	v5 =	vld [tilespmem:s14+$0xFFFFF3B0];
	[tilespmem:s23+$0x15000] =	vst v0  }
0x14c: {  	v0 =	vld [tilespmem:s12+$0x10];
	[tilespmem:s24+$0x15000] =	vst v1  }
0x14d: {  	v1 =	vmul.f32 $8.000000000e+00, v4;
	v4 =	vld [tilespmem:s0+$0x30]  }
0x14e: {  	s25 =	sor.u32 $0x210, s6;
	s24 =	simm.s32 $0xD000;
	v3 =	vmul.f32 $8.000000000e+00, v3  }
0x14f: {  	s26 =	sor.u32 $0x230, s10;
	[tilespmem:s25+$0x15000] =	vst v1;
	v1 =	vmul.f32 $8.000000000e+00, v2;
	v2 =	vld [tilespmem:s24+$0xFFFFE700]  }
0x150: {  	s8 =	sor.u32 $0x290, s15;
	[tilespmem:s26+$0x15000] =	vst v3;
	v3 =	vmul.f32 $8.000000000e+00, v5;
	v5 =	vld [tilespmem:s7+$0xFFFFE720]  }
0x151: {  	p2 =	por !p2, !p2;
	s9 =	sor.u32 $0x2B0, s13;
	[tilespmem:s8+$0x15000] =	vst v1;
	v0 =	vmul.f32 $8.000000000e+00, v0;
	v1 =	vld [tilespmem:s17+$0xFFFFF380];
	s8 =	simm.s32 $0x1  }
0x152: {  	s11 =	sor.u32 $0x310, s1;
	[tilespmem:s9+$0x15000] =	vst v3;
	v3 =	vmul.f32 $8.000000000e+00, v4;
	s8 =	simm.s32 @!p2 $0x0;
	v4 =	vld [tilespmem:s16+$0xFFFFF3A0]  }
0x153: {  	s18 =	sor.u32 $0x330, s31;
	[tilespmem:s11+$0x15000] =	vst v0;
	s8 =	sshll.u32 s8, $0x6;
	v0 =	vld [tilespmem:s14+$0x0]  }
0x154: {  	[tilespmem:s18+$0x15000] =	vst v3;
	s8 =	sadd.s32 $0xC00, s8;
	v2 =	vmul.f32 $8.000000000e+00, v2;
	v3 =	vld [tilespmem:s12+$0x20]  }
0x155: {  	s20 =	sor.u32 $0x200, s8;
	v5 =	vmul.f32 $8.000000000e+00, v5;
	v6 =	vld [tilespmem:s0+$0xC80]  }
0x156: {  	s23 =	sor.u32 $0x220, s6;
	[tilespmem:s20+$0x15000] =	vst v2;
	v1 =	vmul.f32 $8.000000000e+00, v1  }
0x157: {  	s25 =	sor.u32 $0x280, s10;
	v2 =	vld [tilespmem:s24+$0xFFFFE710];
	[tilespmem:s23+$0x15000] =	vst v5;
	v4 =	vmul.f32 $8.000000000e+00, v4  }
0x158: {  	s26 =	sor.u32 $0x2A0, s15;
	v5 =	vld [tilespmem:s7+$0xFFFFE730];
	[tilespmem:s25+$0x15000] =	vst v1;
	v0 =	vmul.f32 $8.000000000e+00, v0  }
0x159: {  	s9 =	sor.u32 $0x300, s13;
	v1 =	vld [tilespmem:s17+$0xFFFFF390];
	[tilespmem:s26+$0x15000] =	vst v4;
	v3 =	vmul.f32 $8.000000000e+00, v3  }
0x15a: {  	s11 =	sor.u32 $0x320, s1;
	v4 =	vld [tilespmem:s16+$0xFFFFF3B0];
	[tilespmem:s9+$0x15000] =	vst v0;
	v0 =	vmul.f32 $8.000000000e+00, v6  }
0x15b: {  	s18 =	sor.u32 $0x380, s31;
	v6 =	vld [tilespmem:s14+$0x10];
	[tilespmem:s11+$0x15000] =	vst v3  }
0x15c: {  	v2 =	vmul.f32 $8.000000000e+00, v2;
	v3 =	vld [tilespmem:s12+$0x30];
	[tilespmem:s18+$0x15000] =	vst v0  }
0x15d: {  	s20 =	sor.u32 $0x210, s8;
	s9 =	simm.s32 $0xD080;
	v0 =	vmul.f32 $8.000000000e+00, v5;
	v5 =	vld [tilespmem:s0+$0xC90]  }
0x15e: {  	s23 =	sor.u32 $0x230, s6;
	[tilespmem:s20+$0x15000] =	vst v2;
	v1 =	vmul.f32 $8.000000000e+00, v1;
	v2 =	vld [tilespmem:s9+$0xFFFFE700]  }
0x15f: {  	s25 =	sor.u32 $0x290, s10;
	[tilespmem:s23+$0x15000] =	vst v0;
	v0 =	vmul.f32 $8.000000000e+00, v4;
	v7 =	vld [tilespmem:s24+$0xFFFFE720]  }
0x160: {  	p2 =	por !p2, !p2;
	s26 =	sor.u32 $0x2B0, s15;
	s11 =	simm.s32 $0x1;
	[tilespmem:s25+$0x15000] =	vst v1;
	v1 =	vmul.f32 $8.000000000e+00, v6;
	v8 =	vld [tilespmem:s7+$0xFFFFF380]  }
0x161: {  	s18 =	sor.u32 $0x310, s13;
	s11 =	simm.s32 @!p2 $0x0;
	[tilespmem:s26+$0x15000] =	vst v0;
	v0 =	vmul.f32 $8.000000000e+00, v3;
	v4 =	vld [tilespmem:s17+$0xFFFFF3A0]  }
0x162: {  	s11 =	sshll.u32 s11, $0x6;
	s20 =	sor.u32 $0x330, s1;
	[tilespmem:s18+$0x15000] =	vst v1;
	v1 =	vmul.f32 $8.000000000e+00, v5;
	v3 =	vld [tilespmem:s16+$0x0]  }
0x163: {  	s11 =	sadd.s32 $0xE00, s11;
	s23 =	sor.u32 $0x390, s31;
	[tilespmem:s20+$0x15000] =	vst v0;
	v0 =	vmul.f32 $8.000000000e+00, v2;
	v2 =	vld [tilespmem:s14+$0x20]  }
0x164: {  	s2 =	sor.u32 $0x220, s8;
	s25 =	sor.u32 $0x200, s11;
	[tilespmem:s23+$0x15000] =	vst v1;
	v1 =	vld [tilespmem:s12+$0xC80];
	v6 =	vmul.f32 $8.000000000e+00, v7  }
0x165: {  	s26 =	simm.s32 $0xE00;
	s20 =	simm.s32 $0x200;
	[tilespmem:s25+$0x15000] =	vst v0;
	v5 =	vmul.f32 $8.000000000e+00, v8;
	v0 =	vld [tilespmem:s0+$0xCA0];
	s25 =	simm.s32 $0xD080  }
.LBB2_5:
0x166: {  	p3 =	sne.s32 s20, $0x600;
	v7 =	vld [tilespmem:s9+$0xFFFFE710];
	[tilespmem:s2+$0x15000] =	vst v6;
	s2 =	sor.u32 $0x280, s6;
	v4 =	vmul.f32 $8.000000000e+00, v4;
	s23 =	smov.u32 s13  }
0x167: {  	s13 =	smov.u32 s15;
	s15 =	smov.u32 s10;
	v6 =	vld [tilespmem:s24+$0xFFFFE730];
	[tilespmem:s2+$0x15000] =	vst v5;
	s2 =	sor.u32 $0x2A0, s10;
	v3 =	vmul.f32 $8.000000000e+00, v3  }
0x168: {  	s10 =	smov.u32 s6;
	s6 =	smov.u32 s8;
	v5 =	vld [tilespmem:s7+$0xFFFFF390];
	[tilespmem:s2+$0x15000] =	vst v4;
	s2 =	sor.u32 $0x300, s13;
	v2 =	vmul.f32 $8.000000000e+00, v2  }
0x169: {  	s8 =	smov.u32 s11;
	v4 =	vld [tilespmem:s17+$0xFFFFF3B0];
	[tilespmem:s2+$0x15000] =	vst v3;
	s2 =	sor.u32 $0x320, s23;
	v1 =	vmul.f32 $8.000000000e+00, v1  }
0x16a: {  	v3 =	vld [tilespmem:s16+$0x10];
	[tilespmem:s2+$0x15000] =	vst v2;
	s2 =	sor.u32 $0x380, s1;
	v0 =	vmul.f32 $8.000000000e+00, v0  }
0x16b: {  	v2 =	vmul.f32 $8.000000000e+00, v7;
	v7 =	vld [tilespmem:s14+$0x30];
	[tilespmem:s2+$0x15000] =	vst v1;
	s2 =	sor.u32 $0x3A0, s31  }
0x16c: {  	s9 =	sadd.s32 $0x80, s9;
	s11 =	sor.u32 $0x210, s8;
	v1 =	vmul.f32 $8.000000000e+00, v6;
	v6 =	vld [tilespmem:s12+$0xC90];
	[tilespmem:s2+$0x15000] =	vst v0  }
0x16d: {  	p2 =	por !p2, !p2;
	s2 =	sor.u32 $0x230, s6;
	[tilespmem:s11+$0x15000] =	vst v2;
	v0 =	vmul.f32 $8.000000000e+00, v5;
	v2 =	vld [tilespmem:s0+$0xCB0];
	s0 =	smov.u32 s12  }
0x16e: {  	s12 =	smov.u32 s14;
	s14 =	smov.u32 s16;
	v5 =	vld [tilespmem:s9+$0xFFFFE700];
	[tilespmem:s2+$0x15000] =	vst v1;
	s2 =	sor.u32 $0x290, s10;
	v1 =	vmul.f32 $8.000000000e+00, v4  }
0x16f: {  	s16 =	smov.u32 s17;
	s17 =	smov.u32 s7;
	v8 =	vld [tilespmem:s25+$0xFFFFE720];
	[tilespmem:s2+$0x15000] =	vst v0;
	s2 =	sor.u32 $0x2B0, s15;
	v0 =	vmul.f32 $8.000000000e+00, v3  }
0x170: {  	s7 =	smov.u32 s24;
	s11 =	simm.s32 $0x1;
	v9 =	vld [tilespmem:s24+$0xFFFFF380];
	[tilespmem:s2+$0x15000] =	vst v1;
	s2 =	sor.u32 $0x310, s13;
	v1 =	vmul.f32 $8.000000000e+00, v7  }
.Ltmp1:
0x171: {  	s11 =	simm.s32 @!p2 $0x0;
	v4 =	vld [tilespmem:s17+$0xFFFFF3A0];
	[tilespmem:s2+$0x15000] =	vst v0;
	s2 =	sor.u32 $0x330, s23;
	v0 =	vmul.f32 $8.000000000e+00, v6;
	(pc) =	sbr.rel @p3 .LBB2_5-.Ltmp1, $4  }
0x172: {  	s26 =	sadd.s32 $0x200, s26;
	s11 =	sshll.u32 s11, $0x6;
	v3 =	vld [tilespmem:s16+$0x0];
	[tilespmem:s2+$0x15000] =	vst v1;
	s2 =	sor.u32 $0x390, s1;
	v7 =	vmul.f32 $8.000000000e+00, v2  }
0x173: {  	s11 =	sadd.s32 s11, s26;
	s24 =	smov.u32 s25;
	v5 =	vmul.f32 $8.000000000e+00, v5;
	v2 =	vld [tilespmem:s14+$0x20];
	[tilespmem:s2+$0x15000] =	vst v0;
	s2 =	sor.u32 $0x3B0, s31  }
0x174: {  	s25 =	smov.u32 s9;
	s18 =	sor.u32 $0x200, s11;
	s31 =	smov.u32 s1;
	v6 =	vmul.f32 $8.000000000e+00, v8;
	v1 =	vld [tilespmem:s12+$0xC80];
	[tilespmem:s2+$0x15000] =	vst v7  }
0x175: {  	s20 =	sadd.s32 $0x40, s20;
	s1 =	smov.u32 s23;
	s2 =	sor.u32 $0x220, s8;
	[tilespmem:s18+$0x15000] =	vst v5;
	v5 =	vmul.f32 $8.000000000e+00, v9;
	v0 =	vld [tilespmem:s0+$0xCA0]  }
0x176: {  	v7 =	vld [tilespmem:s9+$0xFFFFE710];
	_ =	sdelay $0x4  }
0x177: {  	v7 =	vmul.f32 $8.000000000e+00, v7  }
0x178: {  	s20 =	sor.u32 $0x210, s11  }
0x179: {  	[tilespmem:s20+$0x15000] =	vst v7  }
0x17a: {  	v7 =	vld [tilespmem:s25+$0xFFFFE720];
	_ =	sdelay $0x4  }
0x17b: {  	v7 =	vmul.f32 $8.000000000e+00, v7  }
0x17c: {  	[tilespmem:s2+$0x15000] =	vst v6;
	s23 =	sor.u32 $0x220, s11  }
0x17d: {  	v6 =	vld [tilespmem:s24+$0xFFFFE730];
	[tilespmem:s23+$0x15000] =	vst v7  }
0x17e: {  	v7 =	vld [tilespmem:s25+$0xFFFFE730];
	_ =	sdelay $0x3  }
0x17f: {  	v6 =	vmul.f32 $8.000000000e+00, v6  }
0x180: {  	s26 =	sor.u32 $0x230, s8;
	v7 =	vmul.f32 $8.000000000e+00, v7  }
0x181: {  	s9 =	sor.u32 $0x230, s11;
	[tilespmem:s26+$0x15000] =	vst v6  }
0x182: {  	v6 =	vld [tilespmem:s24+$0xFFFFF380];
	[tilespmem:s9+$0x15000] =	vst v7  }
0x183: {  	v7 =	vld [tilespmem:s25+$0xFFFFF380];
	_ =	sdelay $0x3  }
0x184: {  	s18 =	sor.u32 $0x280, s6;
	v6 =	vmul.f32 $8.000000000e+00, v6  }
0x185: {  	[tilespmem:s18+$0x15000] =	vst v5;
	s20 =	sor.u32 $0x280, s8;
	v5 =	vmul.f32 $8.000000000e+00, v7  }
0x186: {  	s23 =	sor.u32 $0x280, s11;
	[tilespmem:s20+$0x15000] =	vst v6;
	v7 =	vld [tilespmem:s7+$0xFFFFF390]  }
0x187: {  	v6 =	vld [tilespmem:s24+$0xFFFFF390];
	[tilespmem:s23+$0x15000] =	vst v5  }
0x188: {  	v5 =	vld [tilespmem:s25+$0xFFFFF390];
	_ =	sdelay $0x2  }
0x189: {  	v7 =	vmul.f32 $8.000000000e+00, v7  }
0x18a: {  	s26 =	sor.u32 $0x290, s6;
	v6 =	vmul.f32 $8.000000000e+00, v6  }
0x18b: {  	s9 =	sor.u32 $0x290, s8;
	[tilespmem:s26+$0x15000] =	vst v7;
	v5 =	vmul.f32 $8.000000000e+00, v5  }
0x18c: {  	s18 =	sor.u32 $0x290, s11;
	[tilespmem:s9+$0x15000] =	vst v6;
	v7 =	vld [tilespmem:s7+$0xFFFFF3A0]  }
0x18d: {  	v6 =	vld [tilespmem:s24+$0xFFFFF3A0];
	[tilespmem:s18+$0x15000] =	vst v5  }
0x18e: {  	v5 =	vld [tilespmem:s25+$0xFFFFF3A0];
	_ =	sdelay $0x1  }
0x18f: {  	v4 =	vmul.f32 $8.000000000e+00, v4  }
0x190: {  	s20 =	sor.u32 $0x2A0, s10;
	v7 =	vmul.f32 $8.000000000e+00, v7  }
0x191: {  	[tilespmem:s20+$0x15000] =	vst v4;
	v4 =	vmul.f32 $8.000000000e+00, v6;
	s23 =	sor.u32 $0x2A0, s6  }
0x192: {  	v6 =	vld [tilespmem:s17+$0xFFFFF3B0];
	s26 =	sor.u32 $0x2A0, s8;
	[tilespmem:s23+$0x15000] =	vst v7;
	v5 =	vmul.f32 $8.000000000e+00, v5  }
0x193: {  	s9 =	sor.u32 $0x2A0, s11;
	[tilespmem:s26+$0x15000] =	vst v4;
	v7 =	vld [tilespmem:s7+$0xFFFFF3B0]  }
0x194: {  	v4 =	vld [tilespmem:s24+$0xFFFFF3B0];
	[tilespmem:s9+$0x15000] =	vst v5  }
0x195: {  	v5 =	vld [tilespmem:s25+$0xFFFFF3B0];
	_ =	sdelay $0x1  }
0x196: {  	v6 =	vmul.f32 $8.000000000e+00, v6  }
0x197: {  	s18 =	sor.u32 $0x2B0, s10;
	v7 =	vmul.f32 $8.000000000e+00, v7  }
0x198: {  	s20 =	sor.u32 $0x2B0, s6;
	[tilespmem:s18+$0x15000] =	vst v6;
	v4 =	vmul.f32 $8.000000000e+00, v4  }
0x199: {  	v6 =	vld [tilespmem:s17+$0x0];
	s23 =	sor.u32 $0x2B0, s8;
	[tilespmem:s20+$0x15000] =	vst v7;
	v5 =	vmul.f32 $8.000000000e+00, v5  }
0x19a: {  	s26 =	sor.u32 $0x2B0, s11;
	[tilespmem:s23+$0x15000] =	vst v4;
	v7 =	vld [tilespmem:s7+$0x0]  }
0x19b: {  	v4 =	vld [tilespmem:s24+$0x0];
	[tilespmem:s26+$0x15000] =	vst v5  }
0x19c: {  	v5 =	vld [tilespmem:s25+$0x0]  }
0x19d: {  	v3 =	vmul.f32 $8.000000000e+00, v3  }
0x19e: {  	v6 =	vmul.f32 $8.000000000e+00, v6;
	s9 =	sor.u32 $0x300, s15  }
0x19f: {  	s18 =	sor.u32 $0x300, s10;
	[tilespmem:s9+$0x15000] =	vst v3;
	v3 =	vmul.f32 $8.000000000e+00, v7  }
0x1a0: {  	[tilespmem:s18+$0x15000] =	vst v6;
	v4 =	vmul.f32 $8.000000000e+00, v4;
	s20 =	sor.u32 $0x300, s6;
	v7 =	vld [tilespmem:s16+$0x10]  }
0x1a1: {  	s23 =	sor.u32 $0x300, s8;
	v6 =	vld [tilespmem:s17+$0x10];
	[tilespmem:s20+$0x15000] =	vst v3;
	v3 =	vmul.f32 $8.000000000e+00, v5  }
0x1a2: {  	[tilespmem:s23+$0x15000] =	vst v4;
	s26 =	sor.u32 $0x300, s11;
	v5 =	vld [tilespmem:s7+$0x10]  }
0x1a3: {  	v4 =	vld [tilespmem:s24+$0x10];
	[tilespmem:s26+$0x15000] =	vst v3  }
0x1a4: {  	v3 =	vld [tilespmem:s25+$0x10]  }
0x1a5: {  	v7 =	vmul.f32 $8.000000000e+00, v7  }
0x1a6: {  	s9 =	sor.u32 $0x310, s15;
	v6 =	vmul.f32 $8.000000000e+00, v6  }
0x1a7: {  	s18 =	sor.u32 $0x310, s10;
	[tilespmem:s9+$0x15000] =	vst v7;
	v5 =	vmul.f32 $8.000000000e+00, v5  }
0x1a8: {  	[tilespmem:s18+$0x15000] =	vst v6;
	v4 =	vmul.f32 $8.000000000e+00, v4;
	s20 =	sor.u32 $0x310, s6;
	v7 =	vld [tilespmem:s16+$0x20]  }
0x1a9: {  	s23 =	sor.u32 $0x310, s8;
	v6 =	vld [tilespmem:s17+$0x20];
	[tilespmem:s20+$0x15000] =	vst v5;
	v3 =	vmul.f32 $8.000000000e+00, v3  }
0x1aa: {  	[tilespmem:s23+$0x15000] =	vst v4;
	s26 =	sor.u32 $0x310, s11;
	v5 =	vld [tilespmem:s7+$0x20]  }
0x1ab: {  	v4 =	vld [tilespmem:s24+$0x20];
	[tilespmem:s26+$0x15000] =	vst v3  }
0x1ac: {  	v2 =	vmul.f32 $8.000000000e+00, v2;
	v3 =	vld [tilespmem:s25+$0x20]  }
0x1ad: {  	s9 =	sor.u32 $0x320, s13;
	v7 =	vmul.f32 $8.000000000e+00, v7  }
0x1ae: {  	s18 =	sor.u32 $0x320, s15;
	[tilespmem:s9+$0x15000] =	vst v2;
	v2 =	vmul.f32 $8.000000000e+00, v6  }
0x1af: {  	v6 =	vld [tilespmem:s14+$0x30];
	s20 =	sor.u32 $0x320, s10;
	[tilespmem:s18+$0x15000] =	vst v7;
	v5 =	vmul.f32 $8.000000000e+00, v5  }
0x1b0: {  	s23 =	sor.u32 $0x320, s6;
	[tilespmem:s20+$0x15000] =	vst v2;
	v2 =	vmul.f32 $8.000000000e+00, v4;
	v7 =	vld [tilespmem:s16+$0x30]  }
0x1b1: {  	v4 =	vld [tilespmem:s17+$0x30];
	s26 =	sor.u32 $0x320, s8;
	[tilespmem:s23+$0x15000] =	vst v5;
	v3 =	vmul.f32 $8.000000000e+00, v3  }
0x1b2: {  	s9 =	sor.u32 $0x320, s11;
	[tilespmem:s26+$0x15000] =	vst v2;
	v5 =	vld [tilespmem:s7+$0x30]  }
0x1b3: {  	v2 =	vld [tilespmem:s24+$0x30];
	[tilespmem:s9+$0x15000] =	vst v3  }
0x1b4: {  	v3 =	vmul.f32 $8.000000000e+00, v6;
	v6 =	vld [tilespmem:s25+$0x30]  }
0x1b5: {  	s18 =	sor.u32 $0x330, s13;
	v7 =	vmul.f32 $8.000000000e+00, v7  }
0x1b6: {  	s20 =	sor.u32 $0x330, s15;
	[tilespmem:s18+$0x15000] =	vst v3;
	v3 =	vmul.f32 $8.000000000e+00, v4  }
0x1b7: {  	s23 =	sor.u32 $0x330, s10;
	[tilespmem:s20+$0x15000] =	vst v7;
	v4 =	vld [tilespmem:s14+$0xC80];
	v5 =	vmul.f32 $8.000000000e+00, v5  }
0x1b8: {  	s26 =	sor.u32 $0x330, s6;
	v2 =	vmul.f32 $8.000000000e+00, v2;
	v7 =	vld [tilespmem:s16+$0xC80];
	[tilespmem:s23+$0x15000] =	vst v3  }
0x1b9: {  	s9 =	sor.u32 $0x330, s8;
	v3 =	vld [tilespmem:s17+$0xC80];
	[tilespmem:s26+$0x15000] =	vst v5;
	v5 =	vmul.f32 $8.000000000e+00, v6  }
0x1ba: {  	[tilespmem:s9+$0x15000] =	vst v2;
	s18 =	sor.u32 $0x330, s11;
	v6 =	vld [tilespmem:s7+$0xC80]  }
0x1bb: {  	v1 =	vmul.f32 $8.000000000e+00, v1;
	v2 =	vld [tilespmem:s24+$0xC80];
	[tilespmem:s18+$0x15000] =	vst v5  }
0x1bc: {  	s20 =	sor.u32 $0x380, s1;
	v4 =	vmul.f32 $8.000000000e+00, v4;
	v5 =	vld [tilespmem:s25+$0xC80]  }
0x1bd: {  	[tilespmem:s20+$0x15000] =	vst v1;
	s23 =	sor.u32 $0x380, s13;
	v1 =	vmul.f32 $8.000000000e+00, v7  }
0x1be: {  	s26 =	sor.u32 $0x380, s15;
	v7 =	vld [tilespmem:s12+$0xC90];
	[tilespmem:s23+$0x15000] =	vst v4;
	v3 =	vmul.f32 $8.000000000e+00, v3  }
0x1bf: {  	s9 =	sor.u32 $0x380, s10;
	[tilespmem:s26+$0x15000] =	vst v1;
	v4 =	vld [tilespmem:s14+$0xC90];
	v1 =	vmul.f32 $8.000000000e+00, v6  }
0x1c0: {  	v2 =	vmul.f32 $8.000000000e+00, v2;
	s18 =	sor.u32 $0x380, s6;
	v6 =	vld [tilespmem:s16+$0xC90];
	[tilespmem:s9+$0x15000] =	vst v3  }
0x1c1: {  	s20 =	sor.u32 $0x380, s8;
	v3 =	vld [tilespmem:s17+$0xC90];
	[tilespmem:s18+$0x15000] =	vst v1;
	v1 =	vmul.f32 $8.000000000e+00, v5  }
0x1c2: {  	[tilespmem:s20+$0x15000] =	vst v2;
	s23 =	sor.u32 $0x380, s11;
	v5 =	vld [tilespmem:s7+$0xC90]  }
0x1c3: {  	v2 =	vmul.f32 $8.000000000e+00, v7;
	v7 =	vld [tilespmem:s24+$0xC90];
	[tilespmem:s23+$0x15000] =	vst v1  }
0x1c4: {  	s26 =	sor.u32 $0x390, s1;
	v1 =	vmul.f32 $8.000000000e+00, v4;
	v4 =	vld [tilespmem:s25+$0xC90]  }
0x1c5: {  	s9 =	sor.u32 $0x390, s13;
	[tilespmem:s26+$0x15000] =	vst v2;
	v2 =	vmul.f32 $8.000000000e+00, v6  }
0x1c6: {  	s18 =	sor.u32 $0x390, s15;
	v6 =	vld [tilespmem:s12+$0xCA0];
	[tilespmem:s9+$0x15000] =	vst v1;
	v1 =	vmul.f32 $8.000000000e+00, v3  }
0x1c7: {  	s20 =	sor.u32 $0x390, s10;
	[tilespmem:s18+$0x15000] =	vst v2;
	v3 =	vld [tilespmem:s14+$0xCA0];
	v2 =	vmul.f32 $8.000000000e+00, v5  }
0x1c8: {  	s23 =	sor.u32 $0x390, s6;
	v5 =	vld [tilespmem:s16+$0xCA0];
	[tilespmem:s20+$0x15000] =	vst v1;
	v1 =	vmul.f32 $8.000000000e+00, v7  }
0x1c9: {  	s26 =	sor.u32 $0x390, s8;
	v7 =	vld [tilespmem:s17+$0xCA0];
	[tilespmem:s23+$0x15000] =	vst v2;
	v2 =	vmul.f32 $8.000000000e+00, v4  }
0x1ca: {  	v0 =	vmul.f32 $8.000000000e+00, v0;
	s9 =	sor.u32 $0x390, s11;
	v4 =	vld [tilespmem:s7+$0xCA0];
	[tilespmem:s26+$0x15000] =	vst v1  }
0x1cb: {  	s18 =	sor.u32 $0x3A0, s31;
	v1 =	vmul.f32 $8.000000000e+00, v6;
	v6 =	vld [tilespmem:s24+$0xCA0];
	[tilespmem:s9+$0x15000] =	vst v2  }
0x1cc: {  	[tilespmem:s18+$0x15000] =	vst v0;
	s20 =	sor.u32 $0x3A0, s1;
	v0 =	vmul.f32 $8.000000000e+00, v3;
	v2 =	vld [tilespmem:s25+$0xCA0]  }
0x1cd: {  	s23 =	sor.u32 $0x3A0, s13;
	v3 =	vld [tilespmem:s0+$0xCB0];
	[tilespmem:s20+$0x15000] =	vst v1;
	v1 =	vmul.f32 $8.000000000e+00, v5  }
0x1ce: {  	s26 =	sor.u32 $0x3A0, s15;
	v5 =	vld [tilespmem:s12+$0xCB0];
	[tilespmem:s23+$0x15000] =	vst v0;
	v0 =	vmul.f32 $8.000000000e+00, v7  }
0x1cf: {  	s2 =	sor.u32 $0x3A0, s10;
	[tilespmem:s26+$0x15000] =	vst v1;
	v7 =	vld [tilespmem:s14+$0xCB0];
	v1 =	vmul.f32 $8.000000000e+00, v4  }
0x1d0: {  	s9 =	sor.u32 $0x3A0, s6;
	v4 =	vld [tilespmem:s16+$0xCB0];
	[tilespmem:s2+$0x15000] =	vst v0;
	v0 =	vmul.f32 $8.000000000e+00, v6  }
0x1d1: {  	s12 =	sor.u32 $0x3A0, s8;
	v6 =	vld [tilespmem:s17+$0xCB0];
	[tilespmem:s9+$0x15000] =	vst v1;
	v1 =	vmul.f32 $8.000000000e+00, v2  }
0x1d2: {  	s14 =	sor.u32 $0x3A0, s11;
	v2 =	vmul.f32 $8.000000000e+00, v3;
	v3 =	vld [tilespmem:s7+$0xCB0];
	[tilespmem:s12+$0x15000] =	vst v0  }
0x1d3: {  	s16 =	sor.u32 $0x3B0, s31;
	v0 =	vmul.f32 $8.000000000e+00, v5;
	v5 =	vld [tilespmem:s24+$0xCB0];
	[tilespmem:s14+$0x15000] =	vst v1  }
0x1d4: {  	s17 =	sor.u32 $0x3B0, s1;
	[tilespmem:s16+$0x15000] =	vst v2;
	v1 =	vmul.f32 $8.000000000e+00, v7;
	v2 =	vld [tilespmem:s25+$0xCB0]  }
0x1d5: {  	s18 =	sor.u32 $0x3B0, s13;
	[tilespmem:s17+$0x15000] =	vst v0;
	v0 =	vmul.f32 $8.000000000e+00, v4  }
0x1d6: {  	s20 =	sor.u32 $0x3B0, s15;
	[tilespmem:s18+$0x15000] =	vst v1;
	v1 =	vmul.f32 $8.000000000e+00, v6  }
0x1d7: {  	s23 =	sor.u32 $0x3B0, s10;
	[tilespmem:s20+$0x15000] =	vst v0;
	v0 =	vmul.f32 $8.000000000e+00, v3  }
0x1d8: {  	s24 =	sor.u32 $0x3B0, s6;
	[tilespmem:s23+$0x15000] =	vst v1;
	v1 =	vmul.f32 $8.000000000e+00, v5  }
0x1d9: {  	s31 =	sadd.s32 s3, s29;
	s25 =	sor.u32 $0x3B0, s8;
	[tilespmem:s24+$0x15000] =	vst v0;
	v0 =	vmul.f32 $8.000000000e+00, v2  }
0x1da: {  	s0 =	simm.s32 @!p0 $0x64;
	s26 =	sor.u32 $0x3B0, s11;
	s2 =	smul.u32 $0x680, s31;
	[tilespmem:s25+$0x15000] =	vst v1  }
0x1db: {  	s1 =	sadd.s32 @!p0 $0x4000, s30;
	s9 =	simm.s32 $0x15000;
	s6 =	simm.s32 @!p0 $0xB400;
	[tilespmem:s26+$0x15000] =	vst v0  }
0x1dc: {  	[tilespmem:s6], [sflag:$0x2] =	stream.indirect.gather @!p0 [hbm4b:s4+s0], $0x80, s1, s0, $0xb8;
	[tilespmem:$0x1B800] =	vst v63  }
0x1dd: {  	s7 =	sadd.s32 s5, s2;
	s8 =	simm.s32 $0x0;
	s0 =	simm.s32 @!p1 $0x6  }
0x1de: {  	[hbm4b:s7+s8] =	stream.linear.scatter [tilespmem:s9], [sflag:$0x5], $0x3400, $0x38;
	[tilespmem:$0x1B800] =	vst v63  }
0x1df: {  	_ =	swait.ge @!p1 [sflag:s0], $0x3400  }
0x1e0: {  	[sflag:s0] =	ssyncset.done @!p1 $0x0  }
0x1e1: {  	[sflag:s0] =	ssyncadd.s32 @!p1 $0xFFFFCC00  }
0x1e2: {  	_ =	swait.ge [sflag:s21], $0x3200  }
0x1e3: {  	[sflag:s21] =	ssyncset.done $0x0  }
0x1e4: {  	s1 =	simm.s32 $0x0;
	[sflag:s21] =	ssyncadd.s32 $0xFFFFCE00  }
0x1e5: {  	v0 =	vld [tilespmem:s1+$0xE800];
	_ =	sdelay $0x3  }
0x1e6: {  	s10 =	simm.s32 $0x0  }
0x1e7: {  	s11 =	sand.u32 $0x40, s10;
	s0 =	sand.u32 $0x3C00, s10;
	v0 =	vmul.f32 $8.000000000e+00, v0  }
0x1e8: {  	s0 =	sor.u32 s11, s0  }
0x1e9: {  	[tilespmem:s0+$0x18400] =	vst v0  }
0x1ea: {  	v0 =	vld [tilespmem:s1+$0xE810];
	_ =	sdelay $0x4  }
0x1eb: {  	v0 =	vmul.f32 $8.000000000e+00, v0  }
0x1ec: {  	s7 =	simm.s32 $0x80;
	s0 =	sadd.s32 $0x18400, s0  }
0x1ed: {  	[tilespmem:s0+$0x10] =	vst v0;
	v0 =	vld [tilespmem:s7+$0xE800]  }
0x1ee: {  	v1 =	vld [tilespmem:s1+$0xE820];
	_ =	sdelay $0x2  }
0x1ef: {  	s13 =	simm.s32 $0x40;
	s12 =	simm.s32 $0x200  }
0x1f0: {  	s2 =	sand.u32 $0x3C00, s12;
	s6 =	sand.u32 $0x40, s13;
	v0 =	vmul.f32 $8.000000000e+00, v0  }
0x1f1: {  	s2 =	sor.u32 s6, s2;
	v1 =	vmul.f32 $8.000000000e+00, v1  }
0x1f2: {  	[tilespmem:s2+$0x18400] =	vst v0  }
0x1f3: {  	v0 =	vld [tilespmem:s7+$0xE810];
	[tilespmem:s0+$0x20] =	vst v1  }
0x1f4: {  	v1 =	vld [tilespmem:s1+$0xE830];
	_ =	sdelay $0x3  }
0x1f5: {  	v0 =	vmul.f32 $8.000000000e+00, v0  }
0x1f6: {  	s6 =	sadd.s32 $0x18400, s2;
	s10 =	simm.s32 $0x100;
	v1 =	vmul.f32 $8.000000000e+00, v1  }
0x1f7: {  	[tilespmem:s6+$0x10] =	vst v0;
	v0 =	vld [tilespmem:s10+$0xE800]  }
0x1f8: {  	[tilespmem:s0+$0x30] =	vst v1;
	v1 =	vld [tilespmem:s7+$0xE820]  }
0x1f9: {  	v2 =	vld [tilespmem:s1+$0xF480];
	_ =	sdelay $0x1  }
0x1fa: {  	s15 =	simm.s32 $0x80;
	s14 =	simm.s32 $0x400  }
0x1fb: {  	s8 =	sand.u32 $0x40, s15;
	s2 =	sand.u32 $0x3C00, s14;
	v0 =	vmul.f32 $8.000000000e+00, v0  }
0x1fc: {  	s2 =	sor.u32 s8, s2;
	v1 =	vmul.f32 $8.000000000e+00, v1  }
0x1fd: {  	[tilespmem:s2+$0x18400] =	vst v0;
	v0 =	vmul.f32 $8.000000000e+00, v2  }
0x1fe: {  	v2 =	vld [tilespmem:s10+$0xE810];
	[tilespmem:s6+$0x20] =	vst v1  }
0x1ff: {  	v1 =	vld [tilespmem:s7+$0xE830];
	[tilespmem:s0+$0x80] =	vst v0  }
0x200: {  	v0 =	vld [tilespmem:s1+$0xF490];
	_ =	sdelay $0x2  }
0x201: {  	v2 =	vmul.f32 $8.000000000e+00, v2  }
0x202: {  	s13 =	simm.s32 $0x180;
	s12 =	sadd.s32 $0x18400, s2;
	v1 =	vmul.f32 $8.000000000e+00, v1  }
0x203: {  	[tilespmem:s12+$0x10] =	vst v2;
	v0 =	vmul.f32 $8.000000000e+00, v0;
	v2 =	vld [tilespmem:s13+$0xE800]  }
0x204: {  	[tilespmem:s6+$0x30] =	vst v1;
	v1 =	vld [tilespmem:s10+$0xE820]  }
0x205: {  	[tilespmem:s0+$0x90] =	vst v0;
	v0 =	vld [tilespmem:s7+$0xF480]  }
0x206: {  	v3 =	vld [tilespmem:s1+$0xF4A0]  }
0x207: {  	s16 =	simm.s32 $0x600;
	s17 =	simm.s32 $0xC0  }
0x208: {  	s8 =	sand.u32 $0x40, s17;
	s2 =	sand.u32 $0x3C00, s16;
	v2 =	vmul.f32 $8.000000000e+00, v2  }
0x209: {  	s2 =	sor.u32 s8, s2;
	v1 =	vmul.f32 $8.000000000e+00, v1  }
0x20a: {  	[tilespmem:s2+$0x18400] =	vst v2;
	v0 =	vmul.f32 $8.000000000e+00, v0  }
0x20b: {  	v2 =	vld [tilespmem:s13+$0xE810];
	[tilespmem:s12+$0x20] =	vst v1;
	v1 =	vmul.f32 $8.000000000e+00, v3  }
0x20c: {  	v3 =	vld [tilespmem:s10+$0xE830];
	[tilespmem:s6+$0x80] =	vst v0  }
0x20d: {  	v0 =	vld [tilespmem:s7+$0xF490];
	[tilespmem:s0+$0xA0] =	vst v1  }
0x20e: {  	v1 =	vld [tilespmem:s1+$0xF4B0];
	_ =	sdelay $0x1  }
0x20f: {  	v2 =	vmul.f32 $8.000000000e+00, v2  }
0x210: {  	s14 =	simm.s32 $0x200;
	s8 =	sadd.s32 $0x18400, s2;
	v3 =	vmul.f32 $8.000000000e+00, v3  }
0x211: {  	[tilespmem:s8+$0x10] =	vst v2;
	v0 =	vmul.f32 $8.000000000e+00, v0;
	v2 =	vld [tilespmem:s14+$0xE800]  }
0x212: {  	[tilespmem:s12+$0x30] =	vst v3;
	v1 =	vmul.f32 $8.000000000e+00, v1;
	v3 =	vld [tilespmem:s13+$0xE820]  }
0x213: {  	[tilespmem:s6+$0x90] =	vst v0;
	v0 =	vld [tilespmem:s10+$0xF480]  }
0x214: {  	[tilespmem:s0+$0xB0] =	vst v1;
	v1 =	vld [tilespmem:s7+$0xF4A0]  }
0x215: {  	s18 =	simm.s32 $0x800;
	s20 =	simm.s32 $0x100;
	v4 =	vld [tilespmem:s1+$0x10100]  }
0x216: {  	s9 =	sand.u32 $0x40, s20;
	s2 =	sand.u32 $0x3C00, s18;
	v2 =	vmul.f32 $8.000000000e+00, v2  }
0x217: {  	s2 =	sor.u32 s9, s2;
	v3 =	vmul.f32 $8.000000000e+00, v3  }
0x218: {  	[tilespmem:s2+$0x18400] =	vst v2;
	v0 =	vmul.f32 $8.000000000e+00, v0  }
0x219: {  	v2 =	vld [tilespmem:s14+$0xE810];
	[tilespmem:s8+$0x20] =	vst v3;
	v1 =	vmul.f32 $8.000000000e+00, v1  }
0x21a: {  	v3 =	vld [tilespmem:s13+$0xE830];
	[tilespmem:s12+$0x80] =	vst v0;
	v0 =	vmul.f32 $8.000000000e+00, v4  }
0x21b: {  	v4 =	vld [tilespmem:s10+$0xF490];
	[tilespmem:s6+$0xA0] =	vst v1  }
0x21c: {  	v1 =	vld [tilespmem:s7+$0xF4B0];
	[tilespmem:s0+$0x100] =	vst v0  }
0x21d: {  	v0 =	vld [tilespmem:s1+$0x10110]  }
0x21e: {  	v2 =	vmul.f32 $8.000000000e+00, v2  }
0x21f: {  	s16 =	simm.s32 $0x280;
	s15 =	sadd.s32 $0x18400, s2;
	v3 =	vmul.f32 $8.000000000e+00, v3  }
0x220: {  	[tilespmem:s15+$0x10] =	vst v2;
	v2 =	vmul.f32 $8.000000000e+00, v4;
	v4 =	vld [tilespmem:s16+$0xE800]  }
0x221: {  	[tilespmem:s8+$0x30] =	vst v3;
	v1 =	vmul.f32 $8.000000000e+00, v1;
	v3 =	vld [tilespmem:s14+$0xE820]  }
0x222: {  	[tilespmem:s12+$0x90] =	vst v2;
	v0 =	vmul.f32 $8.000000000e+00, v0;
	v2 =	vld [tilespmem:s13+$0xF480]  }
0x223: {  	[tilespmem:s6+$0xB0] =	vst v1;
	v1 =	vld [tilespmem:s10+$0xF4A0]  }
0x224: {  	s23 =	simm.s32 $0xA00;
	s24 =	simm.s32 $0x140;
	[tilespmem:s0+$0x110] =	vst v0;
	v0 =	vld [tilespmem:s7+$0x10100]  }
0x225: {  	s9 =	sand.u32 $0x40, s24;
	s2 =	sand.u32 $0x3C00, s23;
	v4 =	vmul.f32 $8.000000000e+00, v4;
	v5 =	vld [tilespmem:s1+$0x10120]  }
0x226: {  	s2 =	sor.u32 s9, s2;
	v3 =	vmul.f32 $8.000000000e+00, v3  }
0x227: {  	[tilespmem:s2+$0x18400] =	vst v4;
	v2 =	vmul.f32 $8.000000000e+00, v2  }
0x228: {  	v4 =	vld [tilespmem:s16+$0xE810];
	[tilespmem:s15+$0x20] =	vst v3;
	v1 =	vmul.f32 $8.000000000e+00, v1  }
0x229: {  	v3 =	vld [tilespmem:s14+$0xE830];
	[tilespmem:s8+$0x80] =	vst v2;
	v0 =	vmul.f32 $8.000000000e+00, v0  }
0x22a: {  	v2 =	vld [tilespmem:s13+$0xF490];
	[tilespmem:s12+$0xA0] =	vst v1;
	v1 =	vmul.f32 $8.000000000e+00, v5  }
0x22b: {  	v5 =	vld [tilespmem:s10+$0xF4B0];
	[tilespmem:s6+$0x100] =	vst v0  }
0x22c: {  	v0 =	vld [tilespmem:s7+$0x10110];
	[tilespmem:s0+$0x120] =	vst v1  }
0x22d: {  	v1 =	vmul.f32 $8.000000000e+00, v4;
	v4 =	vld [tilespmem:s1+$0x10130]  }
0x22e: {  	s24 =	simm.s32 $0x300;
	s17 =	sadd.s32 $0x18400, s2;
	v3 =	vmul.f32 $8.000000000e+00, v3  }
0x22f: {  	[tilespmem:s17+$0x10] =	vst v1;
	v1 =	vmul.f32 $8.000000000e+00, v2;
	v2 =	vld [tilespmem:s24+$0xE800]  }
0x230: {  	[tilespmem:s15+$0x30] =	vst v3;
	v3 =	vmul.f32 $8.000000000e+00, v5;
	v5 =	vld [tilespmem:s16+$0xE820]  }
0x231: {  	[tilespmem:s8+$0x90] =	vst v1;
	v0 =	vmul.f32 $8.000000000e+00, v0;
	v1 =	vld [tilespmem:s14+$0xF480]  }
0x232: {  	[tilespmem:s12+$0xB0] =	vst v3;
	v3 =	vmul.f32 $8.000000000e+00, v4;
	v4 =	vld [tilespmem:s13+$0xF4A0]  }
0x233: {  	s25 =	simm.s32 $0xC00;
	s26 =	simm.s32 $0x180;
	[tilespmem:s6+$0x110] =	vst v0;
	v0 =	vld [tilespmem:s10+$0x10100]  }
0x234: {  	s9 =	sand.u32 $0x40, s26;
	s2 =	sand.u32 $0x3C00, s25;
	[tilespmem:s0+$0x130] =	vst v3;
	v2 =	vmul.f32 $8.000000000e+00, v2;
	v3 =	vld [tilespmem:s7+$0x10120]  }
0x235: {  	s2 =	sor.u32 s9, s2;
	v5 =	vmul.f32 $8.000000000e+00, v5;
	v6 =	vld [tilespmem:s1+$0x10D80]  }
0x236: {  	[tilespmem:s2+$0x18400] =	vst v2;
	v1 =	vmul.f32 $8.000000000e+00, v1  }
0x237: {  	v2 =	vld [tilespmem:s24+$0xE810];
	[tilespmem:s17+$0x20] =	vst v5;
	v4 =	vmul.f32 $8.000000000e+00, v4  }
0x238: {  	v5 =	vld [tilespmem:s16+$0xE830];
	[tilespmem:s15+$0x80] =	vst v1;
	v0 =	vmul.f32 $8.000000000e+00, v0  }
0x239: {  	v1 =	vld [tilespmem:s14+$0xF490];
	[tilespmem:s8+$0xA0] =	vst v4;
	v3 =	vmul.f32 $8.000000000e+00, v3  }
0x23a: {  	v4 =	vld [tilespmem:s13+$0xF4B0];
	[tilespmem:s12+$0x100] =	vst v0;
	v0 =	vmul.f32 $8.000000000e+00, v6  }
0x23b: {  	v6 =	vld [tilespmem:s10+$0x10110];
	[tilespmem:s6+$0x120] =	vst v3  }
0x23c: {  	v2 =	vmul.f32 $8.000000000e+00, v2;
	v3 =	vld [tilespmem:s7+$0x10130];
	[tilespmem:s0+$0x180] =	vst v0  }
0x23d: {  	s11 =	simm.s32 $0x380;
	s25 =	sadd.s32 $0x18400, s2;
	v0 =	vmul.f32 $8.000000000e+00, v5;
	v5 =	vld [tilespmem:s1+$0x10D90]  }
0x23e: {  	v7 =	vld [tilespmem:s11+$0xE800];
	[tilespmem:s25+$0x10] =	vst v2;
	v1 =	vmul.f32 $8.000000000e+00, v1  }
0x23f: {  	[tilespmem:s17+$0x30] =	vst v0;
	v0 =	vmul.f32 $8.000000000e+00, v4;
	v8 =	vld [tilespmem:s24+$0xE820]  }
0x240: {  	[tilespmem:s15+$0x90] =	vst v1;
	v1 =	vmul.f32 $8.000000000e+00, v6;
	v4 =	vld [tilespmem:s16+$0xF480]  }
0x241: {  	[tilespmem:s8+$0xB0] =	vst v0;
	v0 =	vmul.f32 $8.000000000e+00, v3;
	v3 =	vld [tilespmem:s14+$0xF4A0]  }
0x242: {  	s31 =	simm.s32 $0xE00;
	s9 =	simm.s32 $0x1C0;
	[tilespmem:s12+$0x110] =	vst v1;
	v5 =	vmul.f32 $8.000000000e+00, v5;
	v2 =	vld [tilespmem:s13+$0x10100]  }
0x243: {  	s18 =	sand.u32 $0x40, s9;
	s2 =	sand.u32 $0x3C00, s31;
	v6 =	vmul.f32 $8.000000000e+00, v7;
	[tilespmem:s6+$0x130] =	vst v0;
	v1 =	vld [tilespmem:s10+$0x10120]  }
0x244: {  	s30 =	sor.u32 $0x1, s29;
	s20 =	simm.s32 $0x1000;
	s26 =	sor.u32 s18, s2;
	[tilespmem:s0+$0x190] =	vst v5;
	v5 =	vmul.f32 $8.000000000e+00, v8;
	v0 =	vld [tilespmem:s7+$0x10D80]  }
.LBB2_7:
0x245: {  	p1 =	sne.s32 s20, $0x3000;
	[tilespmem:s26+$0x18400] =	vst v6;
	v4 =	vmul.f32 $8.000000000e+00, v4;
	v6 =	vld [tilespmem:s1+$0x10DA0];
	s23 =	smov.u32 s6;
	s6 =	smov.u32 s12  }
0x246: {  	s12 =	smov.u32 s8;
	s8 =	smov.u32 s15;
	s15 =	smov.u32 s17;
	v7 =	vld [tilespmem:s11+$0xE810];
	[tilespmem:s25+$0x20] =	vst v5;
	v3 =	vmul.f32 $8.000000000e+00, v3  }
0x247: {  	s17 =	smov.u32 s25;
	v5 =	vld [tilespmem:s24+$0xE830];
	[tilespmem:s15+$0x80] =	vst v4;
	v2 =	vmul.f32 $8.000000000e+00, v2  }
0x248: {  	v4 =	vld [tilespmem:s16+$0xF490];
	[tilespmem:s8+$0xA0] =	vst v3;
	v1 =	vmul.f32 $8.000000000e+00, v1  }
0x249: {  	v3 =	vld [tilespmem:s14+$0xF4B0];
	[tilespmem:s12+$0x100] =	vst v2;
	v0 =	vmul.f32 $8.000000000e+00, v0  }
0x24a: {  	v2 =	vld [tilespmem:s13+$0x10110];
	[tilespmem:s6+$0x120] =	vst v1;
	v1 =	vmul.f32 $8.000000000e+00, v6  }
0x24b: {  	v6 =	vmul.f32 $8.000000000e+00, v7;
	v7 =	vld [tilespmem:s10+$0x10130];
	[tilespmem:s23+$0x180] =	vst v0  }
0x24c: {  	s25 =	sadd.s32 $0x18400, s26;
	v0 =	vmul.f32 $8.000000000e+00, v5;
	v5 =	vld [tilespmem:s7+$0x10D90];
	[tilespmem:s0+$0x1A0] =	vst v1  }
0x24d: {  	s2 =	sshra.s32 s20, $0x2;
	[tilespmem:s25+$0x10] =	vst v6;
	v1 =	vmul.f32 $8.000000000e+00, v4;
	v6 =	vld [tilespmem:s1+$0x10DB0];
	s1 =	smov.u32 s7;
	s7 =	smov.u32 s10  }
0x24e: {  	s10 =	smov.u32 s13;
	s13 =	smov.u32 s14;
	s14 =	smov.u32 s16;
	v8 =	vld [tilespmem:s2+$0xE800];
	[tilespmem:s17+$0x30] =	vst v0;
	v0 =	vmul.f32 $8.000000000e+00, v3  }
0x24f: {  	s16 =	smov.u32 s24;
	s24 =	smov.u32 s11;
	v9 =	vld [tilespmem:s11+$0xE820];
	[tilespmem:s15+$0x90] =	vst v1;
	v1 =	vmul.f32 $8.000000000e+00, v2;
	s11 =	smov.u32 s2  }
.Ltmp2:
0x250: {  	v4 =	vld [tilespmem:s16+$0xF480];
	[tilespmem:s8+$0xB0] =	vst v0;
	v0 =	vmul.f32 $8.000000000e+00, v7;
	(pc) =	sbr.rel @p1 .LBB2_7-.Ltmp2, $4  }
0x251: {  	v3 =	vld [tilespmem:s14+$0xF4A0];
	[tilespmem:s12+$0x110] =	vst v1;
	v5 =	vmul.f32 $8.000000000e+00, v5  }
0x252: {  	s9 =	sadd.s32 $0x40, s9;
	v2 =	vld [tilespmem:s13+$0x10100];
	[tilespmem:s6+$0x130] =	vst v0;
	v7 =	vmul.f32 $8.000000000e+00, v6  }
0x253: {  	s18 =	sand.u32 $0x3C00, s20;
	s2 =	sand.u32 $0x40, s9;
	v6 =	vmul.f32 $8.000000000e+00, v8;
	v1 =	vld [tilespmem:s10+$0x10120];
	[tilespmem:s23+$0x190] =	vst v5  }
0x254: {  	s20 =	sadd.s32 $0x200, s20;
	s26 =	sor.u32 s2, s18;
	v5 =	vmul.f32 $8.000000000e+00, v9;
	v0 =	vld [tilespmem:s7+$0x10D80];
	[tilespmem:s0+$0x1B0] =	vst v7;
	s0 =	smov.u32 s23  }
0x255: {  	[tilespmem:s26+$0x18400] =	vst v6  }
0x256: {  	v6 =	vld [tilespmem:s11+$0xE810];
	_ =	sdelay $0x4  }
0x257: {  	v6 =	vmul.f32 $8.000000000e+00, v6  }
0x258: {  	s31 =	sadd.s32 $0x18400, s26  }
0x259: {  	[tilespmem:s31+$0x10] =	vst v6  }
0x25a: {  	v6 =	vld [tilespmem:s11+$0xE820];
	_ =	sdelay $0x4  }
0x25b: {  	v6 =	vmul.f32 $8.000000000e+00, v6  }
0x25c: {  	[tilespmem:s25+$0x20] =	vst v5  }
0x25d: {  	v5 =	vld [tilespmem:s24+$0xE830];
	[tilespmem:s31+$0x20] =	vst v6  }
0x25e: {  	v6 =	vld [tilespmem:s11+$0xE830];
	_ =	sdelay $0x3  }
0x25f: {  	v5 =	vmul.f32 $8.000000000e+00, v5  }
0x260: {  	v6 =	vmul.f32 $8.000000000e+00, v6  }
0x261: {  	[tilespmem:s25+$0x30] =	vst v5  }
0x262: {  	v5 =	vld [tilespmem:s24+$0xF480];
	[tilespmem:s31+$0x30] =	vst v6  }
0x263: {  	v6 =	vld [tilespmem:s11+$0xF480];
	_ =	sdelay $0x2  }
0x264: {  	v4 =	vmul.f32 $8.000000000e+00, v4  }
0x265: {  	v5 =	vmul.f32 $8.000000000e+00, v5  }
0x266: {  	[tilespmem:s17+$0x80] =	vst v4;
	v4 =	vmul.f32 $8.000000000e+00, v6  }
0x267: {  	[tilespmem:s25+$0x80] =	vst v5;
	v6 =	vld [tilespmem:s16+$0xF490]  }
0x268: {  	v5 =	vld [tilespmem:s24+$0xF490];
	[tilespmem:s31+$0x80] =	vst v4  }
0x269: {  	v4 =	vld [tilespmem:s11+$0xF490];
	_ =	sdelay $0x2  }
0x26a: {  	v6 =	vmul.f32 $8.000000000e+00, v6  }
0x26b: {  	v5 =	vmul.f32 $8.000000000e+00, v5  }
0x26c: {  	[tilespmem:s17+$0x90] =	vst v6;
	v4 =	vmul.f32 $8.000000000e+00, v4  }
0x26d: {  	[tilespmem:s25+$0x90] =	vst v5;
	v6 =	vld [tilespmem:s16+$0xF4A0]  }
0x26e: {  	v5 =	vld [tilespmem:s24+$0xF4A0];
	[tilespmem:s31+$0x90] =	vst v4  }
0x26f: {  	v4 =	vld [tilespmem:s11+$0xF4A0];
	_ =	sdelay $0x1  }
0x270: {  	v3 =	vmul.f32 $8.000000000e+00, v3  }
0x271: {  	v6 =	vmul.f32 $8.000000000e+00, v6  }
0x272: {  	[tilespmem:s15+$0xA0] =	vst v3;
	v3 =	vmul.f32 $8.000000000e+00, v5  }
0x273: {  	v5 =	vld [tilespmem:s14+$0xF4B0];
	[tilespmem:s17+$0xA0] =	vst v6;
	v4 =	vmul.f32 $8.000000000e+00, v4  }
0x274: {  	[tilespmem:s25+$0xA0] =	vst v3;
	v6 =	vld [tilespmem:s16+$0xF4B0]  }
0x275: {  	v3 =	vld [tilespmem:s24+$0xF4B0];
	[tilespmem:s31+$0xA0] =	vst v4  }
0x276: {  	v4 =	vld [tilespmem:s11+$0xF4B0];
	_ =	sdelay $0x1  }
0x277: {  	v5 =	vmul.f32 $8.000000000e+00, v5  }
0x278: {  	v6 =	vmul.f32 $8.000000000e+00, v6  }
0x279: {  	[tilespmem:s15+$0xB0] =	vst v5;
	v3 =	vmul.f32 $8.000000000e+00, v3  }
0x27a: {  	v5 =	vld [tilespmem:s14+$0x10100];
	[tilespmem:s17+$0xB0] =	vst v6;
	v4 =	vmul.f32 $8.000000000e+00, v4  }
0x27b: {  	[tilespmem:s25+$0xB0] =	vst v3;
	v6 =	vld [tilespmem:s16+$0x10100]  }
0x27c: {  	v3 =	vld [tilespmem:s24+$0x10100];
	[tilespmem:s31+$0xB0] =	vst v4  }
0x27d: {  	v4 =	vld [tilespmem:s11+$0x10100]  }
0x27e: {  	v2 =	vmul.f32 $8.000000000e+00, v2  }
0x27f: {  	v5 =	vmul.f32 $8.000000000e+00, v5  }
0x280: {  	[tilespmem:s8+$0x100] =	vst v2;
	v2 =	vmul.f32 $8.000000000e+00, v6  }
0x281: {  	[tilespmem:s15+$0x100] =	vst v5;
	v3 =	vmul.f32 $8.000000000e+00, v3;
	v6 =	vld [tilespmem:s13+$0x10110]  }
0x282: {  	v5 =	vld [tilespmem:s14+$0x10110];
	[tilespmem:s17+$0x100] =	vst v2;
	v2 =	vmul.f32 $8.000000000e+00, v4  }
0x283: {  	[tilespmem:s25+$0x100] =	vst v3;
	v4 =	vld [tilespmem:s16+$0x10110]  }
0x284: {  	v3 =	vld [tilespmem:s24+$0x10110];
	[tilespmem:s31+$0x100] =	vst v2  }
0x285: {  	v2 =	vld [tilespmem:s11+$0x10110]  }
0x286: {  	v6 =	vmul.f32 $8.000000000e+00, v6  }
0x287: {  	v5 =	vmul.f32 $8.000000000e+00, v5  }
0x288: {  	[tilespmem:s8+$0x110] =	vst v6;
	v4 =	vmul.f32 $8.000000000e+00, v4  }
0x289: {  	[tilespmem:s15+$0x110] =	vst v5;
	v3 =	vmul.f32 $8.000000000e+00, v3;
	v6 =	vld [tilespmem:s13+$0x10120]  }
0x28a: {  	v5 =	vld [tilespmem:s14+$0x10120];
	[tilespmem:s17+$0x110] =	vst v4;
	v2 =	vmul.f32 $8.000000000e+00, v2  }
0x28b: {  	[tilespmem:s25+$0x110] =	vst v3;
	v4 =	vld [tilespmem:s16+$0x10120]  }
0x28c: {  	v3 =	vld [tilespmem:s24+$0x10120];
	[tilespmem:s31+$0x110] =	vst v2  }
0x28d: {  	v1 =	vmul.f32 $8.000000000e+00, v1;
	v2 =	vld [tilespmem:s11+$0x10120]  }
0x28e: {  	v6 =	vmul.f32 $8.000000000e+00, v6  }
0x28f: {  	[tilespmem:s12+$0x120] =	vst v1;
	v1 =	vmul.f32 $8.000000000e+00, v5  }
0x290: {  	v5 =	vld [tilespmem:s10+$0x10130];
	[tilespmem:s8+$0x120] =	vst v6;
	v4 =	vmul.f32 $8.000000000e+00, v4  }
0x291: {  	[tilespmem:s15+$0x120] =	vst v1;
	v1 =	vmul.f32 $8.000000000e+00, v3;
	v6 =	vld [tilespmem:s13+$0x10130]  }
0x292: {  	v3 =	vld [tilespmem:s14+$0x10130];
	[tilespmem:s17+$0x120] =	vst v4;
	v2 =	vmul.f32 $8.000000000e+00, v2  }
0x293: {  	[tilespmem:s25+$0x120] =	vst v1;
	v4 =	vld [tilespmem:s16+$0x10130]  }
0x294: {  	v1 =	vld [tilespmem:s24+$0x10130];
	[tilespmem:s31+$0x120] =	vst v2  }
0x295: {  	v2 =	vmul.f32 $8.000000000e+00, v5;
	v5 =	vld [tilespmem:s11+$0x10130]  }
0x296: {  	v6 =	vmul.f32 $8.000000000e+00, v6  }
0x297: {  	[tilespmem:s12+$0x130] =	vst v2;
	v2 =	vmul.f32 $8.000000000e+00, v3  }
0x298: {  	[tilespmem:s8+$0x130] =	vst v6;
	v3 =	vld [tilespmem:s10+$0x10D80];
	v4 =	vmul.f32 $8.000000000e+00, v4  }
0x299: {  	v1 =	vmul.f32 $8.000000000e+00, v1;
	v6 =	vld [tilespmem:s13+$0x10D80];
	[tilespmem:s15+$0x130] =	vst v2  }
0x29a: {  	v2 =	vld [tilespmem:s14+$0x10D80];
	[tilespmem:s17+$0x130] =	vst v4;
	v4 =	vmul.f32 $8.000000000e+00, v5  }
0x29b: {  	[tilespmem:s25+$0x130] =	vst v1;
	v5 =	vld [tilespmem:s16+$0x10D80]  }
0x29c: {  	v0 =	vmul.f32 $8.000000000e+00, v0;
	v1 =	vld [tilespmem:s24+$0x10D80];
	[tilespmem:s31+$0x130] =	vst v4  }
0x29d: {  	v3 =	vmul.f32 $8.000000000e+00, v3;
	v4 =	vld [tilespmem:s11+$0x10D80]  }
0x29e: {  	[tilespmem:s6+$0x180] =	vst v0;
	v0 =	vmul.f32 $8.000000000e+00, v6  }
0x29f: {  	v6 =	vld [tilespmem:s7+$0x10D90];
	[tilespmem:s12+$0x180] =	vst v3;
	v2 =	vmul.f32 $8.000000000e+00, v2  }
0x2a0: {  	[tilespmem:s8+$0x180] =	vst v0;
	v3 =	vld [tilespmem:s10+$0x10D90];
	v0 =	vmul.f32 $8.000000000e+00, v5  }
0x2a1: {  	v1 =	vmul.f32 $8.000000000e+00, v1;
	v5 =	vld [tilespmem:s13+$0x10D90];
	[tilespmem:s15+$0x180] =	vst v2  }
0x2a2: {  	v2 =	vld [tilespmem:s14+$0x10D90];
	[tilespmem:s17+$0x180] =	vst v0;
	v0 =	vmul.f32 $8.000000000e+00, v4  }
0x2a3: {  	[tilespmem:s25+$0x180] =	vst v1;
	v4 =	vld [tilespmem:s16+$0x10D90]  }
0x2a4: {  	v1 =	vmul.f32 $8.000000000e+00, v6;
	v6 =	vld [tilespmem:s24+$0x10D90];
	[tilespmem:s31+$0x180] =	vst v0  }
0x2a5: {  	v0 =	vmul.f32 $8.000000000e+00, v3;
	v3 =	vld [tilespmem:s11+$0x10D90]  }
0x2a6: {  	v7 =	vld [tilespmem:s1+$0x10DA0];
	[tilespmem:s6+$0x190] =	vst v1;
	v1 =	vmul.f32 $8.000000000e+00, v5  }
0x2a7: {  	v5 =	vld [tilespmem:s7+$0x10DA0];
	[tilespmem:s12+$0x190] =	vst v0;
	v0 =	vmul.f32 $8.000000000e+00, v2  }
0x2a8: {  	[tilespmem:s8+$0x190] =	vst v1;
	v2 =	vld [tilespmem:s10+$0x10DA0];
	v1 =	vmul.f32 $8.000000000e+00, v4  }
0x2a9: {  	v4 =	vld [tilespmem:s13+$0x10DA0];
	[tilespmem:s15+$0x190] =	vst v0;
	v0 =	vmul.f32 $8.000000000e+00, v6  }
0x2aa: {  	v6 =	vld [tilespmem:s14+$0x10DA0];
	[tilespmem:s17+$0x190] =	vst v1;
	v1 =	vmul.f32 $8.000000000e+00, v3  }
0x2ab: {  	v3 =	vmul.f32 $8.000000000e+00, v7;
	v7 =	vld [tilespmem:s16+$0x10DA0];
	[tilespmem:s25+$0x190] =	vst v0  }
0x2ac: {  	v0 =	vmul.f32 $8.000000000e+00, v5;
	v5 =	vld [tilespmem:s24+$0x10DA0];
	[tilespmem:s31+$0x190] =	vst v1  }
0x2ad: {  	[tilespmem:s0+$0x1A0] =	vst v3;
	v1 =	vmul.f32 $8.000000000e+00, v2;
	v2 =	vld [tilespmem:s11+$0x10DA0]  }
0x2ae: {  	[tilespmem:s6+$0x1A0] =	vst v0;
	v0 =	vmul.f32 $8.000000000e+00, v4;
	v3 =	vld [tilespmem:s1+$0x10DB0]  }
0x2af: {  	v4 =	vld [tilespmem:s7+$0x10DB0];
	[tilespmem:s12+$0x1A0] =	vst v1;
	v1 =	vmul.f32 $8.000000000e+00, v6  }
0x2b0: {  	[tilespmem:s8+$0x1A0] =	vst v0;
	v6 =	vld [tilespmem:s10+$0x10DB0];
	v0 =	vmul.f32 $8.000000000e+00, v7  }
0x2b1: {  	v7 =	vld [tilespmem:s13+$0x10DB0];
	[tilespmem:s15+$0x1A0] =	vst v1;
	v1 =	vmul.f32 $8.000000000e+00, v5  }
0x2b2: {  	v5 =	vld [tilespmem:s14+$0x10DB0];
	[tilespmem:s17+$0x1A0] =	vst v0;
	v0 =	vmul.f32 $8.000000000e+00, v2  }
0x2b3: {  	v2 =	vmul.f32 $8.000000000e+00, v3;
	v3 =	vld [tilespmem:s16+$0x10DB0];
	[tilespmem:s25+$0x1A0] =	vst v1  }
0x2b4: {  	v1 =	vmul.f32 $8.000000000e+00, v4;
	v4 =	vld [tilespmem:s24+$0x10DB0];
	[tilespmem:s31+$0x1A0] =	vst v0  }
0x2b5: {  	[tilespmem:s0+$0x1B0] =	vst v2;
	v0 =	vmul.f32 $8.000000000e+00, v6;
	v2 =	vld [tilespmem:s11+$0x10DB0]  }
0x2b6: {  	[tilespmem:s6+$0x1B0] =	vst v1;
	v1 =	vmul.f32 $8.000000000e+00, v7  }
0x2b7: {  	[tilespmem:s12+$0x1B0] =	vst v0;
	v0 =	vmul.f32 $8.000000000e+00, v5  }
0x2b8: {  	[tilespmem:s8+$0x1B0] =	vst v1;
	v1 =	vmul.f32 $8.000000000e+00, v3  }
0x2b9: {  	[tilespmem:s15+$0x1B0] =	vst v0;
	v0 =	vmul.f32 $8.000000000e+00, v4  }
0x2ba: {  	s0 =	sadd.s32 $0x3, s29;
	[tilespmem:s17+$0x1B0] =	vst v1;
	v1 =	vmul.f32 $8.000000000e+00, v2  }
0x2bb: {  	s0 =	sshll.u32 @!p0 s0, $0x7;
	[tilespmem:s25+$0x1B0] =	vst v0  }
0x2bc: {  	s1 =	simm.s32 @!p0 $0xE800;
	s29 =	sand.u32 @!p0 $0x3FFFFF80, s0;
	s0 =	simm.s32 @!p0 $0x64;
	[tilespmem:s31+$0x1B0] =	vst v1  }
0x2bd: {  	[tilespmem:s1], [sflag:$0x3] =	stream.indirect.gather @!p0 [hbm4b:s4+s0], $0x80, s29, s0, $0xb8;
	[tilespmem:$0x1B800] =	vst v63  }
0x2be: {  	_ =	swait.ge [sflag:s22], $0x3200  }
0x2bf: {  	[sflag:s22] =	ssyncset.done $0x0  }
0x2c0: {  	s0 =	simm.s32 $0x13500;
	[sflag:s22] =	ssyncadd.s32 $0xFFFFCE00  }
0x2c1: {  	v0 =	vld [tilespmem:s0+$0xFFFFE700];
	_ =	sdelay $0x1  }
0x2c2: {  	p1 =	por $0x0, $0x0;
	s1 =	simm.s32 $0x1  }
0x2c3: {  	s1 =	simm.s32 @!p1 $0x0  }
0x2c4: {  	s1 =	sshll.u32 s1, $0x6  }
0x2c5: {  	s31 =	sadd.s32 $0x0, s1;
	v0 =	vmul.f32 $8.000000000e+00, v0  }
0x2c6: {  	s1 =	sor.u32 $0x200, s31  }
0x2c7: {  	[tilespmem:s1+$0x18400] =	vst v0  }
0x2c8: {  	v0 =	vld [tilespmem:s0+$0xFFFFE710];
	_ =	sdelay $0x4  }
0x2c9: {  	v0 =	vmul.f32 $8.000000000e+00, v0  }
0x2ca: {  	s12 =	simm.s32 $0x13580;
	s6 =	sor.u32 $0x210, s31  }
0x2cb: {  	[tilespmem:s6+$0x18400] =	vst v0;
	v0 =	vld [tilespmem:s12+$0xFFFFE700]  }
0x2cc: {  	v1 =	vld [tilespmem:s0+$0xFFFFE720]  }
0x2cd: {  	p1 =	por !p1, !p1;
	s1 =	simm.s32 $0x1  }
0x2ce: {  	s1 =	simm.s32 @!p1 $0x0  }
0x2cf: {  	s1 =	sshll.u32 s1, $0x6  }
0x2d0: {  	s1 =	sadd.s32 $0x200, s1;
	v0 =	vmul.f32 $8.000000000e+00, v0  }
0x2d1: {  	s2 =	sor.u32 $0x200, s1;
	v1 =	vmul.f32 $8.000000000e+00, v1  }
0x2d2: {  	s7 =	sor.u32 $0x220, s31;
	[tilespmem:s2+$0x18400] =	vst v0  }
0x2d3: {  	v0 =	vld [tilespmem:s12+$0xFFFFE710];
	[tilespmem:s7+$0x18400] =	vst v1  }
0x2d4: {  	v1 =	vld [tilespmem:s0+$0xFFFFE730];
	_ =	sdelay $0x3  }
0x2d5: {  	v0 =	vmul.f32 $8.000000000e+00, v0  }
0x2d6: {  	s14 =	simm.s32 $0x13600;
	s8 =	sor.u32 $0x210, s1;
	v1 =	vmul.f32 $8.000000000e+00, v1  }
0x2d7: {  	s9 =	sor.u32 $0x230, s31;
	[tilespmem:s8+$0x18400] =	vst v0;
	v0 =	vld [tilespmem:s14+$0xFFFFE700]  }
0x2d8: {  	[tilespmem:s9+$0x18400] =	vst v1;
	v1 =	vld [tilespmem:s12+$0xFFFFE720]  }
0x2d9: {  	p1 =	por !p1, !p1;
	s2 =	simm.s32 $0x1;
	v2 =	vld [tilespmem:s0+$0xFFFFF380]  }
0x2da: {  	s2 =	simm.s32 @!p1 $0x0  }
0x2db: {  	s2 =	sshll.u32 s2, $0x6  }
0x2dc: {  	s13 =	sadd.s32 $0x400, s2;
	v0 =	vmul.f32 $8.000000000e+00, v0  }
0x2dd: {  	s2 =	sor.u32 $0x200, s13;
	v1 =	vmul.f32 $8.000000000e+00, v1  }
0x2de: {  	s10 =	sor.u32 $0x220, s1;
	[tilespmem:s2+$0x18400] =	vst v0;
	v0 =	vmul.f32 $8.000000000e+00, v2  }
0x2df: {  	s11 =	sor.u32 $0x280, s31;
	v2 =	vld [tilespmem:s14+$0xFFFFE710];
	[tilespmem:s10+$0x18400] =	vst v1  }
0x2e0: {  	v1 =	vld [tilespmem:s12+$0xFFFFE730];
	[tilespmem:s11+$0x18400] =	vst v0  }
0x2e1: {  	v0 =	vld [tilespmem:s0+$0xFFFFF390];
	_ =	sdelay $0x2  }
0x2e2: {  	v2 =	vmul.f32 $8.000000000e+00, v2  }
0x2e3: {  	s16 =	simm.s32 $0x13680;
	s15 =	sor.u32 $0x210, s13;
	v1 =	vmul.f32 $8.000000000e+00, v1  }
0x2e4: {  	s17 =	sor.u32 $0x230, s1;
	[tilespmem:s15+$0x18400] =	vst v2;
	v0 =	vmul.f32 $8.000000000e+00, v0;
	v2 =	vld [tilespmem:s16+$0xFFFFE700]  }
0x2e5: {  	s18 =	sor.u32 $0x290, s31;
	[tilespmem:s17+$0x18400] =	vst v1;
	v1 =	vld [tilespmem:s14+$0xFFFFE720]  }
0x2e6: {  	p1 =	por !p1, !p1;
	s2 =	simm.s32 $0x1;
	[tilespmem:s18+$0x18400] =	vst v0;
	v0 =	vld [tilespmem:s12+$0xFFFFF380]  }
0x2e7: {  	s2 =	simm.s32 @!p1 $0x0;
	v3 =	vld [tilespmem:s0+$0xFFFFF3A0]  }
0x2e8: {  	s2 =	sshll.u32 s2, $0x6  }
0x2e9: {  	s15 =	sadd.s32 $0x600, s2;
	v2 =	vmul.f32 $8.000000000e+00, v2  }
0x2ea: {  	s2 =	sor.u32 $0x200, s15;
	v1 =	vmul.f32 $8.000000000e+00, v1  }
0x2eb: {  	s20 =	sor.u32 $0x220, s13;
	[tilespmem:s2+$0x18400] =	vst v2;
	v0 =	vmul.f32 $8.000000000e+00, v0  }
0x2ec: {  	s23 =	sor.u32 $0x280, s1;
	v2 =	vld [tilespmem:s16+$0xFFFFE710];
	[tilespmem:s20+$0x18400] =	vst v1;
	v1 =	vmul.f32 $8.000000000e+00, v3  }
0x2ed: {  	s24 =	sor.u32 $0x2A0, s31;
	v3 =	vld [tilespmem:s14+$0xFFFFE730];
	[tilespmem:s23+$0x18400] =	vst v0  }
0x2ee: {  	v0 =	vld [tilespmem:s12+$0xFFFFF390];
	[tilespmem:s24+$0x18400] =	vst v1  }
0x2ef: {  	v1 =	vld [tilespmem:s0+$0xFFFFF3B0];
	_ =	sdelay $0x1  }
0x2f0: {  	v2 =	vmul.f32 $8.000000000e+00, v2  }
0x2f1: {  	s25 =	sor.u32 $0x210, s15;
	s17 =	simm.s32 $0x13700;
	v3 =	vmul.f32 $8.000000000e+00, v3  }
0x2f2: {  	s26 =	sor.u32 $0x230, s13;
	[tilespmem:s25+$0x18400] =	vst v2;
	v0 =	vmul.f32 $8.000000000e+00, v0;
	v2 =	vld [tilespmem:s17+$0xFFFFE700]  }
0x2f3: {  	s6 =	sor.u32 $0x290, s1;
	[tilespmem:s26+$0x18400] =	vst v3;
	v1 =	vmul.f32 $8.000000000e+00, v1;
	v3 =	vld [tilespmem:s16+$0xFFFFE720]  }
0x2f4: {  	s7 =	sor.u32 $0x2B0, s31;
	p1 =	por !p1, !p1;
	[tilespmem:s6+$0x18400] =	vst v0;
	v0 =	vld [tilespmem:s14+$0xFFFFF380];
	s6 =	simm.s32 $0x1  }
0x2f5: {  	[tilespmem:s7+$0x18400] =	vst v1;
	s6 =	simm.s32 @!p1 $0x0;
	v1 =	vld [tilespmem:s12+$0xFFFFF3A0]  }
0x2f6: {  	s8 =	sshll.u32 s6, $0x6;
	v4 =	vld [tilespmem:s0+$0x0]  }
0x2f7: {  	s10 =	sadd.s32 $0x800, s8;
	v2 =	vmul.f32 $8.000000000e+00, v2  }
0x2f8: {  	s2 =	sor.u32 $0x200, s10;
	v3 =	vmul.f32 $8.000000000e+00, v3  }
0x2f9: {  	s9 =	sor.u32 $0x220, s15;
	[tilespmem:s2+$0x18400] =	vst v2;
	v0 =	vmul.f32 $8.000000000e+00, v0  }
0x2fa: {  	s11 =	sor.u32 $0x280, s13;
	v2 =	vld [tilespmem:s17+$0xFFFFE710];
	[tilespmem:s9+$0x18400] =	vst v3;
	v1 =	vmul.f32 $8.000000000e+00, v1  }
0x2fb: {  	s18 =	sor.u32 $0x2A0, s1;
	v3 =	vld [tilespmem:s16+$0xFFFFE730];
	[tilespmem:s11+$0x18400] =	vst v0;
	v0 =	vmul.f32 $8.000000000e+00, v4  }
0x2fc: {  	s20 =	sor.u32 $0x300, s31;
	v4 =	vld [tilespmem:s14+$0xFFFFF390];
	[tilespmem:s18+$0x18400] =	vst v1  }
0x2fd: {  	v1 =	vld [tilespmem:s12+$0xFFFFF3B0];
	[tilespmem:s20+$0x18400] =	vst v0  }
0x2fe: {  	v0 =	vld [tilespmem:s0+$0x10]  }
0x2ff: {  	v2 =	vmul.f32 $8.000000000e+00, v2  }
0x300: {  	s7 =	simm.s32 $0x13780;
	s23 =	sor.u32 $0x210, s10;
	v3 =	vmul.f32 $8.000000000e+00, v3  }
0x301: {  	s24 =	sor.u32 $0x230, s15;
	[tilespmem:s23+$0x18400] =	vst v2;
	v2 =	vmul.f32 $8.000000000e+00, v4;
	v4 =	vld [tilespmem:s7+$0xFFFFE700]  }
0x302: {  	s25 =	sor.u32 $0x290, s13;
	[tilespmem:s24+$0x18400] =	vst v3;
	v1 =	vmul.f32 $8.000000000e+00, v1;
	v3 =	vld [tilespmem:s17+$0xFFFFE720]  }
0x303: {  	s26 =	sor.u32 $0x2B0, s1;
	p1 =	por !p1, !p1;
	s6 =	simm.s32 $0x1;
	[tilespmem:s25+$0x18400] =	vst v2;
	v0 =	vmul.f32 $8.000000000e+00, v0;
	v2 =	vld [tilespmem:s16+$0xFFFFF380]  }
0x304: {  	s8 =	sor.u32 $0x310, s31;
	s6 =	simm.s32 @!p1 $0x0;
	[tilespmem:s26+$0x18400] =	vst v1;
	v1 =	vld [tilespmem:s14+$0xFFFFF3A0]  }
0x305: {  	s9 =	sshll.u32 s6, $0x6;
	[tilespmem:s8+$0x18400] =	vst v0;
	v0 =	vld [tilespmem:s12+$0x0]  }
0x306: {  	s6 =	sadd.s32 $0xA00, s9;
	v4 =	vmul.f32 $8.000000000e+00, v4;
	v5 =	vld [tilespmem:s0+$0x20]  }
0x307: {  	s2 =	sor.u32 $0x200, s6;
	v3 =	vmul.f32 $8.000000000e+00, v3  }
0x308: {  	s11 =	sor.u32 $0x220, s10;
	[tilespmem:s2+$0x18400] =	vst v4;
	v2 =	vmul.f32 $8.000000000e+00, v2  }
0x309: {  	s18 =	sor.u32 $0x280, s15;
	v4 =	vld [tilespmem:s7+$0xFFFFE710];
	[tilespmem:s11+$0x18400] =	vst v3;
	v1 =	vmul.f32 $8.000000000e+00, v1  }
0x30a: {  	s20 =	sor.u32 $0x2A0, s13;
	v3 =	vld [tilespmem:s17+$0xFFFFE730];
	[tilespmem:s18+$0x18400] =	vst v2;
	v0 =	vmul.f32 $8.000000000e+00, v0  }
0x30b: {  	s23 =	sor.u32 $0x300, s1;
	v2 =	vld [tilespmem:s16+$0xFFFFF390];
	[tilespmem:s20+$0x18400] =	vst v1;
	v1 =	vmul.f32 $8.000000000e+00, v5  }
0x30c: {  	s24 =	sor.u32 $0x320, s31;
	v5 =	vld [tilespmem:s14+$0xFFFFF3B0];
	[tilespmem:s23+$0x18400] =	vst v0  }
0x30d: {  	v0 =	vld [tilespmem:s12+$0x10];
	[tilespmem:s24+$0x18400] =	vst v1  }
0x30e: {  	v1 =	vmul.f32 $8.000000000e+00, v4;
	v4 =	vld [tilespmem:s0+$0x30]  }
0x30f: {  	s25 =	sor.u32 $0x210, s6;
	s24 =	simm.s32 $0x13800;
	v3 =	vmul.f32 $8.000000000e+00, v3  }
0x310: {  	s26 =	sor.u32 $0x230, s10;
	[tilespmem:s25+$0x18400] =	vst v1;
	v1 =	vmul.f32 $8.000000000e+00, v2;
	v2 =	vld [tilespmem:s24+$0xFFFFE700]  }
0x311: {  	s8 =	sor.u32 $0x290, s15;
	[tilespmem:s26+$0x18400] =	vst v3;
	v3 =	vmul.f32 $8.000000000e+00, v5;
	v5 =	vld [tilespmem:s7+$0xFFFFE720]  }
0x312: {  	p1 =	por !p1, !p1;
	s9 =	sor.u32 $0x2B0, s13;
	[tilespmem:s8+$0x18400] =	vst v1;
	v0 =	vmul.f32 $8.000000000e+00, v0;
	v1 =	vld [tilespmem:s17+$0xFFFFF380];
	s8 =	simm.s32 $0x1  }
0x313: {  	s11 =	sor.u32 $0x310, s1;
	[tilespmem:s9+$0x18400] =	vst v3;
	v3 =	vmul.f32 $8.000000000e+00, v4;
	s8 =	simm.s32 @!p1 $0x0;
	v4 =	vld [tilespmem:s16+$0xFFFFF3A0]  }
0x314: {  	s18 =	sor.u32 $0x330, s31;
	[tilespmem:s11+$0x18400] =	vst v0;
	s8 =	sshll.u32 s8, $0x6;
	v0 =	vld [tilespmem:s14+$0x0]  }
0x315: {  	[tilespmem:s18+$0x18400] =	vst v3;
	s8 =	sadd.s32 $0xC00, s8;
	v2 =	vmul.f32 $8.000000000e+00, v2;
	v3 =	vld [tilespmem:s12+$0x20]  }
0x316: {  	s20 =	sor.u32 $0x200, s8;
	v5 =	vmul.f32 $8.000000000e+00, v5;
	v6 =	vld [tilespmem:s0+$0xC80]  }
0x317: {  	s23 =	sor.u32 $0x220, s6;
	[tilespmem:s20+$0x18400] =	vst v2;
	v1 =	vmul.f32 $8.000000000e+00, v1  }
0x318: {  	s25 =	sor.u32 $0x280, s10;
	v2 =	vld [tilespmem:s24+$0xFFFFE710];
	[tilespmem:s23+$0x18400] =	vst v5;
	v4 =	vmul.f32 $8.000000000e+00, v4  }
0x319: {  	s26 =	sor.u32 $0x2A0, s15;
	v5 =	vld [tilespmem:s7+$0xFFFFE730];
	[tilespmem:s25+$0x18400] =	vst v1;
	v0 =	vmul.f32 $8.000000000e+00, v0  }
0x31a: {  	s9 =	sor.u32 $0x300, s13;
	v1 =	vld [tilespmem:s17+$0xFFFFF390];
	[tilespmem:s26+$0x18400] =	vst v4;
	v3 =	vmul.f32 $8.000000000e+00, v3  }
0x31b: {  	s11 =	sor.u32 $0x320, s1;
	v4 =	vld [tilespmem:s16+$0xFFFFF3B0];
	[tilespmem:s9+$0x18400] =	vst v0;
	v0 =	vmul.f32 $8.000000000e+00, v6  }
0x31c: {  	s18 =	sor.u32 $0x380, s31;
	v6 =	vld [tilespmem:s14+$0x10];
	[tilespmem:s11+$0x18400] =	vst v3  }
0x31d: {  	v2 =	vmul.f32 $8.000000000e+00, v2;
	v3 =	vld [tilespmem:s12+$0x30];
	[tilespmem:s18+$0x18400] =	vst v0  }
0x31e: {  	s20 =	sor.u32 $0x210, s8;
	s9 =	simm.s32 $0x13880;
	v0 =	vmul.f32 $8.000000000e+00, v5;
	v5 =	vld [tilespmem:s0+$0xC90]  }
0x31f: {  	s23 =	sor.u32 $0x230, s6;
	[tilespmem:s20+$0x18400] =	vst v2;
	v1 =	vmul.f32 $8.000000000e+00, v1;
	v2 =	vld [tilespmem:s9+$0xFFFFE700]  }
0x320: {  	s25 =	sor.u32 $0x290, s10;
	[tilespmem:s23+$0x18400] =	vst v0;
	v0 =	vmul.f32 $8.000000000e+00, v4;
	v7 =	vld [tilespmem:s24+$0xFFFFE720]  }
0x321: {  	p1 =	por !p1, !p1;
	s26 =	sor.u32 $0x2B0, s15;
	s11 =	simm.s32 $0x1;
	[tilespmem:s25+$0x18400] =	vst v1;
	v1 =	vmul.f32 $8.000000000e+00, v6;
	v8 =	vld [tilespmem:s7+$0xFFFFF380]  }
0x322: {  	s18 =	sor.u32 $0x310, s13;
	s11 =	simm.s32 @!p1 $0x0;
	[tilespmem:s26+$0x18400] =	vst v0;
	v0 =	vmul.f32 $8.000000000e+00, v3;
	v4 =	vld [tilespmem:s17+$0xFFFFF3A0]  }
0x323: {  	s11 =	sshll.u32 s11, $0x6;
	s20 =	sor.u32 $0x330, s1;
	[tilespmem:s18+$0x18400] =	vst v1;
	v1 =	vmul.f32 $8.000000000e+00, v5;
	v3 =	vld [tilespmem:s16+$0x0]  }
0x324: {  	s11 =	sadd.s32 $0xE00, s11;
	s23 =	sor.u32 $0x390, s31;
	[tilespmem:s20+$0x18400] =	vst v0;
	v0 =	vmul.f32 $8.000000000e+00, v2;
	v2 =	vld [tilespmem:s14+$0x20]  }
0x325: {  	s2 =	sor.u32 $0x220, s8;
	s25 =	sor.u32 $0x200, s11;
	[tilespmem:s23+$0x18400] =	vst v1;
	v1 =	vld [tilespmem:s12+$0xC80];
	v6 =	vmul.f32 $8.000000000e+00, v7  }
0x326: {  	s26 =	simm.s32 $0xE00;
	s20 =	simm.s32 $0x200;
	[tilespmem:s25+$0x18400] =	vst v0;
	v5 =	vmul.f32 $8.000000000e+00, v8;
	v0 =	vld [tilespmem:s0+$0xCA0];
	s25 =	simm.s32 $0x13880  }
.LBB2_9:
0x327: {  	p2 =	sne.s32 s20, $0x600;
	v7 =	vld [tilespmem:s9+$0xFFFFE710];
	[tilespmem:s2+$0x18400] =	vst v6;
	s2 =	sor.u32 $0x280, s6;
	v4 =	vmul.f32 $8.000000000e+00, v4;
	s23 =	smov.u32 s13  }
0x328: {  	s13 =	smov.u32 s15;
	s15 =	smov.u32 s10;
	v6 =	vld [tilespmem:s24+$0xFFFFE730];
	[tilespmem:s2+$0x18400] =	vst v5;
	s2 =	sor.u32 $0x2A0, s10;
	v3 =	vmul.f32 $8.000000000e+00, v3  }
0x329: {  	s10 =	smov.u32 s6;
	s6 =	smov.u32 s8;
	v5 =	vld [tilespmem:s7+$0xFFFFF390];
	[tilespmem:s2+$0x18400] =	vst v4;
	s2 =	sor.u32 $0x300, s13;
	v2 =	vmul.f32 $8.000000000e+00, v2  }
0x32a: {  	s8 =	smov.u32 s11;
	v4 =	vld [tilespmem:s17+$0xFFFFF3B0];
	[tilespmem:s2+$0x18400] =	vst v3;
	s2 =	sor.u32 $0x320, s23;
	v1 =	vmul.f32 $8.000000000e+00, v1  }
0x32b: {  	v3 =	vld [tilespmem:s16+$0x10];
	[tilespmem:s2+$0x18400] =	vst v2;
	s2 =	sor.u32 $0x380, s1;
	v0 =	vmul.f32 $8.000000000e+00, v0  }
0x32c: {  	v2 =	vmul.f32 $8.000000000e+00, v7;
	v7 =	vld [tilespmem:s14+$0x30];
	[tilespmem:s2+$0x18400] =	vst v1;
	s2 =	sor.u32 $0x3A0, s31  }
0x32d: {  	s9 =	sadd.s32 $0x80, s9;
	s11 =	sor.u32 $0x210, s8;
	v1 =	vmul.f32 $8.000000000e+00, v6;
	v6 =	vld [tilespmem:s12+$0xC90];
	[tilespmem:s2+$0x18400] =	vst v0  }
0x32e: {  	p1 =	por !p1, !p1;
	s2 =	sor.u32 $0x230, s6;
	[tilespmem:s11+$0x18400] =	vst v2;
	v0 =	vmul.f32 $8.000000000e+00, v5;
	v2 =	vld [tilespmem:s0+$0xCB0];
	s0 =	smov.u32 s12  }
0x32f: {  	s12 =	smov.u32 s14;
	s14 =	smov.u32 s16;
	v5 =	vld [tilespmem:s9+$0xFFFFE700];
	[tilespmem:s2+$0x18400] =	vst v1;
	s2 =	sor.u32 $0x290, s10;
	v1 =	vmul.f32 $8.000000000e+00, v4  }
0x330: {  	s16 =	smov.u32 s17;
	s17 =	smov.u32 s7;
	v8 =	vld [tilespmem:s25+$0xFFFFE720];
	[tilespmem:s2+$0x18400] =	vst v0;
	s2 =	sor.u32 $0x2B0, s15;
	v0 =	vmul.f32 $8.000000000e+00, v3  }
0x331: {  	s7 =	smov.u32 s24;
	s11 =	simm.s32 $0x1;
	v9 =	vld [tilespmem:s24+$0xFFFFF380];
	[tilespmem:s2+$0x18400] =	vst v1;
	s2 =	sor.u32 $0x310, s13;
	v1 =	vmul.f32 $8.000000000e+00, v7  }
.Ltmp3:
0x332: {  	s11 =	simm.s32 @!p1 $0x0;
	v4 =	vld [tilespmem:s17+$0xFFFFF3A0];
	[tilespmem:s2+$0x18400] =	vst v0;
	s2 =	sor.u32 $0x330, s23;
	v0 =	vmul.f32 $8.000000000e+00, v6;
	(pc) =	sbr.rel @p2 .LBB2_9-.Ltmp3, $4  }
0x333: {  	s26 =	sadd.s32 $0x200, s26;
	s11 =	sshll.u32 s11, $0x6;
	v3 =	vld [tilespmem:s16+$0x0];
	[tilespmem:s2+$0x18400] =	vst v1;
	s2 =	sor.u32 $0x390, s1;
	v7 =	vmul.f32 $8.000000000e+00, v2  }
0x334: {  	s11 =	sadd.s32 s11, s26;
	s24 =	smov.u32 s25;
	v5 =	vmul.f32 $8.000000000e+00, v5;
	v2 =	vld [tilespmem:s14+$0x20];
	[tilespmem:s2+$0x18400] =	vst v0;
	s2 =	sor.u32 $0x3B0, s31  }
0x335: {  	s25 =	smov.u32 s9;
	s18 =	sor.u32 $0x200, s11;
	s31 =	smov.u32 s1;
	v6 =	vmul.f32 $8.000000000e+00, v8;
	v1 =	vld [tilespmem:s12+$0xC80];
	[tilespmem:s2+$0x18400] =	vst v7  }
0x336: {  	s20 =	sadd.s32 $0x40, s20;
	s1 =	smov.u32 s23;
	s2 =	sor.u32 $0x220, s8;
	[tilespmem:s18+$0x18400] =	vst v5;
	v5 =	vmul.f32 $8.000000000e+00, v9;
	v0 =	vld [tilespmem:s0+$0xCA0]  }
0x337: {  	v7 =	vld [tilespmem:s9+$0xFFFFE710];
	_ =	sdelay $0x4  }
0x338: {  	v7 =	vmul.f32 $8.000000000e+00, v7  }
0x339: {  	s26 =	sor.u32 $0x210, s11  }
0x33a: {  	[tilespmem:s26+$0x18400] =	vst v7  }
0x33b: {  	v7 =	vld [tilespmem:s25+$0xFFFFE720];
	_ =	sdelay $0x4  }
0x33c: {  	v7 =	vmul.f32 $8.000000000e+00, v7  }
0x33d: {  	[tilespmem:s2+$0x18400] =	vst v6;
	s18 =	sor.u32 $0x220, s11  }
0x33e: {  	v6 =	vld [tilespmem:s24+$0xFFFFE730];
	[tilespmem:s18+$0x18400] =	vst v7  }
0x33f: {  	v7 =	vld [tilespmem:s25+$0xFFFFE730];
	_ =	sdelay $0x3  }
0x340: {  	v6 =	vmul.f32 $8.000000000e+00, v6  }
0x341: {  	s20 =	sor.u32 $0x230, s8;
	v7 =	vmul.f32 $8.000000000e+00, v7  }
0x342: {  	s23 =	sor.u32 $0x230, s11;
	[tilespmem:s20+$0x18400] =	vst v6  }
0x343: {  	v6 =	vld [tilespmem:s24+$0xFFFFF380];
	[tilespmem:s23+$0x18400] =	vst v7  }
0x344: {  	v7 =	vld [tilespmem:s25+$0xFFFFF380];
	_ =	sdelay $0x3  }
0x345: {  	s26 =	sor.u32 $0x280, s6;
	v6 =	vmul.f32 $8.000000000e+00, v6  }
0x346: {  	s9 =	sor.u32 $0x280, s8;
	[tilespmem:s26+$0x18400] =	vst v5;
	v58 =	vmul.f32 $8.000000000e+00, v7  }
0x347: {  	v59 =	vld [tilespmem:s7+$0xFFFFF390];
	s18 =	sor.u32 $0x280, s11;
	[tilespmem:s9+$0x18400] =	vst v6  }
0x348: {  	v6 =	vld [tilespmem:s24+$0xFFFFF390];
	[tilespmem:s18+$0x18400] =	vst v58  }
0x349: {  	v5 =	vld [tilespmem:s25+$0xFFFFF390];
	_ =	sdelay $0x2  }
0x34a: {  	v7 =	vmul.f32 $8.000000000e+00, v59  }
0x34b: {  	s20 =	sor.u32 $0x290, s6;
	v6 =	vmul.f32 $8.000000000e+00, v6  }
0x34c: {  	s23 =	sor.u32 $0x290, s8;
	[tilespmem:s20+$0x18400] =	vst v7;
	v5 =	vmul.f32 $8.000000000e+00, v5  }
0x34d: {  	s26 =	sor.u32 $0x290, s11;
	[tilespmem:s23+$0x18400] =	vst v6;
	v7 =	vld [tilespmem:s7+$0xFFFFF3A0]  }
0x34e: {  	v6 =	vld [tilespmem:s24+$0xFFFFF3A0];
	[tilespmem:s26+$0x18400] =	vst v5  }
0x34f: {  	v5 =	vld [tilespmem:s25+$0xFFFFF3A0]  }
0x350: {  	v4 =	vmul.f32 $8.000000000e+00, v4  }
0x351: {  	s9 =	sor.u32 $0x2A0, s10  }
0x352: {  	[tilespmem:s9+$0x18400] =	vst v4;
	v7 =	vmul.f32 $8.000000000e+00, v7  }
0x353: {  	v61 =	vld [tilespmem:s17+$0xFFFFF3B0];
	v60 =	vmul.f32 $8.000000000e+00, v6;
	s18 =	sor.u32 $0x2A0, s6  }
0x354: {  	s20 =	sor.u32 $0x2A0, s8;
	[tilespmem:s18+$0x18400] =	vst v7;
	v5 =	vmul.f32 $8.000000000e+00, v5  }
0x355: {  	s23 =	sor.u32 $0x2A0, s11;
	[tilespmem:s20+$0x18400] =	vst v60;
	v7 =	vld [tilespmem:s7+$0xFFFFF3B0]  }
0x356: {  	v4 =	vld [tilespmem:s24+$0xFFFFF3B0];
	[tilespmem:s23+$0x18400] =	vst v5  }
0x357: {  	v5 =	vld [tilespmem:s25+$0xFFFFF3B0]  }
0x358: {  	v6 =	vmul.f32 $8.000000000e+00, v61  }
0x359: {  	s26 =	sor.u32 $0x2B0, s10  }
0x35a: {  	[tilespmem:s26+$0x18400] =	vst v6;
	v7 =	vmul.f32 $8.000000000e+00, v7  }
0x35b: {  	s9 =	sor.u32 $0x2B0, s6;
	v4 =	vmul.f32 $8.000000000e+00, v4;
	v6 =	vld [tilespmem:s17+$0x0]  }
0x35c: {  	s18 =	sor.u32 $0x2B0, s8;
	[tilespmem:s9+$0x18400] =	vst v7;
	v5 =	vmul.f32 $8.000000000e+00, v5  }
0x35d: {  	s20 =	sor.u32 $0x2B0, s11;
	[tilespmem:s18+$0x18400] =	vst v4;
	v7 =	vld [tilespmem:s7+$0x0]  }
0x35e: {  	v4 =	vld [tilespmem:s24+$0x0];
	[tilespmem:s20+$0x18400] =	vst v5  }
0x35f: {  	v5 =	vld [tilespmem:s25+$0x0]  }
0x360: {  	v6 =	vmul.f32 $8.000000000e+00, v6  }
0x361: {  	v3 =	vmul.f32 $8.000000000e+00, v3;
	s26 =	sor.u32 $0x300, s10  }
0x362: {  	s23 =	sor.u32 $0x300, s15;
	[tilespmem:s26+$0x18400] =	vst v6;
	v62 =	vmul.f32 $8.000000000e+00, v7  }
0x363: {  	v4 =	vmul.f32 $8.000000000e+00, v4;
	s9 =	sor.u32 $0x300, s6;
	[tilespmem:s23+$0x18400] =	vst v3;
	v6 =	vld [tilespmem:s17+$0x10]  }
0x364: {  	s18 =	sor.u32 $0x300, s8;
	v63 =	vld [tilespmem:s16+$0x10];
	[tilespmem:s9+$0x18400] =	vst v62;
	v8 =	vmul.f32 $8.000000000e+00, v5  }
0x365: {  	[tilespmem:s18+$0x18400] =	vst v4;
	s20 =	sor.u32 $0x300, s11;
	v9 =	vld [tilespmem:s7+$0x10]  }
0x366: {  	v4 =	vld [tilespmem:s24+$0x10];
	[tilespmem:s20+$0x18400] =	vst v8  }
0x367: {  	v3 =	vld [tilespmem:s25+$0x10]  }
0x368: {  	v6 =	vmul.f32 $8.000000000e+00, v6  }
0x369: {  	s26 =	sor.u32 $0x310, s10;
	v7 =	vmul.f32 $8.000000000e+00, v63  }
0x36a: {  	s23 =	sor.u32 $0x310, s15;
	[tilespmem:s26+$0x18400] =	vst v6;
	v5 =	vmul.f32 $8.000000000e+00, v9  }
0x36b: {  	v4 =	vmul.f32 $8.000000000e+00, v4;
	s9 =	sor.u32 $0x310, s6;
	[tilespmem:s23+$0x18400] =	vst v7;
	v6 =	vld [tilespmem:s17+$0x20]  }
0x36c: {  	s18 =	sor.u32 $0x310, s8;
	v7 =	vld [tilespmem:s16+$0x20];
	[tilespmem:s9+$0x18400] =	vst v5;
	v3 =	vmul.f32 $8.000000000e+00, v3  }
0x36d: {  	[tilespmem:s18+$0x18400] =	vst v4;
	s20 =	sor.u32 $0x310, s11;
	v5 =	vld [tilespmem:s7+$0x20]  }
0x36e: {  	v2 =	vmul.f32 $8.000000000e+00, v2;
	v4 =	vld [tilespmem:s24+$0x20];
	[tilespmem:s20+$0x18400] =	vst v3  }
0x36f: {  	s23 =	sor.u32 $0x320, s13;
	v3 =	vld [tilespmem:s25+$0x20]  }
0x370: {  	[tilespmem:s23+$0x18400] =	vst v2;
	v10 =	vmul.f32 $8.000000000e+00, v6  }
0x371: {  	v11 =	vld [tilespmem:s14+$0x30];
	v7 =	vmul.f32 $8.000000000e+00, v7;
	s9 =	sor.u32 $0x320, s10  }
0x372: {  	s26 =	sor.u32 $0x320, s15;
	[tilespmem:s9+$0x18400] =	vst v10;
	v5 =	vmul.f32 $8.000000000e+00, v5  }
0x373: {  	s18 =	sor.u32 $0x320, s6;
	v12 =	vmul.f32 $8.000000000e+00, v4;
	[tilespmem:s26+$0x18400] =	vst v7;
	v13 =	vld [tilespmem:s17+$0x30]  }
0x374: {  	v7 =	vld [tilespmem:s16+$0x30];
	[tilespmem:s18+$0x18400] =	vst v5;
	s20 =	sor.u32 $0x320, s8;
	v3 =	vmul.f32 $8.000000000e+00, v3  }
0x375: {  	s23 =	sor.u32 $0x320, s11;
	v5 =	vld [tilespmem:s7+$0x30];
	[tilespmem:s20+$0x18400] =	vst v12  }
0x376: {  	v14 =	vmul.f32 $8.000000000e+00, v11;
	v2 =	vld [tilespmem:s24+$0x30];
	[tilespmem:s23+$0x18400] =	vst v3  }
0x377: {  	s26 =	sor.u32 $0x330, s13;
	v15 =	vld [tilespmem:s25+$0x30]  }
0x378: {  	[tilespmem:s26+$0x18400] =	vst v14;
	v16 =	vmul.f32 $8.000000000e+00, v13  }
0x379: {  	v17 =	vld [tilespmem:s14+$0xC80];
	v7 =	vmul.f32 $8.000000000e+00, v7;
	s18 =	sor.u32 $0x330, s10  }
0x37a: {  	s9 =	sor.u32 $0x330, s15;
	[tilespmem:s18+$0x18400] =	vst v16;
	v5 =	vmul.f32 $8.000000000e+00, v5  }
0x37b: {  	[tilespmem:s9+$0x18400] =	vst v7;
	s20 =	sor.u32 $0x330, s6;
	v2 =	vmul.f32 $8.000000000e+00, v2;
	v3 =	vld [tilespmem:s17+$0xC80]  }
0x37c: {  	v7 =	vld [tilespmem:s16+$0xC80];
	[tilespmem:s20+$0x18400] =	vst v5;
	s23 =	sor.u32 $0x330, s8;
	v18 =	vmul.f32 $8.000000000e+00, v15  }
0x37d: {  	s26 =	sor.u32 $0x330, s11;
	v19 =	vld [tilespmem:s7+$0xC80];
	[tilespmem:s23+$0x18400] =	vst v2  }
0x37e: {  	v4 =	vmul.f32 $8.000000000e+00, v17;
	v2 =	vld [tilespmem:s24+$0xC80];
	[tilespmem:s26+$0x18400] =	vst v18  }
0x37f: {  	v1 =	vmul.f32 $8.000000000e+00, v1;
	s18 =	sor.u32 $0x380, s13;
	v5 =	vld [tilespmem:s25+$0xC80]  }
0x380: {  	s9 =	sor.u32 $0x380, s1;
	[tilespmem:s18+$0x18400] =	vst v4;
	v3 =	vmul.f32 $8.000000000e+00, v3  }
0x381: {  	[tilespmem:s9+$0x18400] =	vst v1;
	v4 =	vld [tilespmem:s14+$0xC90];
	v20 =	vmul.f32 $8.000000000e+00, v7;
	s23 =	sor.u32 $0x380, s10  }
0x382: {  	v21 =	vld [tilespmem:s12+$0xC90];
	s20 =	sor.u32 $0x380, s15;
	v22 =	vmul.f32 $8.000000000e+00, v19;
	[tilespmem:s23+$0x18400] =	vst v3  }
0x383: {  	[tilespmem:s20+$0x18400] =	vst v20;
	v2 =	vmul.f32 $8.000000000e+00, v2;
	s26 =	sor.u32 $0x380, s6;
	v3 =	vld [tilespmem:s17+$0xC90]  }
0x384: {  	s9 =	sor.u32 $0x380, s8;
	v23 =	vld [tilespmem:s16+$0xC90];
	[tilespmem:s26+$0x18400] =	vst v22;
	v24 =	vmul.f32 $8.000000000e+00, v5  }
0x385: {  	s18 =	sor.u32 $0x380, s11;
	[tilespmem:s9+$0x18400] =	vst v2;
	v25 =	vld [tilespmem:s7+$0xC90]  }
0x386: {  	v28 =	vmul.f32 $8.000000000e+00, v4;
	v27 =	vld [tilespmem:s24+$0xC90];
	[tilespmem:s18+$0x18400] =	vst v24  }
0x387: {  	v26 =	vmul.f32 $8.000000000e+00, v21;
	s23 =	sor.u32 $0x390, s13;
	v29 =	vld [tilespmem:s25+$0xC90]  }
0x388: {  	s20 =	sor.u32 $0x390, s1;
	[tilespmem:s23+$0x18400] =	vst v28;
	v32 =	vmul.f32 $8.000000000e+00, v3  }
0x389: {  	[tilespmem:s20+$0x18400] =	vst v26;
	v30 =	vmul.f32 $8.000000000e+00, v23;
	v33 =	vld [tilespmem:s14+$0xCA0];
	s9 =	sor.u32 $0x390, s10  }
0x38a: {  	v31 =	vld [tilespmem:s12+$0xCA0];
	s26 =	sor.u32 $0x390, s15;
	v34 =	vmul.f32 $8.000000000e+00, v25;
	[tilespmem:s9+$0x18400] =	vst v32  }
0x38b: {  	[tilespmem:s26+$0x18400] =	vst v30;
	v36 =	vmul.f32 $8.000000000e+00, v27;
	s18 =	sor.u32 $0x390, s6;
	v37 =	vld [tilespmem:s17+$0xCA0]  }
0x38c: {  	s20 =	sor.u32 $0x390, s8;
	v35 =	vld [tilespmem:s16+$0xCA0];
	[tilespmem:s18+$0x18400] =	vst v34;
	v38 =	vmul.f32 $8.000000000e+00, v29  }
0x38d: {  	v0 =	vmul.f32 $8.000000000e+00, v0;
	s23 =	sor.u32 $0x390, s11;
	[tilespmem:s20+$0x18400] =	vst v36;
	v39 =	vld [tilespmem:s7+$0xCA0]  }
0x38e: {  	s26 =	sor.u32 $0x3A0, s31;
	v42 =	vmul.f32 $8.000000000e+00, v33;
	v41 =	vld [tilespmem:s24+$0xCA0];
	[tilespmem:s23+$0x18400] =	vst v38  }
0x38f: {  	v40 =	vmul.f32 $8.000000000e+00, v31;
	[tilespmem:s26+$0x18400] =	vst v0;
	s20 =	sor.u32 $0x3A0, s13;
	v2 =	vld [tilespmem:s25+$0xCA0]  }
0x390: {  	v43 =	vld [tilespmem:s0+$0xCB0];
	s18 =	sor.u32 $0x3A0, s1;
	[tilespmem:s20+$0x18400] =	vst v42;
	v46 =	vmul.f32 $8.000000000e+00, v37  }
0x391: {  	s26 =	sor.u32 $0x3A0, s10;
	v44 =	vmul.f32 $8.000000000e+00, v35;
	[tilespmem:s18+$0x18400] =	vst v40;
	v47 =	vld [tilespmem:s14+$0xCB0]  }
0x392: {  	v45 =	vld [tilespmem:s12+$0xCB0];
	v48 =	vmul.f32 $8.000000000e+00, v39;
	[tilespmem:s26+$0x18400] =	vst v46;
	s23 =	sor.u32 $0x3A0, s15  }
0x393: {  	s2 =	sor.u32 $0x3A0, s6;
	v50 =	vmul.f32 $8.000000000e+00, v41;
	v51 =	vld [tilespmem:s17+$0xCB0];
	[tilespmem:s23+$0x18400] =	vst v44  }
0x394: {  	s9 =	sor.u32 $0x3A0, s8;
	[tilespmem:s2+$0x18400] =	vst v48;
	v49 =	vld [tilespmem:s16+$0xCB0];
	v52 =	vmul.f32 $8.000000000e+00, v2  }
0x395: {  	v53 =	vmul.f32 $8.000000000e+00, v43;
	s12 =	sor.u32 $0x3A0, s11;
	[tilespmem:s9+$0x18400] =	vst v50;
	v54 =	vld [tilespmem:s7+$0xCB0]  }
0x396: {  	s14 =	sor.u32 $0x3B0, s31;
	v57 =	vmul.f32 $8.000000000e+00, v47;
	v56 =	vld [tilespmem:s24+$0xCB0];
	[tilespmem:s12+$0x18400] =	vst v52  }
0x397: {  	[tilespmem:s14+$0x18400] =	vst v53;
	v55 =	vmul.f32 $8.000000000e+00, v45;
	s17 =	sor.u32 $0x3B0, s13;
	v58 =	vld [tilespmem:s25+$0xCB0]  }
0x398: {  	s16 =	sor.u32 $0x3B0, s1;
	[tilespmem:s17+$0x18400] =	vst v57;
	v60 =	vmul.f32 $8.000000000e+00, v51  }
0x399: {  	s20 =	sor.u32 $0x3B0, s10;
	[tilespmem:s16+$0x18400] =	vst v55;
	v59 =	vmul.f32 $8.000000000e+00, v49  }
0x39a: {  	s18 =	sor.u32 $0x3B0, s15;
	v61 =	vmul.f32 $8.000000000e+00, v54;
	[tilespmem:s20+$0x18400] =	vst v60  }
0x39b: {  	s23 =	sor.u32 $0x3B0, s6;
	v62 =	vmul.f32 $8.000000000e+00, v56;
	[tilespmem:s18+$0x18400] =	vst v59  }
0x39c: {  	s24 =	sor.u32 $0x3B0, s8;
	[tilespmem:s23+$0x18400] =	vst v61;
	v63 =	vmul.f32 $8.000000000e+00, v58  }
0x39d: {  	s28 =	sadd.s32 $0x1, s28;
	[tilespmem:s24+$0x18400] =	vst v62;
	s25 =	sor.u32 $0x3B0, s11  }
0x39e: {  	s0 =	simm.s32 @!p0 $0x64;
	s6 =	simm.s32 @!p0 $0x11C00;
	s1 =	sadd.s32 @!p0 $0x4000, s29;
	[tilespmem:s25+$0x18400] =	vst v63  }
0x39f: {  	[tilespmem:s6], [sflag:$0x4] =	stream.indirect.gather @!p0 [hbm4b:s4+s0], $0x80, s1, s0, $0xb8;
	[tilespmem:$0x1B800] =	vst v63  }
0x3a0: {  	p0 =	sne.s32 s28, $0x40  }
.Ltmp4:
0x3a1: {  	s26 =	sadd.s32 s3, s30;
	(pc) =	sbr.rel @p0 .LBB2_2-.Ltmp4, $3  }
0x3a2: {  	s2 =	smul.u32 $0x680, s26;
	_ =	sdelay $0x1  }
0x3a3: {  	s31 =	simm.s32 $0x18400;
	s30 =	simm.s32 $0x0;
	s29 =	sadd.s32 s5, s2  }
0x3a4: {  	[hbm4b:s29+s30] =	stream.linear.scatter [tilespmem:s31], [sflag:$0x6], $0x3400, $0x38;
	[tilespmem:$0x1B800] =	vst v63  }
0x3a5: {  	s0 =	simm.s32 $0x5  }
0x3a6: {  	_ =	swait.ge [sflag:s0], $0x3400  }
0x3a7: {  	[sflag:s0] =	ssyncset.done $0x0  }
0x3a8: {  	s1 =	simm.s32 $0x6;
	[sflag:s0] =	ssyncadd.s32 $0xFFFFCC00  }
0x3a9: {  	_ =	swait.ge [sflag:s1], $0x3400  }
0x3aa: {  	s2 =	rddreg [dreg:$0x6]  }
0x3ab: {  	s31 =	rddreg [dreg:$0x5];
	s2 =	sadd.s32 $0x1, s2  }
0x3ac: {  	p0 =	sne.s32 s2, s31  }
.Ltmp5:
0x3ad: {  	_ = 	snop;
	(pc) =	sbr.rel @p0 .LBB2_1-.Ltmp5, $3  }
0x3ae: {  	_ =	sdelay $0x1  }
0x3af: {  	[sflag:s1] =	ssyncset.done $0x0  }
0x3b0: {  	[sflag:s1] =	ssyncadd.s32 $0xFFFFCC00  }
0x3b1: {  	_ =	sfence.sel $0x180000  }
0x3b2: {  	[bflag:$0x0] =	sbarrier.arrive $0xFFFF  }
0x3b3: {  	_ =	strace $0x90000047  }
0x3b4: {  	s0 =	stileid.u32;
	[bflag:$0x2] =	sbarrier.arrive $0xFFFF  }
0x3b5: {  	p0 =	sne.s32 s0, $0x0;
	s0 =	rddreg [dreg:$0x2]  }
0x3b6: {  	s0 =	sadd.s32 @!p0 $0x100000, s0  }
0x3b7: {  	[sflag:s0] =	ssyncadd.tile.s32 @!p0 $0x1;
	_ =	shalt  }
.Lfunc_end2:
_tile_overlayer_lowered:
.L_overlay_start_2:
0x3b8: {  	(tag) =	ssettag $0x2  }
0x3b9: {  	s0 =	rddreg [dreg:$0x0];
	s2 =	stileid.u32  }
0x3ba: {  	s1 =	rddreg [dreg:$0x1];
	p0 =	sne.s32 s2, $0x0  }
0x3bb: {  	s3 =	rddreg [dreg:$0x2];
	[bflag:$0x3] =	sbarrier.arrive $0xFFFF;
	s2 =	simm.s32 @!p0 $0x1C07  }
0x3bc: {  	[timem:s3], [sflag:s2] =	dma.local @!p0 [hbm:s0], s1  }
0x3bd: {  	s0 =	simm.s32 @!p0 $0x7  }
0x3be: {  	_ =	swait.ge @!p0 [sflag:s0], s1  }
0x3bf: {  	s1 =	ssub.s32 @!p0 $0x0, s1;
	[sflag:s0] =	ssyncset.done @!p0 $0x0  }
0x3c0: {  	[sflag:s0] =	ssyncadd.s32 @!p0 s1  }
0x3c1: {  	[bflag:$0x3] =	sbarrier.arrive $0xFFFF  }
0x3c2: {  	_ =	shalt  }

</sc_bundles>
